<compile_context>
chip_gen: v7x
topology: tpu7x:2x2x1
jax: 0.10.2.dev20260603
libtpu: 0.0.44.dev20260713+nightly
codegen_flags: <defaults>
</compile_context>

<pallas_src>
import functools

import jax
import jax.numpy as jnp
from jax import lax
from jax.experimental import pallas as pl
from jax.experimental.pallas import tpu as pltpu
from jax.experimental.pallas import tpu_sc as plsc

VOCAB = 100000
D = 128
B = 16384
NPOS = 10
NNEG = 50

DW = D // 2

NC = 2
NS = 16
NW = NC * NS
CHUNK = B // NW
G = 8
NG = CHUNK // G
NR = NPOS + NNEG
L = 16

_NEG_CHUNKS = ((0, 400),)


def _log_sigmoid(x):
    t = jnp.exp(-jnp.abs(x))
    r = t / (t + 2.0)
    r2 = r * r
    p = 1.0 + r2 * (1.0 / 3.0 + r2 * (1.0 / 5.0 + r2 * (1.0 / 7.0 + r2 * (1.0 / 9.0))))
    return jnp.minimum(x, 0.0) - 2.0 * r * p


def _vtake(vec, idx):
    dnums = lax.GatherDimensionNumbers(
        offset_dims=(), collapsed_slice_dims=(0,), start_index_map=(0,))
    return lax.gather(vec, idx[:, None], dnums, (1,),
                      mode=lax.GatherScatterMode.PROMISE_IN_BOUNDS)


def _body(in_l, pos_l, neg_l, in_tab, out_tab, out,
          idx_in0, idx_p0, idx_n0, Ri0, Rall0,
          idx_in1, idx_p1, idx_n1, Ri1, Rall1,
          outbuf, semA, semB, semL):
    wid = lax.axis_index("s") * NC + lax.axis_index("c")
    bufs = ((idx_in0, idx_p0, idx_n0, Ri0, Rall0, semA),
            (idx_in1, idx_p1, idx_n1, Ri1, Rall1, semB))
    lanes = lax.iota(jnp.int32, L)
    sign0 = jnp.where(lanes < NPOS, 1.0, -1.0)
    mask0 = lanes < NPOS + 2

    def label_copies(g, p, mk):
        base = wid * CHUNK + g * G
        idx_in, idx_p, idx_n = bufs[p][:3]
        return [
            mk(in_l.at[pl.ds(base, G)], idx_in, semL),
            mk(pos_l.at[pl.ds(base * NPOS, G * NPOS)], idx_p, semL),
            mk(neg_l.at[pl.ds(base * NNEG, G * NNEG)], idx_n, semL),
        ]

    def row_copies(p, mk):
        idx_in, idx_p, idx_n, Ri, Rall, sem = bufs[p]
        descs = [
            mk(in_tab.at[idx_in], Ri, sem),
            mk(out_tab.at[idx_p], Rall.at[pl.ds(0, G * NPOS)], sem),
        ]
        for off, ln in _NEG_CHUNKS:
            descs.append(
                mk(out_tab.at[idx_n.at[pl.ds(off, ln)]],
                   Rall.at[pl.ds(G * NPOS + off, ln)], sem))
        return descs

    def compute(g, p):
        Ri_p = bufs[p][3]
        Rall_p = bufs[p][4]

        def elem(e, loss_vec):
            nbase = G * NPOS + e * NNEG
            rows = [jnp.where(lanes < NPOS, e * NPOS + lanes,
                              jnp.minimum(nbase + 38 + lanes, G * NR - 1))]
            rows += [nbase + k * L + lanes for k in range(3)]
            esplat = jnp.full((L,), e, jnp.int32)

            def chunk(kk, accs):
                cb = kk * L
                iek = plsc.load_gather(Ri_p, [esplat, cb + lanes])
                iek1 = plsc.load_gather(
                    Ri_p, [esplat, (cb + L + lanes) & (D - 1)])
                accs = list(accs)
                for j in range(L):
                    idxv = (lanes + j) & (L - 1)
                    sv = _vtake(iek, idxv)
                    if j:
                        sv = jnp.where(lanes < L - j, sv, _vtake(iek1, idxv))
                    dcol = (cb + j + lanes) & (D - 1)
                    for m in range(4):
                        accs[m] = (accs[m]
                                   + plsc.load_gather(Rall_p,
                                                      [rows[m], dcol]) * sv)
                return tuple(accs)

            zero = jnp.zeros((L,), jnp.float32)
            dots = lax.fori_loop(0, D // L, chunk, (zero,) * 4)

            acc = jnp.where(mask0, _log_sigmoid(dots[0] * sign0), 0.0)
            for k in range(1, 4):
                acc = acc + _log_sigmoid(-dots[k])
            loss = jnp.full((L,), -jnp.sum(acc), jnp.float32)
            return jnp.where(lanes == e, loss, loss_vec)

        loss_vec = lax.fori_loop(0, G, elem, jnp.zeros((L,), jnp.float32))
        plsc.store_scatter(outbuf, [g * G + lanes], loss_vec,
                           mask=lanes < G)

    def do_group(g, p):
        for desc in row_copies(p, pltpu.make_async_copy):
            desc.wait()

        @pl.when(g + 2 < NG)
        def _labels():
            label_copies(g + 2, p, pltpu.async_copy)

        compute(g, p)

        @pl.when(g + 2 < NG)
        def _streams():
            for desc in label_copies(g + 2, p, pltpu.make_async_copy):
                desc.wait()
            row_copies(p, pltpu.async_copy)

    for pp in (0, 1):
        for desc in label_copies(pp, pp, pltpu.async_copy):
            desc.wait()
        row_copies(pp, pltpu.async_copy)

    def pair(i, _):
        do_group(2 * i, 0)
        do_group(2 * i + 1, 1)
        return 0

    lax.fori_loop(0, NG // 2, pair, 0)
    pltpu.sync_copy(outbuf, out.at[pl.ds(wid * CHUNK, CHUNK)])


@functools.cache
def _sc_call():
    return functools.partial(
        pl.kernel,
        out_type=jax.ShapeDtypeStruct((B,), jnp.float32),
        mesh=plsc.VectorSubcoreMesh(core_axis_name="c", subcore_axis_name="s",
                                    num_cores=NC, num_subcores=NS),
        compiler_params=pltpu.CompilerParams(needs_layout_passes=False,
                                             use_tc_tiling_on_sc=False),
        scratch_types=(
            [pltpu.VMEM((G,), jnp.int32),
             pltpu.VMEM((G * NPOS,), jnp.int32),
             pltpu.VMEM((G * NNEG,), jnp.int32),
             pltpu.VMEM((G, D), jnp.float32),
             pltpu.VMEM((G * NR, D), jnp.float32),
             ] * 2
            + [pltpu.VMEM((CHUNK,), jnp.float32),
               pltpu.SemaphoreType.DMA,
               pltpu.SemaphoreType.DMA,
               pltpu.SemaphoreType.DMA]),
    )(_body)


def kernel(input_labels, positive_labels, negative_labels, input_table,
           output_table):
    pos_flat = positive_labels.reshape(-1)
    neg_flat = negative_labels.reshape(-1)
    return _sc_call()(input_labels, pos_flat, neg_flat, input_table,
                      output_table)

# --- scband reference (transcript-rebuilt; emitter-appended) ---
"""Pipeline reference for scband-embedding-model-24824910970904 (READ-ONLY COPY).

The authoritative reference and input builder live on the scoring server;
editing this copy changes nothing except your own understanding.
"""

import jax, jax.numpy as jnp
import numpy as np

VOCAB = 100000
EMBED = 128
BATCH = 16384
N_POS = 10
N_NEG = 50


def setup_inputs(seed: int = 0) -> dict:
    key = jax.random.key(seed)
    k1, k2, k3, k4, k5 = jax.random.split(key, 5)
    input_labels = jax.random.randint(k1, (BATCH,), 0, VOCAB, dtype=jnp.int64 if jax.config.read('jax_enable_x64') else jnp.int32).astype(jnp.int32)
    positive_labels = jax.random.randint(k2, (BATCH, N_POS), 0, VOCAB).astype(jnp.int32)
    negative_labels = jax.random.randint(k3, (BATCH, N_NEG), 0, VOCAB).astype(jnp.int32)
    input_table = jax.random.normal(k4, (VOCAB, EMBED), dtype=jnp.float32)
    output_table = jax.random.normal(k5, (VOCAB, EMBED), dtype=jnp.float32)
    return {
        'input_labels': input_labels,
        'positive_labels': positive_labels,
        'negative_labels': negative_labels,
        'input_table': input_table,
        'output_table': output_table,
    }


def reference(input_labels, positive_labels, negative_labels, input_table, output_table):
    # input_embed lookup: [B, D]
    input_embedding = jnp.take(input_table, input_labels, axis=0)
    # output_embed lookups: [B, P, D] and [B, N, D]
    positive_embedding = jnp.take(output_table, positive_labels, axis=0)
    negative_embedding = jnp.take(output_table, negative_labels, axis=0)
    # bmm(pos_emb [B,P,D], input_emb [B,D,1]) -> [B,P]
    positive_dot = jnp.einsum('bpd,bd->bp', positive_embedding, input_embedding)
    # bmm(neg_emb [B,N,D], -input_emb [B,D,1]) -> [B,N]
    negative_dot = jnp.einsum('bnd,bd->bn', negative_embedding, -input_embedding)
    log_positive = jnp.sum(jax.nn.log_sigmoid(positive_dot), axis=1)
    log_negative = jnp.sum(jax.nn.log_sigmoid(negative_dot), axis=1)
    loss = log_positive + log_negative
    return -loss

if __name__ == "__main__":
    import jax
    _d = setup_inputs()
    print(jax.jit(kernel)(*tuple(_d.values())))

</pallas_src>

<mosaic_0001>
#map = affine_map<(d0, d1) -> (0)>
#map1 = affine_map<(d0, d1) -> (0, 0)>
module attributes {stable_mosaic.version = 14 : i64} {
  func.func @_body(%arg0: i32, %arg1: i32, %arg2: memref<16384xi32, #tpu.memory_space<hbm>>, %arg3: memref<163840xi32, #tpu.memory_space<hbm>>, %arg4: memref<819200xi32, #tpu.memory_space<hbm>>, %arg5: memref<100000x128xf32, #tpu.memory_space<hbm>>, %arg6: memref<100000x128xf32, #tpu.memory_space<hbm>>, %arg7: memref<16384xf32, #tpu.memory_space<hbm>>, %arg8: memref<8xi32, #tpu.memory_space<vmem>>, %arg9: memref<80xi32, #tpu.memory_space<vmem>>, %arg10: memref<400xi32, #tpu.memory_space<vmem>>, %arg11: memref<8x128xf32, #tpu.memory_space<vmem>>, %arg12: memref<480x128xf32, #tpu.memory_space<vmem>>, %arg13: memref<8xi32, #tpu.memory_space<vmem>>, %arg14: memref<80xi32, #tpu.memory_space<vmem>>, %arg15: memref<400xi32, #tpu.memory_space<vmem>>, %arg16: memref<8x128xf32, #tpu.memory_space<vmem>>, %arg17: memref<480x128xf32, #tpu.memory_space<vmem>>, %arg18: memref<512xf32, #tpu.memory_space<vmem>>, %arg19: memref<!tpu.dma_semaphore, #tpu.memory_space<semaphore_mem>>, %arg20: memref<!tpu.dma_semaphore, #tpu.memory_space<semaphore_mem>>, %arg21: memref<!tpu.dma_semaphore, #tpu.memory_space<semaphore_mem>>) attributes {dimension_semantics = [#tpu.dimension_semantics<core_parallel>, #tpu.dimension_semantics<subcore_parallel>], iteration_bounds = array<i64: 2, 16>, scalar_prefetch = 0 : i64, scratch_operands = 14 : i64, tpu.core_type = #tpu.core_type<sc_vector_subcore>, window_params = [{transform_indices = #map}, {transform_indices = #map}, {transform_indices = #map}, {transform_indices = #map1}, {transform_indices = #map1}, {transform_indices = #map}]} {
    %mul3A = arith.constant 2 : i32
    %mul3A_0 = arith.muli %arg1, %mul3A : i32
    %add3A = arith.addi %mul3A_0, %arg0 : i32
    %iota3A = tpu.iota {dimensions = array<i32: 0>} : vector<16xi32>
    %lt3A = arith.constant 10 : i32
    %lt3A_1 = vector.broadcast %lt3A : i32 to vector<16xi32>
    %lt3A_2 = arith.cmpi slt, %iota3A, %lt3A_1 : vector<16xi32>
    %jit3A = arith.constant 1.000000e+00 : f32
    %jit3A_3 = arith.constant -1.000000e+00 : f32
    %broadcast_in_dim3A = vector.broadcast %jit3A : f32 to vector<16xf32>
    %broadcast_in_dim3A_4 = vector.broadcast %jit3A_3 : f32 to vector<16xf32>
    %select_n3A = arith.select %lt3A_2, %broadcast_in_dim3A, %broadcast_in_dim3A_4 : vector<16xi1>, vector<16xf32>
    %lt3A_5 = arith.constant 12 : i32
    %lt3A_6 = vector.broadcast %lt3A_5 : i32 to vector<16xi32>
    %lt3A_7 = arith.cmpi slt, %iota3A, %lt3A_6 : vector<16xi32>
    %mul3A_8 = arith.constant 512 : i32
    %mul3A_9 = arith.muli %add3A, %mul3A_8 : i32
    %add3A_10 = arith.constant 0 : i32
    %add3A_11 = arith.addi %mul3A_9, %add3A_10 : i32
    %dma_start3A = tpu.memref_slice %arg2[%add3A_11] : memref<16384xi32, #tpu.memory_space<hbm>> -> memref<8xi32, #tpu.memory_space<hbm>>
    %dma_start3A_12 = tpu.memref_slice %arg2[%add3A_11] : memref<16384xi32, #tpu.memory_space<hbm>> -> memref<8xi32, #tpu.memory_space<hbm>>
    tpu.enqueue_dma source(%dma_start3A_12 : memref<8xi32, #tpu.memory_space<hbm>>) target(%arg8 : memref<8xi32, #tpu.memory_space<vmem>>) target_semaphore(%arg21 : memref<!tpu.dma_semaphore, #tpu.memory_space<semaphore_mem>>)
    %mul3A_13 = arith.constant 10 : i32
    %mul3A_14 = arith.muli %add3A_11, %mul3A_13 : i32
    %dma_start3A_15 = tpu.memref_slice %arg3[%mul3A_14] : memref<163840xi32, #tpu.memory_space<hbm>> -> memref<80xi32, #tpu.memory_space<hbm>>
    %dma_start3A_16 = tpu.memref_slice %arg3[%mul3A_14] : memref<163840xi32, #tpu.memory_space<hbm>> -> memref<80xi32, #tpu.memory_space<hbm>>
    tpu.enqueue_dma source(%dma_start3A_16 : memref<80xi32, #tpu.memory_space<hbm>>) target(%arg9 : memref<80xi32, #tpu.memory_space<vmem>>) target_semaphore(%arg21 : memref<!tpu.dma_semaphore, #tpu.memory_space<semaphore_mem>>)
    %mul3A_17 = arith.constant 50 : i32
    %mul3A_18 = arith.muli %add3A_11, %mul3A_17 : i32
    %dma_start3A_19 = tpu.memref_slice %arg4[%mul3A_18] : memref<819200xi32, #tpu.memory_space<hbm>> -> memref<400xi32, #tpu.memory_space<hbm>>
    %dma_start3A_20 = tpu.memref_slice %arg4[%mul3A_18] : memref<819200xi32, #tpu.memory_space<hbm>> -> memref<400xi32, #tpu.memory_space<hbm>>
    tpu.enqueue_dma source(%dma_start3A_20 : memref<400xi32, #tpu.memory_space<hbm>>) target(%arg10 : memref<400xi32, #tpu.memory_space<vmem>>) target_semaphore(%arg21 : memref<!tpu.dma_semaphore, #tpu.memory_space<semaphore_mem>>)
    %dma_wait3A = tpu.memref_slice %arg2[%add3A_11] : memref<16384xi32, #tpu.memory_space<hbm>> -> memref<8xi32, #tpu.memory_space<hbm>>
    %dma_wait3A_21 = tpu.memref_slice %arg2[%add3A_11] : memref<16384xi32, #tpu.memory_space<hbm>> -> memref<8xi32, #tpu.memory_space<hbm>>
    tpu.wait_dma2 semaphore(%arg21 : memref<!tpu.dma_semaphore, #tpu.memory_space<semaphore_mem>>) src(%dma_wait3A_21 : memref<8xi32, #tpu.memory_space<hbm>>) dst(%arg8 : memref<8xi32, #tpu.memory_space<vmem>>)
    %dma_wait3A_22 = tpu.memref_slice %arg3[%mul3A_14] : memref<163840xi32, #tpu.memory_space<hbm>> -> memref<80xi32, #tpu.memory_space<hbm>>
    %dma_wait3A_23 = tpu.memref_slice %arg3[%mul3A_14] : memref<163840xi32, #tpu.memory_space<hbm>> -> memref<80xi32, #tpu.memory_space<hbm>>
    tpu.wait_dma2 semaphore(%arg21 : memref<!tpu.dma_semaphore, #tpu.memory_space<semaphore_mem>>) src(%dma_wait3A_23 : memref<80xi32, #tpu.memory_space<hbm>>) dst(%arg9 : memref<80xi32, #tpu.memory_space<vmem>>)
    %dma_wait3A_24 = tpu.memref_slice %arg4[%mul3A_18] : memref<819200xi32, #tpu.memory_space<hbm>> -> memref<400xi32, #tpu.memory_space<hbm>>
    %dma_wait3A_25 = tpu.memref_slice %arg4[%mul3A_18] : memref<819200xi32, #tpu.memory_space<hbm>> -> memref<400xi32, #tpu.memory_space<hbm>>
    tpu.wait_dma2 semaphore(%arg21 : memref<!tpu.dma_semaphore, #tpu.memory_space<semaphore_mem>>) src(%dma_wait3A_25 : memref<400xi32, #tpu.memory_space<hbm>>) dst(%arg10 : memref<400xi32, #tpu.memory_space<vmem>>)
    %dma_start3A_26 = arith.constant 0 : i32
    %dma_start3A_27 = arith.constant 0 : i32
    %dma_start3A_28 = tpu.memref_slice %arg5[%dma_start3A_26, %dma_start3A_27] : memref<100000x128xf32, #tpu.memory_space<hbm>> -> memref<100000x128xf32, #tpu.memory_space<hbm>>
    tpu.enqueue_indirect_dma source(%dma_start3A_28 : memref<100000x128xf32, #tpu.memory_space<hbm>>) target(%arg11 : memref<8x128xf32, #tpu.memory_space<vmem>>) offsets(%arg8 : memref<8xi32, #tpu.memory_space<vmem>>) semaphore(%arg19 : memref<!tpu.dma_semaphore, #tpu.memory_space<semaphore_mem>>)
    %dma_start3A_29 = arith.constant 0 : i32
    %dma_start3A_30 = arith.constant 0 : i32
    %dma_start3A_31 = tpu.memref_slice %arg12[%dma_start3A_29, %dma_start3A_30] : memref<480x128xf32, #tpu.memory_space<vmem>> -> memref<80x128xf32, #tpu.memory_space<vmem>>
    %dma_start3A_32 = arith.constant 0 : i32
    %dma_start3A_33 = arith.constant 0 : i32
    %dma_start3A_34 = tpu.memref_slice %arg6[%dma_start3A_32, %dma_start3A_33] : memref<100000x128xf32, #tpu.memory_space<hbm>> -> memref<100000x128xf32, #tpu.memory_space<hbm>>
    tpu.enqueue_indirect_dma source(%dma_start3A_34 : memref<100000x128xf32, #tpu.memory_space<hbm>>) target(%dma_start3A_31 : memref<80x128xf32, #tpu.memory_space<vmem>>) offsets(%arg9 : memref<80xi32, #tpu.memory_space<vmem>>) semaphore(%arg19 : memref<!tpu.dma_semaphore, #tpu.memory_space<semaphore_mem>>)
    %dma_start3A_35 = arith.constant 80 : i32
    %dma_start3A_36 = arith.constant 0 : i32
    %dma_start3A_37 = tpu.memref_slice %arg12[%dma_start3A_35, %dma_start3A_36] : memref<480x128xf32, #tpu.memory_space<vmem>> -> memref<400x128xf32, #tpu.memory_space<vmem>>
    %dma_start3A_38 = arith.constant 0 : i32
    %dma_start3A_39 = tpu.memref_slice %arg10[%dma_start3A_38] : memref<400xi32, #tpu.memory_space<vmem>> -> memref<400xi32, #tpu.memory_space<vmem>>
    %dma_start3A_40 = arith.constant 0 : i32
    %dma_start3A_41 = arith.constant 0 : i32
    %dma_start3A_42 = tpu.memref_slice %arg6[%dma_start3A_40, %dma_start3A_41] : memref<100000x128xf32, #tpu.memory_space<hbm>> -> memref<100000x128xf32, #tpu.memory_space<hbm>>
    tpu.enqueue_indirect_dma source(%dma_start3A_42 : memref<100000x128xf32, #tpu.memory_space<hbm>>) target(%dma_start3A_37 : memref<400x128xf32, #tpu.memory_space<vmem>>) offsets(%dma_start3A_39 : memref<400xi32, #tpu.memory_space<vmem>>) semaphore(%arg19 : memref<!tpu.dma_semaphore, #tpu.memory_space<semaphore_mem>>)
    %mul3A_43 = arith.constant 512 : i32
    %mul3A_44 = arith.muli %add3A, %mul3A_43 : i32
    %add3A_45 = arith.constant 8 : i32
    %add3A_46 = arith.addi %mul3A_44, %add3A_45 : i32
    %dma_start3A_47 = tpu.memref_slice %arg2[%add3A_46] : memref<16384xi32, #tpu.memory_space<hbm>> -> memref<8xi32, #tpu.memory_space<hbm>>
    %dma_start3A_48 = tpu.memref_slice %arg2[%add3A_46] : memref<16384xi32, #tpu.memory_space<hbm>> -> memref<8xi32, #tpu.memory_space<hbm>>
    tpu.enqueue_dma source(%dma_start3A_48 : memref<8xi32, #tpu.memory_space<hbm>>) target(%arg13 : memref<8xi32, #tpu.memory_space<vmem>>) target_semaphore(%arg21 : memref<!tpu.dma_semaphore, #tpu.memory_space<semaphore_mem>>)
    %mul3A_49 = arith.constant 10 : i32
    %mul3A_50 = arith.muli %add3A_46, %mul3A_49 : i32
    %dma_start3A_51 = tpu.memref_slice %arg3[%mul3A_50] : memref<163840xi32, #tpu.memory_space<hbm>> -> memref<80xi32, #tpu.memory_space<hbm>>
    %dma_start3A_52 = tpu.memref_slice %arg3[%mul3A_50] : memref<163840xi32, #tpu.memory_space<hbm>> -> memref<80xi32, #tpu.memory_space<hbm>>
    tpu.enqueue_dma source(%dma_start3A_52 : memref<80xi32, #tpu.memory_space<hbm>>) target(%arg14 : memref<80xi32, #tpu.memory_space<vmem>>) target_semaphore(%arg21 : memref<!tpu.dma_semaphore, #tpu.memory_space<semaphore_mem>>)
    %mul3A_53 = arith.constant 50 : i32
    %mul3A_54 = arith.muli %add3A_46, %mul3A_53 : i32
    %dma_start3A_55 = tpu.memref_slice %arg4[%mul3A_54] : memref<819200xi32, #tpu.memory_space<hbm>> -> memref<400xi32, #tpu.memory_space<hbm>>
    %dma_start3A_56 = tpu.memref_slice %arg4[%mul3A_54] : memref<819200xi32, #tpu.memory_space<hbm>> -> memref<400xi32, #tpu.memory_space<hbm>>
    tpu.enqueue_dma source(%dma_start3A_56 : memref<400xi32, #tpu.memory_space<hbm>>) target(%arg15 : memref<400xi32, #tpu.memory_space<vmem>>) target_semaphore(%arg21 : memref<!tpu.dma_semaphore, #tpu.memory_space<semaphore_mem>>)
    %dma_wait3A_57 = tpu.memref_slice %arg2[%add3A_46] : memref<16384xi32, #tpu.memory_space<hbm>> -> memref<8xi32, #tpu.memory_space<hbm>>
    %dma_wait3A_58 = tpu.memref_slice %arg2[%add3A_46] : memref<16384xi32, #tpu.memory_space<hbm>> -> memref<8xi32, #tpu.memory_space<hbm>>
    tpu.wait_dma2 semaphore(%arg21 : memref<!tpu.dma_semaphore, #tpu.memory_space<semaphore_mem>>) src(%dma_wait3A_58 : memref<8xi32, #tpu.memory_space<hbm>>) dst(%arg13 : memref<8xi32, #tpu.memory_space<vmem>>)
    %dma_wait3A_59 = tpu.memref_slice %arg3[%mul3A_50] : memref<163840xi32, #tpu.memory_space<hbm>> -> memref<80xi32, #tpu.memory_space<hbm>>
    %dma_wait3A_60 = tpu.memref_slice %arg3[%mul3A_50] : memref<163840xi32, #tpu.memory_space<hbm>> -> memref<80xi32, #tpu.memory_space<hbm>>
    tpu.wait_dma2 semaphore(%arg21 : memref<!tpu.dma_semaphore, #tpu.memory_space<semaphore_mem>>) src(%dma_wait3A_60 : memref<80xi32, #tpu.memory_space<hbm>>) dst(%arg14 : memref<80xi32, #tpu.memory_space<vmem>>)
    %dma_wait3A_61 = tpu.memref_slice %arg4[%mul3A_54] : memref<819200xi32, #tpu.memory_space<hbm>> -> memref<400xi32, #tpu.memory_space<hbm>>
    %dma_wait3A_62 = tpu.memref_slice %arg4[%mul3A_54] : memref<819200xi32, #tpu.memory_space<hbm>> -> memref<400xi32, #tpu.memory_space<hbm>>
    tpu.wait_dma2 semaphore(%arg21 : memref<!tpu.dma_semaphore, #tpu.memory_space<semaphore_mem>>) src(%dma_wait3A_62 : memref<400xi32, #tpu.memory_space<hbm>>) dst(%arg15 : memref<400xi32, #tpu.memory_space<vmem>>)
    %dma_start3A_63 = arith.constant 0 : i32
    %dma_start3A_64 = arith.constant 0 : i32
    %dma_start3A_65 = tpu.memref_slice %arg5[%dma_start3A_63, %dma_start3A_64] : memref<100000x128xf32, #tpu.memory_space<hbm>> -> memref<100000x128xf32, #tpu.memory_space<hbm>>
    tpu.enqueue_indirect_dma source(%dma_start3A_65 : memref<100000x128xf32, #tpu.memory_space<hbm>>) target(%arg16 : memref<8x128xf32, #tpu.memory_space<vmem>>) offsets(%arg13 : memref<8xi32, #tpu.memory_space<vmem>>) semaphore(%arg20 : memref<!tpu.dma_semaphore, #tpu.memory_space<semaphore_mem>>)
    %dma_start3A_66 = arith.constant 0 : i32
    %dma_start3A_67 = arith.constant 0 : i32
    %dma_start3A_68 = tpu.memref_slice %arg17[%dma_start3A_66, %dma_start3A_67] : memref<480x128xf32, #tpu.memory_space<vmem>> -> memref<80x128xf32, #tpu.memory_space<vmem>>
    %dma_start3A_69 = arith.constant 0 : i32
    %dma_start3A_70 = arith.constant 0 : i32
    %dma_start3A_71 = tpu.memref_slice %arg6[%dma_start3A_69, %dma_start3A_70] : memref<100000x128xf32, #tpu.memory_space<hbm>> -> memref<100000x128xf32, #tpu.memory_space<hbm>>
    tpu.enqueue_indirect_dma source(%dma_start3A_71 : memref<100000x128xf32, #tpu.memory_space<hbm>>) target(%dma_start3A_68 : memref<80x128xf32, #tpu.memory_space<vmem>>) offsets(%arg14 : memref<80xi32, #tpu.memory_space<vmem>>) semaphore(%arg20 : memref<!tpu.dma_semaphore, #tpu.memory_space<semaphore_mem>>)
    %dma_start3A_72 = arith.constant 80 : i32
    %dma_start3A_73 = arith.constant 0 : i32
    %dma_start3A_74 = tpu.memref_slice %arg17[%dma_start3A_72, %dma_start3A_73] : memref<480x128xf32, #tpu.memory_space<vmem>> -> memref<400x128xf32, #tpu.memory_space<vmem>>
    %dma_start3A_75 = arith.constant 0 : i32
    %dma_start3A_76 = tpu.memref_slice %arg15[%dma_start3A_75] : memref<400xi32, #tpu.memory_space<vmem>> -> memref<400xi32, #tpu.memory_space<vmem>>
    %dma_start3A_77 = arith.constant 0 : i32
    %dma_start3A_78 = arith.constant 0 : i32
    %dma_start3A_79 = tpu.memref_slice %arg6[%dma_start3A_77, %dma_start3A_78] : memref<100000x128xf32, #tpu.memory_space<hbm>> -> memref<100000x128xf32, #tpu.memory_space<hbm>>
    tpu.enqueue_indirect_dma source(%dma_start3A_79 : memref<100000x128xf32, #tpu.memory_space<hbm>>) target(%dma_start3A_74 : memref<400x128xf32, #tpu.memory_space<vmem>>) offsets(%dma_start3A_76 : memref<400xi32, #tpu.memory_space<vmem>>) semaphore(%arg20 : memref<!tpu.dma_semaphore, #tpu.memory_space<semaphore_mem>>)
    %scan3A = arith.constant 0 : i32
    %scan3A_80 = arith.constant 0 : i32
    %scan3A_81 = arith.constant 32 : i32
    %scan3A_82 = arith.addi %scan3A_80, %scan3A_81 : i32
    %scan3A_83 = arith.constant 1 : i32
    %scan3A_84 = scf.for %scan3A_88 = %scan3A_80 to %scan3A_82 step %scan3A_83 iter_args(%scan3A_89 = %scan3A) -> (i32)  : i32 {
      %mul3A_90 = arith.constant 2 : i32
      %mul3A_91 = arith.muli %mul3A_90, %scan3A_88 : i32
      %dma_wait3A_92 = arith.constant 0 : i32
      %dma_wait3A_93 = arith.constant 0 : i32
      %dma_wait3A_94 = tpu.memref_slice %arg5[%dma_wait3A_92, %dma_wait3A_93] : memref<100000x128xf32, #tpu.memory_space<hbm>> -> memref<100000x128xf32, #tpu.memory_space<hbm>>
      tpu.wait_indirect_dma semaphore(%arg19 : memref<!tpu.dma_semaphore, #tpu.memory_space<semaphore_mem>>) src(%dma_wait3A_94 : memref<100000x128xf32, #tpu.memory_space<hbm>>) dst(%arg11 : memref<8x128xf32, #tpu.memory_space<vmem>>)
      %dma_wait3A_95 = arith.constant 0 : i32
      %dma_wait3A_96 = arith.constant 0 : i32
      %dma_wait3A_97 = tpu.memref_slice %arg12[%dma_wait3A_95, %dma_wait3A_96] : memref<480x128xf32, #tpu.memory_space<vmem>> -> memref<80x128xf32, #tpu.memory_space<vmem>>
      %dma_wait3A_98 = arith.constant 0 : i32
      %dma_wait3A_99 = arith.constant 0 : i32
      %dma_wait3A_100 = tpu.memref_slice %arg6[%dma_wait3A_98, %dma_wait3A_99] : memref<100000x128xf32, #tpu.memory_space<hbm>> -> memref<100000x128xf32, #tpu.memory_space<hbm>>
      tpu.wait_indirect_dma semaphore(%arg19 : memref<!tpu.dma_semaphore, #tpu.memory_space<semaphore_mem>>) src(%dma_wait3A_100 : memref<100000x128xf32, #tpu.memory_space<hbm>>) dst(%dma_wait3A_97 : memref<80x128xf32, #tpu.memory_space<vmem>>)
      %dma_wait3A_101 = arith.constant 80 : i32
      %dma_wait3A_102 = arith.constant 0 : i32
      %dma_wait3A_103 = tpu.memref_slice %arg12[%dma_wait3A_101, %dma_wait3A_102] : memref<480x128xf32, #tpu.memory_space<vmem>> -> memref<400x128xf32, #tpu.memory_space<vmem>>
      %dma_wait3A_104 = arith.constant 0 : i32
      %dma_wait3A_105 = tpu.memref_slice %arg10[%dma_wait3A_104] : memref<400xi32, #tpu.memory_space<vmem>> -> memref<400xi32, #tpu.memory_space<vmem>>
      %dma_wait3A_106 = arith.constant 0 : i32
      %dma_wait3A_107 = arith.constant 0 : i32
      %dma_wait3A_108 = tpu.memref_slice %arg6[%dma_wait3A_106, %dma_wait3A_107] : memref<100000x128xf32, #tpu.memory_space<hbm>> -> memref<100000x128xf32, #tpu.memory_space<hbm>>
      tpu.wait_indirect_dma semaphore(%arg19 : memref<!tpu.dma_semaphore, #tpu.memory_space<semaphore_mem>>) src(%dma_wait3A_108 : memref<100000x128xf32, #tpu.memory_space<hbm>>) dst(%dma_wait3A_103 : memref<400x128xf32, #tpu.memory_space<vmem>>)
      %add3A_109 = arith.constant 2 : i32
      %add3A_110 = arith.addi %mul3A_91, %add3A_109 : i32
      %lt3A_111 = arith.constant 64 : i32
      %lt3A_112 = arith.cmpi slt, %add3A_110, %lt3A_111 : i32
      %convert_element_type3A = arith.extui %lt3A_112 : i1 to i32
      %cond3A = arith.constant 0 : i32
      %cond3A_113 = arith.cmpi ne, %convert_element_type3A, %cond3A : i32
      scf.if %cond3A_113 {
        %add3A_187 = arith.constant 2 : i32
        %add3A_188 = arith.addi %mul3A_91, %add3A_187 : i32
        %mul3A_189 = arith.constant 512 : i32
        %mul3A_190 = arith.muli %add3A, %mul3A_189 : i32
        %mul3A_191 = arith.constant 8 : i32
        %mul3A_192 = arith.muli %add3A_188, %mul3A_191 : i32
        %add3A_193 = arith.addi %mul3A_190, %mul3A_192 : i32
        %dma_start3A_194 = tpu.memref_slice %arg2[%add3A_193] : memref<16384xi32, #tpu.memory_space<hbm>> -> memref<8xi32, #tpu.memory_space<hbm>>
        %dma_start3A_195 = tpu.memref_slice %arg2[%add3A_193] : memref<16384xi32, #tpu.memory_space<hbm>> -> memref<8xi32, #tpu.memory_space<hbm>>
        tpu.enqueue_dma source(%dma_start3A_195 : memref<8xi32, #tpu.memory_space<hbm>>) target(%arg8 : memref<8xi32, #tpu.memory_space<vmem>>) target_semaphore(%arg21 : memref<!tpu.dma_semaphore, #tpu.memory_space<semaphore_mem>>)
        %mul3A_196 = arith.constant 10 : i32
        %mul3A_197 = arith.muli %add3A_193, %mul3A_196 : i32
        %dma_start3A_198 = tpu.memref_slice %arg3[%mul3A_197] : memref<163840xi32, #tpu.memory_space<hbm>> -> memref<80xi32, #tpu.memory_space<hbm>>
        %dma_start3A_199 = tpu.memref_slice %arg3[%mul3A_197] : memref<163840xi32, #tpu.memory_space<hbm>> -> memref<80xi32, #tpu.memory_space<hbm>>
        tpu.enqueue_dma source(%dma_start3A_199 : memref<80xi32, #tpu.memory_space<hbm>>) target(%arg9 : memref<80xi32, #tpu.memory_space<vmem>>) target_semaphore(%arg21 : memref<!tpu.dma_semaphore, #tpu.memory_space<semaphore_mem>>)
        %mul3A_200 = arith.constant 50 : i32
        %mul3A_201 = arith.muli %add3A_193, %mul3A_200 : i32
        %dma_start3A_202 = tpu.memref_slice %arg4[%mul3A_201] : memref<819200xi32, #tpu.memory_space<hbm>> -> memref<400xi32, #tpu.memory_space<hbm>>
        %dma_start3A_203 = tpu.memref_slice %arg4[%mul3A_201] : memref<819200xi32, #tpu.memory_space<hbm>> -> memref<400xi32, #tpu.memory_space<hbm>>
        tpu.enqueue_dma source(%dma_start3A_203 : memref<400xi32, #tpu.memory_space<hbm>>) target(%arg10 : memref<400xi32, #tpu.memory_space<vmem>>) target_semaphore(%arg21 : memref<!tpu.dma_semaphore, #tpu.memory_space<semaphore_mem>>)
      } else {
      }
      %broadcast_in_dim3A_114 = arith.constant 0.000000e+00 : f32
      %broadcast_in_dim3A_115 = vector.broadcast %broadcast_in_dim3A_114 : f32 to vector<16xf32>
      %scan3A_116 = arith.constant 0 : i32
      %scan3A_117 = arith.constant 8 : i32
      %scan3A_118 = arith.addi %scan3A_116, %scan3A_117 : i32
      %scan3A_119 = arith.constant 1 : i32
      %scan3A_120 = scf.for %scan3A_187 = %scan3A_116 to %scan3A_118 step %scan3A_119 iter_args(%scan3A_188 = %broadcast_in_dim3A_115) -> (vector<16xf32>)  : i32 {
        %mul3A_189 = arith.constant 50 : i32
        %mul3A_190 = arith.muli %scan3A_187, %mul3A_189 : i32
        %add3A_191 = arith.constant 80 : i32
        %add3A_192 = arith.addi %add3A_191, %mul3A_190 : i32
        %lt3A_193 = arith.constant 10 : i32
        %lt3A_194 = vector.broadcast %lt3A_193 : i32 to vector<16xi32>
        %lt3A_195 = arith.cmpi slt, %iota3A, %lt3A_194 : vector<16xi32>
        %mul3A_196 = arith.constant 10 : i32
        %mul3A_197 = arith.muli %scan3A_187, %mul3A_196 : i32
        %add3A_198 = vector.broadcast %mul3A_197 : i32 to vector<16xi32>
        %add3A_199 = arith.addi %add3A_198, %iota3A : vector<16xi32>
        %add3A_200 = arith.constant 38 : i32
        %add3A_201 = arith.addi %add3A_192, %add3A_200 : i32
        %add3A_202 = vector.broadcast %add3A_201 : i32 to vector<16xi32>
        %add3A_203 = arith.addi %add3A_202, %iota3A : vector<16xi32>
        %min3A = arith.constant 479 : i32
        %min3A_204 = vector.broadcast %min3A : i32 to vector<16xi32>
        %min3A_205 = arith.minsi %add3A_203, %min3A_204 : vector<16xi32>
        %select_n3A_206 = arith.select %lt3A_195, %add3A_199, %min3A_205 : vector<16xi1>, vector<16xi32>
        %add3A_207 = arith.constant 0 : i32
        %add3A_208 = arith.addi %add3A_192, %add3A_207 : i32
        %add3A_209 = vector.broadcast %add3A_208 : i32 to vector<16xi32>
        %add3A_210 = arith.addi %add3A_209, %iota3A : vector<16xi32>
        %add3A_211 = arith.constant 16 : i32
        %add3A_212 = arith.addi %add3A_192, %add3A_211 : i32
        %add3A_213 = vector.broadcast %add3A_212 : i32 to vector<16xi32>
        %add3A_214 = arith.addi %add3A_213, %iota3A : vector<16xi32>
        %add3A_215 = arith.constant 32 : i32
        %add3A_216 = arith.addi %add3A_192, %add3A_215 : i32
        %add3A_217 = vector.broadcast %add3A_216 : i32 to vector<16xi32>
        %add3A_218 = arith.addi %add3A_217, %iota3A : vector<16xi32>
        %broadcast_in_dim3A_219 = vector.broadcast %scan3A_187 : i32 to vector<16xi32>
        %broadcast_in_dim3A_220 = arith.constant 0.000000e+00 : f32
        %broadcast_in_dim3A_221 = vector.broadcast %broadcast_in_dim3A_220 : f32 to vector<16xf32>
        %scan3A_222 = arith.constant 0 : i32
        %scan3A_223 = arith.constant 8 : i32
        %scan3A_224 = arith.addi %scan3A_222, %scan3A_223 : i32
        %scan3A_225 = arith.constant 1 : i32
        %scan3A_226:4 = scf.for %scan3A_391 = %scan3A_222 to %scan3A_224 step %scan3A_225 iter_args(%scan3A_392 = %broadcast_in_dim3A_221, %scan3A_393 = %broadcast_in_dim3A_221, %scan3A_394 = %broadcast_in_dim3A_221, %scan3A_395 = %broadcast_in_dim3A_221) -> (vector<16xf32>, vector<16xf32>, vector<16xf32>, vector<16xf32>)  : i32 {
          %mul3A_396 = arith.constant 16 : i32
          %mul3A_397 = arith.muli %scan3A_391, %mul3A_396 : i32
          %add3A_398 = vector.broadcast %mul3A_397 : i32 to vector<16xi32>
          %add3A_399 = arith.addi %add3A_398, %iota3A : vector<16xi32>
          %gather3A = tpu.vector_load_idx %arg11[%broadcast_in_dim3A_219, %add3A_399] : memref<8x128xf32, #tpu.memory_space<vmem>>[vector<16xi32>, vector<16xi32>], vector<16xf32>,
          %add3A_400 = arith.constant 16 : i32
          %add3A_401 = arith.addi %mul3A_397, %add3A_400 : i32
          %add3A_402 = vector.broadcast %add3A_401 : i32 to vector<16xi32>
          %add3A_403 = arith.addi %add3A_402, %iota3A : vector<16xi32>
          %and3A = arith.constant 127 : i32
          %and3A_404 = vector.broadcast %and3A : i32 to vector<16xi32>
          %and3A_405 = arith.andi %add3A_403, %and3A_404 : vector<16xi32>
          %gather3A_406 = tpu.vector_load_idx %arg11[%broadcast_in_dim3A_219, %and3A_405] : memref<8x128xf32, #tpu.memory_space<vmem>>[vector<16xi32>, vector<16xi32>], vector<16xf32>,
          %add3A_407 = arith.constant 0 : i32
          %add3A_408 = vector.broadcast %add3A_407 : i32 to vector<16xi32>
          %add3A_409 = arith.addi %iota3A, %add3A_408 : vector<16xi32>
          %and3A_410 = arith.constant 15 : i32
          %and3A_411 = vector.broadcast %and3A_410 : i32 to vector<16xi32>
          %and3A_412 = arith.andi %add3A_409, %and3A_411 : vector<16xi32>
          %broadcast_in_dim3A_413 = vector.shape_cast %and3A_412 : vector<16xi32> to vector<16x1xi32>
          %gather3A_414 = vector.shape_cast %broadcast_in_dim3A_413 : vector<16x1xi32> to vector<16xi32>
          %gather3A_415 = tpu.dynamic_gather %gather3A[%gather3A_414] in [0] : vector<16xf32>, vector<16xi32> -> vector<16xf32>
          %add3A_416 = arith.constant 0 : i32
          %add3A_417 = arith.addi %mul3A_397, %add3A_416 : i32
          %add3A_418 = vector.broadcast %add3A_417 : i32 to vector<16xi32>
          %add3A_419 = arith.addi %add3A_418, %iota3A : vector<16xi32>
          %and3A_420 = arith.constant 127 : i32
          %and3A_421 = vector.broadcast %and3A_420 : i32 to vector<16xi32>
          %and3A_422 = arith.andi %add3A_419, %and3A_421 : vector<16xi32>
          %gather3A_423 = tpu.vector_load_idx %arg12[%select_n3A_206, %and3A_422] : memref<480x128xf32, #tpu.memory_space<vmem>>[vector<16xi32>, vector<16xi32>], vector<16xf32>,
          %mul3A_424 = arith.mulf %gather3A_423, %gather3A_415 : vector<16xf32>
          %add3A_425 = arith.addf %scan3A_392, %mul3A_424 : vector<16xf32>
          %gather3A_426 = tpu.vector_load_idx %arg12[%add3A_210, %and3A_422] : memref<480x128xf32, #tpu.memory_space<vmem>>[vector<16xi32>, vector<16xi32>], vector<16xf32>,
          %mul3A_427 = arith.mulf %gather3A_426, %gather3A_415 : vector<16xf32>
          %add3A_428 = arith.addf %scan3A_393, %mul3A_427 : vector<16xf32>
          %gather3A_429 = tpu.vector_load_idx %arg12[%add3A_214, %and3A_422] : memref<480x128xf32, #tpu.memory_space<vmem>>[vector<16xi32>, vector<16xi32>], vector<16xf32>,
          %mul3A_430 = arith.mulf %gather3A_429, %gather3A_415 : vector<16xf32>
          %add3A_431 = arith.addf %scan3A_394, %mul3A_430 : vector<16xf32>
          %gather3A_432 = tpu.vector_load_idx %arg12[%add3A_218, %and3A_422] : memref<480x128xf32, #tpu.memory_space<vmem>>[vector<16xi32>, vector<16xi32>], vector<16xf32>,
          %mul3A_433 = arith.mulf %gather3A_432, %gather3A_415 : vector<16xf32>
          %add3A_434 = arith.addf %scan3A_395, %mul3A_433 : vector<16xf32>
          %add3A_435 = arith.constant 1 : i32
          %add3A_436 = vector.broadcast %add3A_435 : i32 to vector<16xi32>
          %add3A_437 = arith.addi %iota3A, %add3A_436 : vector<16xi32>
          %and3A_438 = arith.constant 15 : i32
          %and3A_439 = vector.broadcast %and3A_438 : i32 to vector<16xi32>
          %and3A_440 = arith.andi %add3A_437, %and3A_439 : vector<16xi32>
          %broadcast_in_dim3A_441 = vector.shape_cast %and3A_440 : vector<16xi32> to vector<16x1xi32>
          %gather3A_442 = vector.shape_cast %broadcast_in_dim3A_441 : vector<16x1xi32> to vector<16xi32>
          %gather3A_443 = tpu.dynamic_gather %gather3A[%gather3A_442] in [0] : vector<16xf32>, vector<16xi32> -> vector<16xf32>
          %lt3A_444 = arith.constant 15 : i32
          %lt3A_445 = vector.broadcast %lt3A_444 : i32 to vector<16xi32>
          %lt3A_446 = arith.cmpi slt, %iota3A, %lt3A_445 : vector<16xi32>
          %broadcast_in_dim3A_447 = vector.shape_cast %and3A_440 : vector<16xi32> to vector<16x1xi32>
          %gather3A_448 = vector.shape_cast %broadcast_in_dim3A_447 : vector<16x1xi32> to vector<16xi32>
          %gather3A_449 = tpu.dynamic_gather %gather3A_406[%gather3A_448] in [0] : vector<16xf32>, vector<16xi32> -> vector<16xf32>
          %select_n3A_450 = arith.select %lt3A_446, %gather3A_443, %gather3A_449 : vector<16xi1>, vector<16xf32>
          %add3A_451 = arith.constant 1 : i32
          %add3A_452 = arith.addi %mul3A_397, %add3A_451 : i32
          %add3A_453 = vector.broadcast %add3A_452 : i32 to vector<16xi32>
          %add3A_454 = arith.addi %add3A_453, %iota3A : vector<16xi32>
          %and3A_455 = arith.constant 127 : i32
          %and3A_456 = vector.broadcast %and3A_455 : i32 to vector<16xi32>
          %and3A_457 = arith.andi %add3A_454, %and3A_456 : vector<16xi32>
          %gather3A_458 = tpu.vector_load_idx %arg12[%select_n3A_206, %and3A_457] : memref<480x128xf32, #tpu.memory_space<vmem>>[vector<16xi32>, vector<16xi32>], vector<16xf32>,
          %mul3A_459 = arith.mulf %gather3A_458, %select_n3A_450 : vector<16xf32>
          %add3A_460 = arith.addf %add3A_425, %mul3A_459 : vector<16xf32>
          %gather3A_461 = tpu.vector_load_idx %arg12[%add3A_210, %and3A_457] : memref<480x128xf32, #tpu.memory_space<vmem>>[vector<16xi32>, vector<16xi32>], vector<16xf32>,
          %mul3A_462 = arith.mulf %gather3A_461, %select_n3A_450 : vector<16xf32>
          %add3A_463 = arith.addf %add3A_428, %mul3A_462 : vector<16xf32>
          %gather3A_464 = tpu.vector_load_idx %arg12[%add3A_214, %and3A_457] : memref<480x128xf32, #tpu.memory_space<vmem>>[vector<16xi32>, vector<16xi32>], vector<16xf32>,
          %mul3A_465 = arith.mulf %gather3A_464, %select_n3A_450 : vector<16xf32>
          %add3A_466 = arith.addf %add3A_431, %mul3A_465 : vector<16xf32>
          %gather3A_467 = tpu.vector_load_idx %arg12[%add3A_218, %and3A_457] : memref<480x128xf32, #tpu.memory_space<vmem>>[vector<16xi32>, vector<16xi32>], vector<16xf32>,
          %mul3A_468 = arith.mulf %gather3A_467, %select_n3A_450 : vector<16xf32>
          %add3A_469 = arith.addf %add3A_434, %mul3A_468 : vector<16xf32>
          %add3A_470 = arith.constant 2 : i32
          %add3A_471 = vector.broadcast %add3A_470 : i32 to vector<16xi32>
          %add3A_472 = arith.addi %iota3A, %add3A_471 : vector<16xi32>
          %and3A_473 = arith.constant 15 : i32
          %and3A_474 = vector.broadcast %and3A_473 : i32 to vector<16xi32>
          %and3A_475 = arith.andi %add3A_472, %and3A_474 : vector<16xi32>
          %broadcast_in_dim3A_476 = vector.shape_cast %and3A_475 : vector<16xi32> to vector<16x1xi32>
          %gather3A_477 = vector.shape_cast %broadcast_in_dim3A_476 : vector<16x1xi32> to vector<16xi32>
          %gather3A_478 = tpu.dynamic_gather %gather3A[%gather3A_477] in [0] : vector<16xf32>, vector<16xi32> -> vector<16xf32>
          %lt3A_479 = arith.constant 14 : i32
          %lt3A_480 = vector.broadcast %lt3A_479 : i32 to vector<16xi32>
          %lt3A_481 = arith.cmpi slt, %iota3A, %lt3A_480 : vector<16xi32>
          %broadcast_in_dim3A_482 = vector.shape_cast %and3A_475 : vector<16xi32> to vector<16x1xi32>
          %gather3A_483 = vector.shape_cast %broadcast_in_dim3A_482 : vector<16x1xi32> to vector<16xi32>
          %gather3A_484 = tpu.dynamic_gather %gather3A_406[%gather3A_483] in [0] : vector<16xf32>, vector<16xi32> -> vector<16xf32>
          %select_n3A_485 = arith.select %lt3A_481, %gather3A_478, %gather3A_484 : vector<16xi1>, vector<16xf32>
          %add3A_486 = arith.constant 2 : i32
          %add3A_487 = arith.addi %mul3A_397, %add3A_486 : i32
          %add3A_488 = vector.broadcast %add3A_487 : i32 to vector<16xi32>
          %add3A_489 = arith.addi %add3A_488, %iota3A : vector<16xi32>
          %and3A_490 = arith.constant 127 : i32
          %and3A_491 = vector.broadcast %and3A_490 : i32 to vector<16xi32>
          %and3A_492 = arith.andi %add3A_489, %and3A_491 : vector<16xi32>
          %gather3A_493 = tpu.vector_load_idx %arg12[%select_n3A_206, %and3A_492] : memref<480x128xf32, #tpu.memory_space<vmem>>[vector<16xi32>, vector<16xi32>], vector<16xf32>,
          %mul3A_494 = arith.mulf %gather3A_493, %select_n3A_485 : vector<16xf32>
          %add3A_495 = arith.addf %add3A_460, %mul3A_494 : vector<16xf32>
          %gather3A_496 = tpu.vector_load_idx %arg12[%add3A_210, %and3A_492] : memref<480x128xf32, #tpu.memory_space<vmem>>[vector<16xi32>, vector<16xi32>], vector<16xf32>,
          %mul3A_497 = arith.mulf %gather3A_496, %select_n3A_485 : vector<16xf32>
          %add3A_498 = arith.addf %add3A_463, %mul3A_497 : vector<16xf32>
          %gather3A_499 = tpu.vector_load_idx %arg12[%add3A_214, %and3A_492] : memref<480x128xf32, #tpu.memory_space<vmem>>[vector<16xi32>, vector<16xi32>], vector<16xf32>,
          %mul3A_500 = arith.mulf %gather3A_499, %select_n3A_485 : vector<16xf32>
          %add3A_501 = arith.addf %add3A_466, %mul3A_500 : vector<16xf32>
          %gather3A_502 = tpu.vector_load_idx %arg12[%add3A_218, %and3A_492] : memref<480x128xf32, #tpu.memory_space<vmem>>[vector<16xi32>, vector<16xi32>], vector<16xf32>,
          %mul3A_503 = arith.mulf %gather3A_502, %select_n3A_485 : vector<16xf32>
          %add3A_504 = arith.addf %add3A_469, %mul3A_503 : vector<16xf32>
          %add3A_505 = arith.constant 3 : i32
          %add3A_506 = vector.broadcast %add3A_505 : i32 to vector<16xi32>
          %add3A_507 = arith.addi %iota3A, %add3A_506 : vector<16xi32>
          %and3A_508 = arith.constant 15 : i32
          %and3A_509 = vector.broadcast %and3A_508 : i32 to vector<16xi32>
          %and3A_510 = arith.andi %add3A_507, %and3A_509 : vector<16xi32>
          %broadcast_in_dim3A_511 = vector.shape_cast %and3A_510 : vector<16xi32> to vector<16x1xi32>
          %gather3A_512 = vector.shape_cast %broadcast_in_dim3A_511 : vector<16x1xi32> to vector<16xi32>
          %gather3A_513 = tpu.dynamic_gather %gather3A[%gather3A_512] in [0] : vector<16xf32>, vector<16xi32> -> vector<16xf32>
          %lt3A_514 = arith.constant 13 : i32
          %lt3A_515 = vector.broadcast %lt3A_514 : i32 to vector<16xi32>
          %lt3A_516 = arith.cmpi slt, %iota3A, %lt3A_515 : vector<16xi32>
          %broadcast_in_dim3A_517 = vector.shape_cast %and3A_510 : vector<16xi32> to vector<16x1xi32>
          %gather3A_518 = vector.shape_cast %broadcast_in_dim3A_517 : vector<16x1xi32> to vector<16xi32>
          %gather3A_519 = tpu.dynamic_gather %gather3A_406[%gather3A_518] in [0] : vector<16xf32>, vector<16xi32> -> vector<16xf32>
          %select_n3A_520 = arith.select %lt3A_516, %gather3A_513, %gather3A_519 : vector<16xi1>, vector<16xf32>
          %add3A_521 = arith.constant 3 : i32
          %add3A_522 = arith.addi %mul3A_397, %add3A_521 : i32
          %add3A_523 = vector.broadcast %add3A_522 : i32 to vector<16xi32>
          %add3A_524 = arith.addi %add3A_523, %iota3A : vector<16xi32>
          %and3A_525 = arith.constant 127 : i32
          %and3A_526 = vector.broadcast %and3A_525 : i32 to vector<16xi32>
          %and3A_527 = arith.andi %add3A_524, %and3A_526 : vector<16xi32>
          %gather3A_528 = tpu.vector_load_idx %arg12[%select_n3A_206, %and3A_527] : memref<480x128xf32, #tpu.memory_space<vmem>>[vector<16xi32>, vector<16xi32>], vector<16xf32>,
          %mul3A_529 = arith.mulf %gather3A_528, %select_n3A_520 : vector<16xf32>
          %add3A_530 = arith.addf %add3A_495, %mul3A_529 : vector<16xf32>
          %gather3A_531 = tpu.vector_load_idx %arg12[%add3A_210, %and3A_527] : memref<480x128xf32, #tpu.memory_space<vmem>>[vector<16xi32>, vector<16xi32>], vector<16xf32>,
          %mul3A_532 = arith.mulf %gather3A_531, %select_n3A_520 : vector<16xf32>
          %add3A_533 = arith.addf %add3A_498, %mul3A_532 : vector<16xf32>
          %gather3A_534 = tpu.vector_load_idx %arg12[%add3A_214, %and3A_527] : memref<480x128xf32, #tpu.memory_space<vmem>>[vector<16xi32>, vector<16xi32>], vector<16xf32>,
          %mul3A_535 = arith.mulf %gather3A_534, %select_n3A_520 : vector<16xf32>
          %add3A_536 = arith.addf %add3A_501, %mul3A_535 : vector<16xf32>
          %gather3A_537 = tpu.vector_load_idx %arg12[%add3A_218, %and3A_527] : memref<480x128xf32, #tpu.memory_space<vmem>>[vector<16xi32>, vector<16xi32>], vector<16xf32>,
          %mul3A_538 = arith.mulf %gather3A_537, %select_n3A_520 : vector<16xf32>
          %add3A_539 = arith.addf %add3A_504, %mul3A_538 : vector<16xf32>
          %add3A_540 = arith.constant 4 : i32
          %add3A_541 = vector.broadcast %add3A_540 : i32 to vector<16xi32>
          %add3A_542 = arith.addi %iota3A, %add3A_541 : vector<16xi32>
          %and3A_543 = arith.constant 15 : i32
          %and3A_544 = vector.broadcast %and3A_543 : i32 to vector<16xi32>
          %and3A_545 = arith.andi %add3A_542, %and3A_544 : vector<16xi32>
          %broadcast_in_dim3A_546 = vector.shape_cast %and3A_545 : vector<16xi32> to vector<16x1xi32>
          %gather3A_547 = vector.shape_cast %broadcast_in_dim3A_546 : vector<16x1xi32> to vector<16xi32>
          %gather3A_548 = tpu.dynamic_gather %gather3A[%gather3A_547] in [0] : vector<16xf32>, vector<16xi32> -> vector<16xf32>
          %lt3A_549 = arith.constant 12 : i32
          %lt3A_550 = vector.broadcast %lt3A_549 : i32 to vector<16xi32>
          %lt3A_551 = arith.cmpi slt, %iota3A, %lt3A_550 : vector<16xi32>
          %broadcast_in_dim3A_552 = vector.shape_cast %and3A_545 : vector<16xi32> to vector<16x1xi32>
          %gather3A_553 = vector.shape_cast %broadcast_in_dim3A_552 : vector<16x1xi32> to vector<16xi32>
          %gather3A_554 = tpu.dynamic_gather %gather3A_406[%gather3A_553] in [0] : vector<16xf32>, vector<16xi32> -> vector<16xf32>
          %select_n3A_555 = arith.select %lt3A_551, %gather3A_548, %gather3A_554 : vector<16xi1>, vector<16xf32>
          %add3A_556 = arith.constant 4 : i32
          %add3A_557 = arith.addi %mul3A_397, %add3A_556 : i32
          %add3A_558 = vector.broadcast %add3A_557 : i32 to vector<16xi32>
          %add3A_559 = arith.addi %add3A_558, %iota3A : vector<16xi32>
          %and3A_560 = arith.constant 127 : i32
          %and3A_561 = vector.broadcast %and3A_560 : i32 to vector<16xi32>
          %and3A_562 = arith.andi %add3A_559, %and3A_561 : vector<16xi32>
          %gather3A_563 = tpu.vector_load_idx %arg12[%select_n3A_206, %and3A_562] : memref<480x128xf32, #tpu.memory_space<vmem>>[vector<16xi32>, vector<16xi32>], vector<16xf32>,
          %mul3A_564 = arith.mulf %gather3A_563, %select_n3A_555 : vector<16xf32>
          %add3A_565 = arith.addf %add3A_530, %mul3A_564 : vector<16xf32>
          %gather3A_566 = tpu.vector_load_idx %arg12[%add3A_210, %and3A_562] : memref<480x128xf32, #tpu.memory_space<vmem>>[vector<16xi32>, vector<16xi32>], vector<16xf32>,
          %mul3A_567 = arith.mulf %gather3A_566, %select_n3A_555 : vector<16xf32>
          %add3A_568 = arith.addf %add3A_533, %mul3A_567 : vector<16xf32>
          %gather3A_569 = tpu.vector_load_idx %arg12[%add3A_214, %and3A_562] : memref<480x128xf32, #tpu.memory_space<vmem>>[vector<16xi32>, vector<16xi32>], vector<16xf32>,
          %mul3A_570 = arith.mulf %gather3A_569, %select_n3A_555 : vector<16xf32>
          %add3A_571 = arith.addf %add3A_536, %mul3A_570 : vector<16xf32>
          %gather3A_572 = tpu.vector_load_idx %arg12[%add3A_218, %and3A_562] : memref<480x128xf32, #tpu.memory_space<vmem>>[vector<16xi32>, vector<16xi32>], vector<16xf32>,
          %mul3A_573 = arith.mulf %gather3A_572, %select_n3A_555 : vector<16xf32>
          %add3A_574 = arith.addf %add3A_539, %mul3A_573 : vector<16xf32>
          %add3A_575 = arith.constant 5 : i32
          %add3A_576 = vector.broadcast %add3A_575 : i32 to vector<16xi32>
          %add3A_577 = arith.addi %iota3A, %add3A_576 : vector<16xi32>
          %and3A_578 = arith.constant 15 : i32
          %and3A_579 = vector.broadcast %and3A_578 : i32 to vector<16xi32>
          %and3A_580 = arith.andi %add3A_577, %and3A_579 : vector<16xi32>
          %broadcast_in_dim3A_581 = vector.shape_cast %and3A_580 : vector<16xi32> to vector<16x1xi32>
          %gather3A_582 = vector.shape_cast %broadcast_in_dim3A_581 : vector<16x1xi32> to vector<16xi32>
          %gather3A_583 = tpu.dynamic_gather %gather3A[%gather3A_582] in [0] : vector<16xf32>, vector<16xi32> -> vector<16xf32>
          %lt3A_584 = arith.constant 11 : i32
          %lt3A_585 = vector.broadcast %lt3A_584 : i32 to vector<16xi32>
          %lt3A_586 = arith.cmpi slt, %iota3A, %lt3A_585 : vector<16xi32>
          %broadcast_in_dim3A_587 = vector.shape_cast %and3A_580 : vector<16xi32> to vector<16x1xi32>
          %gather3A_588 = vector.shape_cast %broadcast_in_dim3A_587 : vector<16x1xi32> to vector<16xi32>
          %gather3A_589 = tpu.dynamic_gather %gather3A_406[%gather3A_588] in [0] : vector<16xf32>, vector<16xi32> -> vector<16xf32>
          %select_n3A_590 = arith.select %lt3A_586, %gather3A_583, %gather3A_589 : vector<16xi1>, vector<16xf32>
          %add3A_591 = arith.constant 5 : i32
          %add3A_592 = arith.addi %mul3A_397, %add3A_591 : i32
          %add3A_593 = vector.broadcast %add3A_592 : i32 to vector<16xi32>
          %add3A_594 = arith.addi %add3A_593, %iota3A : vector<16xi32>
          %and3A_595 = arith.constant 127 : i32
          %and3A_596 = vector.broadcast %and3A_595 : i32 to vector<16xi32>
          %and3A_597 = arith.andi %add3A_594, %and3A_596 : vector<16xi32>
          %gather3A_598 = tpu.vector_load_idx %arg12[%select_n3A_206, %and3A_597] : memref<480x128xf32, #tpu.memory_space<vmem>>[vector<16xi32>, vector<16xi32>], vector<16xf32>,
          %mul3A_599 = arith.mulf %gather3A_598, %select_n3A_590 : vector<16xf32>
          %add3A_600 = arith.addf %add3A_565, %mul3A_599 : vector<16xf32>
          %gather3A_601 = tpu.vector_load_idx %arg12[%add3A_210, %and3A_597] : memref<480x128xf32, #tpu.memory_space<vmem>>[vector<16xi32>, vector<16xi32>], vector<16xf32>,
          %mul3A_602 = arith.mulf %gather3A_601, %select_n3A_590 : vector<16xf32>
          %add3A_603 = arith.addf %add3A_568, %mul3A_602 : vector<16xf32>
          %gather3A_604 = tpu.vector_load_idx %arg12[%add3A_214, %and3A_597] : memref<480x128xf32, #tpu.memory_space<vmem>>[vector<16xi32>, vector<16xi32>], vector<16xf32>,
          %mul3A_605 = arith.mulf %gather3A_604, %select_n3A_590 : vector<16xf32>
          %add3A_606 = arith.addf %add3A_571, %mul3A_605 : vector<16xf32>
          %gather3A_607 = tpu.vector_load_idx %arg12[%add3A_218, %and3A_597] : memref<480x128xf32, #tpu.memory_space<vmem>>[vector<16xi32>, vector<16xi32>], vector<16xf32>,
          %mul3A_608 = arith.mulf %gather3A_607, %select_n3A_590 : vector<16xf32>
          %add3A_609 = arith.addf %add3A_574, %mul3A_608 : vector<16xf32>
          %add3A_610 = arith.constant 6 : i32
          %add3A_611 = vector.broadcast %add3A_610 : i32 to vector<16xi32>
          %add3A_612 = arith.addi %iota3A, %add3A_611 : vector<16xi32>
          %and3A_613 = arith.constant 15 : i32
          %and3A_614 = vector.broadcast %and3A_613 : i32 to vector<16xi32>
          %and3A_615 = arith.andi %add3A_612, %and3A_614 : vector<16xi32>
          %broadcast_in_dim3A_616 = vector.shape_cast %and3A_615 : vector<16xi32> to vector<16x1xi32>
          %gather3A_617 = vector.shape_cast %broadcast_in_dim3A_616 : vector<16x1xi32> to vector<16xi32>
          %gather3A_618 = tpu.dynamic_gather %gather3A[%gather3A_617] in [0] : vector<16xf32>, vector<16xi32> -> vector<16xf32>
          %lt3A_619 = arith.constant 10 : i32
          %lt3A_620 = vector.broadcast %lt3A_619 : i32 to vector<16xi32>
          %lt3A_621 = arith.cmpi slt, %iota3A, %lt3A_620 : vector<16xi32>
          %broadcast_in_dim3A_622 = vector.shape_cast %and3A_615 : vector<16xi32> to vector<16x1xi32>
          %gather3A_623 = vector.shape_cast %broadcast_in_dim3A_622 : vector<16x1xi32> to vector<16xi32>
          %gather3A_624 = tpu.dynamic_gather %gather3A_406[%gather3A_623] in [0] : vector<16xf32>, vector<16xi32> -> vector<16xf32>
          %select_n3A_625 = arith.select %lt3A_621, %gather3A_618, %gather3A_624 : vector<16xi1>, vector<16xf32>
          %add3A_626 = arith.constant 6 : i32
          %add3A_627 = arith.addi %mul3A_397, %add3A_626 : i32
          %add3A_628 = vector.broadcast %add3A_627 : i32 to vector<16xi32>
          %add3A_629 = arith.addi %add3A_628, %iota3A : vector<16xi32>
          %and3A_630 = arith.constant 127 : i32
          %and3A_631 = vector.broadcast %and3A_630 : i32 to vector<16xi32>
          %and3A_632 = arith.andi %add3A_629, %and3A_631 : vector<16xi32>
          %gather3A_633 = tpu.vector_load_idx %arg12[%select_n3A_206, %and3A_632] : memref<480x128xf32, #tpu.memory_space<vmem>>[vector<16xi32>, vector<16xi32>], vector<16xf32>,
          %mul3A_634 = arith.mulf %gather3A_633, %select_n3A_625 : vector<16xf32>
          %add3A_635 = arith.addf %add3A_600, %mul3A_634 : vector<16xf32>
          %gather3A_636 = tpu.vector_load_idx %arg12[%add3A_210, %and3A_632] : memref<480x128xf32, #tpu.memory_space<vmem>>[vector<16xi32>, vector<16xi32>], vector<16xf32>,
          %mul3A_637 = arith.mulf %gather3A_636, %select_n3A_625 : vector<16xf32>
          %add3A_638 = arith.addf %add3A_603, %mul3A_637 : vector<16xf32>
          %gather3A_639 = tpu.vector_load_idx %arg12[%add3A_214, %and3A_632] : memref<480x128xf32, #tpu.memory_space<vmem>>[vector<16xi32>, vector<16xi32>], vector<16xf32>,
          %mul3A_640 = arith.mulf %gather3A_639, %select_n3A_625 : vector<16xf32>
          %add3A_641 = arith.addf %add3A_606, %mul3A_640 : vector<16xf32>
          %gather3A_642 = tpu.vector_load_idx %arg12[%add3A_218, %and3A_632] : memref<480x128xf32, #tpu.memory_space<vmem>>[vector<16xi32>, vector<16xi32>], vector<16xf32>,
          %mul3A_643 = arith.mulf %gather3A_642, %select_n3A_625 : vector<16xf32>
          %add3A_644 = arith.addf %add3A_609, %mul3A_643 : vector<16xf32>
          %add3A_645 = arith.constant 7 : i32
          %add3A_646 = vector.broadcast %add3A_645 : i32 to vector<16xi32>
          %add3A_647 = arith.addi %iota3A, %add3A_646 : vector<16xi32>
          %and3A_648 = arith.constant 15 : i32
          %and3A_649 = vector.broadcast %and3A_648 : i32 to vector<16xi32>
          %and3A_650 = arith.andi %add3A_647, %and3A_649 : vector<16xi32>
          %broadcast_in_dim3A_651 = vector.shape_cast %and3A_650 : vector<16xi32> to vector<16x1xi32>
          %gather3A_652 = vector.shape_cast %broadcast_in_dim3A_651 : vector<16x1xi32> to vector<16xi32>
          %gather3A_653 = tpu.dynamic_gather %gather3A[%gather3A_652] in [0] : vector<16xf32>, vector<16xi32> -> vector<16xf32>
          %lt3A_654 = arith.constant 9 : i32
          %lt3A_655 = vector.broadcast %lt3A_654 : i32 to vector<16xi32>
          %lt3A_656 = arith.cmpi slt, %iota3A, %lt3A_655 : vector<16xi32>
          %broadcast_in_dim3A_657 = vector.shape_cast %and3A_650 : vector<16xi32> to vector<16x1xi32>
          %gather3A_658 = vector.shape_cast %broadcast_in_dim3A_657 : vector<16x1xi32> to vector<16xi32>
          %gather3A_659 = tpu.dynamic_gather %gather3A_406[%gather3A_658] in [0] : vector<16xf32>, vector<16xi32> -> vector<16xf32>
          %select_n3A_660 = arith.select %lt3A_656, %gather3A_653, %gather3A_659 : vector<16xi1>, vector<16xf32>
          %add3A_661 = arith.constant 7 : i32
          %add3A_662 = arith.addi %mul3A_397, %add3A_661 : i32
          %add3A_663 = vector.broadcast %add3A_662 : i32 to vector<16xi32>
          %add3A_664 = arith.addi %add3A_663, %iota3A : vector<16xi32>
          %and3A_665 = arith.constant 127 : i32
          %and3A_666 = vector.broadcast %and3A_665 : i32 to vector<16xi32>
          %and3A_667 = arith.andi %add3A_664, %and3A_666 : vector<16xi32>
          %gather3A_668 = tpu.vector_load_idx %arg12[%select_n3A_206, %and3A_667] : memref<480x128xf32, #tpu.memory_space<vmem>>[vector<16xi32>, vector<16xi32>], vector<16xf32>,
          %mul3A_669 = arith.mulf %gather3A_668, %select_n3A_660 : vector<16xf32>
          %add3A_670 = arith.addf %add3A_635, %mul3A_669 : vector<16xf32>
          %gather3A_671 = tpu.vector_load_idx %arg12[%add3A_210, %and3A_667] : memref<480x128xf32, #tpu.memory_space<vmem>>[vector<16xi32>, vector<16xi32>], vector<16xf32>,
          %mul3A_672 = arith.mulf %gather3A_671, %select_n3A_660 : vector<16xf32>
          %add3A_673 = arith.addf %add3A_638, %mul3A_672 : vector<16xf32>
          %gather3A_674 = tpu.vector_load_idx %arg12[%add3A_214, %and3A_667] : memref<480x128xf32, #tpu.memory_space<vmem>>[vector<16xi32>, vector<16xi32>], vector<16xf32>,
          %mul3A_675 = arith.mulf %gather3A_674, %select_n3A_660 : vector<16xf32>
          %add3A_676 = arith.addf %add3A_641, %mul3A_675 : vector<16xf32>
          %gather3A_677 = tpu.vector_load_idx %arg12[%add3A_218, %and3A_667] : memref<480x128xf32, #tpu.memory_space<vmem>>[vector<16xi32>, vector<16xi32>], vector<16xf32>,
          %mul3A_678 = arith.mulf %gather3A_677, %select_n3A_660 : vector<16xf32>
          %add3A_679 = arith.addf %add3A_644, %mul3A_678 : vector<16xf32>
          %add3A_680 = arith.constant 8 : i32
          %add3A_681 = vector.broadcast %add3A_680 : i32 to vector<16xi32>
          %add3A_682 = arith.addi %iota3A, %add3A_681 : vector<16xi32>
          %and3A_683 = arith.constant 15 : i32
          %and3A_684 = vector.broadcast %and3A_683 : i32 to vector<16xi32>
          %and3A_685 = arith.andi %add3A_682, %and3A_684 : vector<16xi32>
          %broadcast_in_dim3A_686 = vector.shape_cast %and3A_685 : vector<16xi32> to vector<16x1xi32>
          %gather3A_687 = vector.shape_cast %broadcast_in_dim3A_686 : vector<16x1xi32> to vector<16xi32>
          %gather3A_688 = tpu.dynamic_gather %gather3A[%gather3A_687] in [0] : vector<16xf32>, vector<16xi32> -> vector<16xf32>
          %lt3A_689 = arith.constant 8 : i32
          %lt3A_690 = vector.broadcast %lt3A_689 : i32 to vector<16xi32>
          %lt3A_691 = arith.cmpi slt, %iota3A, %lt3A_690 : vector<16xi32>
          %broadcast_in_dim3A_692 = vector.shape_cast %and3A_685 : vector<16xi32> to vector<16x1xi32>
          %gather3A_693 = vector.shape_cast %broadcast_in_dim3A_692 : vector<16x1xi32> to vector<16xi32>
          %gather3A_694 = tpu.dynamic_gather %gather3A_406[%gather3A_693] in [0] : vector<16xf32>, vector<16xi32> -> vector<16xf32>
          %select_n3A_695 = arith.select %lt3A_691, %gather3A_688, %gather3A_694 : vector<16xi1>, vector<16xf32>
          %add3A_696 = arith.constant 8 : i32
          %add3A_697 = arith.addi %mul3A_397, %add3A_696 : i32
          %add3A_698 = vector.broadcast %add3A_697 : i32 to vector<16xi32>
          %add3A_699 = arith.addi %add3A_698, %iota3A : vector<16xi32>
          %and3A_700 = arith.constant 127 : i32
          %and3A_701 = vector.broadcast %and3A_700 : i32 to vector<16xi32>
          %and3A_702 = arith.andi %add3A_699, %and3A_701 : vector<16xi32>
          %gather3A_703 = tpu.vector_load_idx %arg12[%select_n3A_206, %and3A_702] : memref<480x128xf32, #tpu.memory_space<vmem>>[vector<16xi32>, vector<16xi32>], vector<16xf32>,
          %mul3A_704 = arith.mulf %gather3A_703, %select_n3A_695 : vector<16xf32>
          %add3A_705 = arith.addf %add3A_670, %mul3A_704 : vector<16xf32>
          %gather3A_706 = tpu.vector_load_idx %arg12[%add3A_210, %and3A_702] : memref<480x128xf32, #tpu.memory_space<vmem>>[vector<16xi32>, vector<16xi32>], vector<16xf32>,
          %mul3A_707 = arith.mulf %gather3A_706, %select_n3A_695 : vector<16xf32>
          %add3A_708 = arith.addf %add3A_673, %mul3A_707 : vector<16xf32>
          %gather3A_709 = tpu.vector_load_idx %arg12[%add3A_214, %and3A_702] : memref<480x128xf32, #tpu.memory_space<vmem>>[vector<16xi32>, vector<16xi32>], vector<16xf32>,
          %mul3A_710 = arith.mulf %gather3A_709, %select_n3A_695 : vector<16xf32>
          %add3A_711 = arith.addf %add3A_676, %mul3A_710 : vector<16xf32>
          %gather3A_712 = tpu.vector_load_idx %arg12[%add3A_218, %and3A_702] : memref<480x128xf32, #tpu.memory_space<vmem>>[vector<16xi32>, vector<16xi32>], vector<16xf32>,
          %mul3A_713 = arith.mulf %gather3A_712, %select_n3A_695 : vector<16xf32>
          %add3A_714 = arith.addf %add3A_679, %mul3A_713 : vector<16xf32>
          %add3A_715 = arith.constant 9 : i32
          %add3A_716 = vector.broadcast %add3A_715 : i32 to vector<16xi32>
          %add3A_717 = arith.addi %iota3A, %add3A_716 : vector<16xi32>
          %and3A_718 = arith.constant 15 : i32
          %and3A_719 = vector.broadcast %and3A_718 : i32 to vector<16xi32>
          %and3A_720 = arith.andi %add3A_717, %and3A_719 : vector<16xi32>
          %broadcast_in_dim3A_721 = vector.shape_cast %and3A_720 : vector<16xi32> to vector<16x1xi32>
          %gather3A_722 = vector.shape_cast %broadcast_in_dim3A_721 : vector<16x1xi32> to vector<16xi32>
          %gather3A_723 = tpu.dynamic_gather %gather3A[%gather3A_722] in [0] : vector<16xf32>, vector<16xi32> -> vector<16xf32>
          %lt3A_724 = arith.constant 7 : i32
          %lt3A_725 = vector.broadcast %lt3A_724 : i32 to vector<16xi32>
          %lt3A_726 = arith.cmpi slt, %iota3A, %lt3A_725 : vector<16xi32>
          %broadcast_in_dim3A_727 = vector.shape_cast %and3A_720 : vector<16xi32> to vector<16x1xi32>
          %gather3A_728 = vector.shape_cast %broadcast_in_dim3A_727 : vector<16x1xi32> to vector<16xi32>
          %gather3A_729 = tpu.dynamic_gather %gather3A_406[%gather3A_728] in [0] : vector<16xf32>, vector<16xi32> -> vector<16xf32>
          %select_n3A_730 = arith.select %lt3A_726, %gather3A_723, %gather3A_729 : vector<16xi1>, vector<16xf32>
          %add3A_731 = arith.constant 9 : i32
          %add3A_732 = arith.addi %mul3A_397, %add3A_731 : i32
          %add3A_733 = vector.broadcast %add3A_732 : i32 to vector<16xi32>
          %add3A_734 = arith.addi %add3A_733, %iota3A : vector<16xi32>
          %and3A_735 = arith.constant 127 : i32
          %and3A_736 = vector.broadcast %and3A_735 : i32 to vector<16xi32>
          %and3A_737 = arith.andi %add3A_734, %and3A_736 : vector<16xi32>
          %gather3A_738 = tpu.vector_load_idx %arg12[%select_n3A_206, %and3A_737] : memref<480x128xf32, #tpu.memory_space<vmem>>[vector<16xi32>, vector<16xi32>], vector<16xf32>,
          %mul3A_739 = arith.mulf %gather3A_738, %select_n3A_730 : vector<16xf32>
          %add3A_740 = arith.addf %add3A_705, %mul3A_739 : vector<16xf32>
          %gather3A_741 = tpu.vector_load_idx %arg12[%add3A_210, %and3A_737] : memref<480x128xf32, #tpu.memory_space<vmem>>[vector<16xi32>, vector<16xi32>], vector<16xf32>,
          %mul3A_742 = arith.mulf %gather3A_741, %select_n3A_730 : vector<16xf32>
          %add3A_743 = arith.addf %add3A_708, %mul3A_742 : vector<16xf32>
          %gather3A_744 = tpu.vector_load_idx %arg12[%add3A_214, %and3A_737] : memref<480x128xf32, #tpu.memory_space<vmem>>[vector<16xi32>, vector<16xi32>], vector<16xf32>,
          %mul3A_745 = arith.mulf %gather3A_744, %select_n3A_730 : vector<16xf32>
          %add3A_746 = arith.addf %add3A_711, %mul3A_745 : vector<16xf32>
          %gather3A_747 = tpu.vector_load_idx %arg12[%add3A_218, %and3A_737] : memref<480x128xf32, #tpu.memory_space<vmem>>[vector<16xi32>, vector<16xi32>], vector<16xf32>,
          %mul3A_748 = arith.mulf %gather3A_747, %select_n3A_730 : vector<16xf32>
          %add3A_749 = arith.addf %add3A_714, %mul3A_748 : vector<16xf32>
          %add3A_750 = arith.constant 10 : i32
          %add3A_751 = vector.broadcast %add3A_750 : i32 to vector<16xi32>
          %add3A_752 = arith.addi %iota3A, %add3A_751 : vector<16xi32>
          %and3A_753 = arith.constant 15 : i32
          %and3A_754 = vector.broadcast %and3A_753 : i32 to vector<16xi32>
          %and3A_755 = arith.andi %add3A_752, %and3A_754 : vector<16xi32>
          %broadcast_in_dim3A_756 = vector.shape_cast %and3A_755 : vector<16xi32> to vector<16x1xi32>
          %gather3A_757 = vector.shape_cast %broadcast_in_dim3A_756 : vector<16x1xi32> to vector<16xi32>
          %gather3A_758 = tpu.dynamic_gather %gather3A[%gather3A_757] in [0] : vector<16xf32>, vector<16xi32> -> vector<16xf32>
          %lt3A_759 = arith.constant 6 : i32
          %lt3A_760 = vector.broadcast %lt3A_759 : i32 to vector<16xi32>
          %lt3A_761 = arith.cmpi slt, %iota3A, %lt3A_760 : vector<16xi32>
          %broadcast_in_dim3A_762 = vector.shape_cast %and3A_755 : vector<16xi32> to vector<16x1xi32>
          %gather3A_763 = vector.shape_cast %broadcast_in_dim3A_762 : vector<16x1xi32> to vector<16xi32>
          %gather3A_764 = tpu.dynamic_gather %gather3A_406[%gather3A_763] in [0] : vector<16xf32>, vector<16xi32> -> vector<16xf32>
          %select_n3A_765 = arith.select %lt3A_761, %gather3A_758, %gather3A_764 : vector<16xi1>, vector<16xf32>
          %add3A_766 = arith.constant 10 : i32
          %add3A_767 = arith.addi %mul3A_397, %add3A_766 : i32
          %add3A_768 = vector.broadcast %add3A_767 : i32 to vector<16xi32>
          %add3A_769 = arith.addi %add3A_768, %iota3A : vector<16xi32>
          %and3A_770 = arith.constant 127 : i32
          %and3A_771 = vector.broadcast %and3A_770 : i32 to vector<16xi32>
          %and3A_772 = arith.andi %add3A_769, %and3A_771 : vector<16xi32>
          %gather3A_773 = tpu.vector_load_idx %arg12[%select_n3A_206, %and3A_772] : memref<480x128xf32, #tpu.memory_space<vmem>>[vector<16xi32>, vector<16xi32>], vector<16xf32>,
          %mul3A_774 = arith.mulf %gather3A_773, %select_n3A_765 : vector<16xf32>
          %add3A_775 = arith.addf %add3A_740, %mul3A_774 : vector<16xf32>
          %gather3A_776 = tpu.vector_load_idx %arg12[%add3A_210, %and3A_772] : memref<480x128xf32, #tpu.memory_space<vmem>>[vector<16xi32>, vector<16xi32>], vector<16xf32>,
          %mul3A_777 = arith.mulf %gather3A_776, %select_n3A_765 : vector<16xf32>
          %add3A_778 = arith.addf %add3A_743, %mul3A_777 : vector<16xf32>
          %gather3A_779 = tpu.vector_load_idx %arg12[%add3A_214, %and3A_772] : memref<480x128xf32, #tpu.memory_space<vmem>>[vector<16xi32>, vector<16xi32>], vector<16xf32>,
          %mul3A_780 = arith.mulf %gather3A_779, %select_n3A_765 : vector<16xf32>
          %add3A_781 = arith.addf %add3A_746, %mul3A_780 : vector<16xf32>
          %gather3A_782 = tpu.vector_load_idx %arg12[%add3A_218, %and3A_772] : memref<480x128xf32, #tpu.memory_space<vmem>>[vector<16xi32>, vector<16xi32>], vector<16xf32>,
          %mul3A_783 = arith.mulf %gather3A_782, %select_n3A_765 : vector<16xf32>
          %add3A_784 = arith.addf %add3A_749, %mul3A_783 : vector<16xf32>
          %add3A_785 = arith.constant 11 : i32
          %add3A_786 = vector.broadcast %add3A_785 : i32 to vector<16xi32>
          %add3A_787 = arith.addi %iota3A, %add3A_786 : vector<16xi32>
          %and3A_788 = arith.constant 15 : i32
          %and3A_789 = vector.broadcast %and3A_788 : i32 to vector<16xi32>
          %and3A_790 = arith.andi %add3A_787, %and3A_789 : vector<16xi32>
          %broadcast_in_dim3A_791 = vector.shape_cast %and3A_790 : vector<16xi32> to vector<16x1xi32>
          %gather3A_792 = vector.shape_cast %broadcast_in_dim3A_791 : vector<16x1xi32> to vector<16xi32>
          %gather3A_793 = tpu.dynamic_gather %gather3A[%gather3A_792] in [0] : vector<16xf32>, vector<16xi32> -> vector<16xf32>
          %lt3A_794 = arith.constant 5 : i32
          %lt3A_795 = vector.broadcast %lt3A_794 : i32 to vector<16xi32>
          %lt3A_796 = arith.cmpi slt, %iota3A, %lt3A_795 : vector<16xi32>
          %broadcast_in_dim3A_797 = vector.shape_cast %and3A_790 : vector<16xi32> to vector<16x1xi32>
          %gather3A_798 = vector.shape_cast %broadcast_in_dim3A_797 : vector<16x1xi32> to vector<16xi32>
          %gather3A_799 = tpu.dynamic_gather %gather3A_406[%gather3A_798] in [0] : vector<16xf32>, vector<16xi32> -> vector<16xf32>
          %select_n3A_800 = arith.select %lt3A_796, %gather3A_793, %gather3A_799 : vector<16xi1>, vector<16xf32>
          %add3A_801 = arith.constant 11 : i32
          %add3A_802 = arith.addi %mul3A_397, %add3A_801 : i32
          %add3A_803 = vector.broadcast %add3A_802 : i32 to vector<16xi32>
          %add3A_804 = arith.addi %add3A_803, %iota3A : vector<16xi32>
          %and3A_805 = arith.constant 127 : i32
          %and3A_806 = vector.broadcast %and3A_805 : i32 to vector<16xi32>
          %and3A_807 = arith.andi %add3A_804, %and3A_806 : vector<16xi32>
          %gather3A_808 = tpu.vector_load_idx %arg12[%select_n3A_206, %and3A_807] : memref<480x128xf32, #tpu.memory_space<vmem>>[vector<16xi32>, vector<16xi32>], vector<16xf32>,
          %mul3A_809 = arith.mulf %gather3A_808, %select_n3A_800 : vector<16xf32>
          %add3A_810 = arith.addf %add3A_775, %mul3A_809 : vector<16xf32>
          %gather3A_811 = tpu.vector_load_idx %arg12[%add3A_210, %and3A_807] : memref<480x128xf32, #tpu.memory_space<vmem>>[vector<16xi32>, vector<16xi32>], vector<16xf32>,
          %mul3A_812 = arith.mulf %gather3A_811, %select_n3A_800 : vector<16xf32>
          %add3A_813 = arith.addf %add3A_778, %mul3A_812 : vector<16xf32>
          %gather3A_814 = tpu.vector_load_idx %arg12[%add3A_214, %and3A_807] : memref<480x128xf32, #tpu.memory_space<vmem>>[vector<16xi32>, vector<16xi32>], vector<16xf32>,
          %mul3A_815 = arith.mulf %gather3A_814, %select_n3A_800 : vector<16xf32>
          %add3A_816 = arith.addf %add3A_781, %mul3A_815 : vector<16xf32>
          %gather3A_817 = tpu.vector_load_idx %arg12[%add3A_218, %and3A_807] : memref<480x128xf32, #tpu.memory_space<vmem>>[vector<16xi32>, vector<16xi32>], vector<16xf32>,
          %mul3A_818 = arith.mulf %gather3A_817, %select_n3A_800 : vector<16xf32>
          %add3A_819 = arith.addf %add3A_784, %mul3A_818 : vector<16xf32>
          %add3A_820 = arith.constant 12 : i32
          %add3A_821 = vector.broadcast %add3A_820 : i32 to vector<16xi32>
          %add3A_822 = arith.addi %iota3A, %add3A_821 : vector<16xi32>
          %and3A_823 = arith.constant 15 : i32
          %and3A_824 = vector.broadcast %and3A_823 : i32 to vector<16xi32>
          %and3A_825 = arith.andi %add3A_822, %and3A_824 : vector<16xi32>
          %broadcast_in_dim3A_826 = vector.shape_cast %and3A_825 : vector<16xi32> to vector<16x1xi32>
          %gather3A_827 = vector.shape_cast %broadcast_in_dim3A_826 : vector<16x1xi32> to vector<16xi32>
          %gather3A_828 = tpu.dynamic_gather %gather3A[%gather3A_827] in [0] : vector<16xf32>, vector<16xi32> -> vector<16xf32>
          %lt3A_829 = arith.constant 4 : i32
          %lt3A_830 = vector.broadcast %lt3A_829 : i32 to vector<16xi32>
          %lt3A_831 = arith.cmpi slt, %iota3A, %lt3A_830 : vector<16xi32>
          %broadcast_in_dim3A_832 = vector.shape_cast %and3A_825 : vector<16xi32> to vector<16x1xi32>
          %gather3A_833 = vector.shape_cast %broadcast_in_dim3A_832 : vector<16x1xi32> to vector<16xi32>
          %gather3A_834 = tpu.dynamic_gather %gather3A_406[%gather3A_833] in [0] : vector<16xf32>, vector<16xi32> -> vector<16xf32>
          %select_n3A_835 = arith.select %lt3A_831, %gather3A_828, %gather3A_834 : vector<16xi1>, vector<16xf32>
          %add3A_836 = arith.constant 12 : i32
          %add3A_837 = arith.addi %mul3A_397, %add3A_836 : i32
          %add3A_838 = vector.broadcast %add3A_837 : i32 to vector<16xi32>
          %add3A_839 = arith.addi %add3A_838, %iota3A : vector<16xi32>
          %and3A_840 = arith.constant 127 : i32
          %and3A_841 = vector.broadcast %and3A_840 : i32 to vector<16xi32>
          %and3A_842 = arith.andi %add3A_839, %and3A_841 : vector<16xi32>
          %gather3A_843 = tpu.vector_load_idx %arg12[%select_n3A_206, %and3A_842] : memref<480x128xf32, #tpu.memory_space<vmem>>[vector<16xi32>, vector<16xi32>], vector<16xf32>,
          %mul3A_844 = arith.mulf %gather3A_843, %select_n3A_835 : vector<16xf32>
          %add3A_845 = arith.addf %add3A_810, %mul3A_844 : vector<16xf32>
          %gather3A_846 = tpu.vector_load_idx %arg12[%add3A_210, %and3A_842] : memref<480x128xf32, #tpu.memory_space<vmem>>[vector<16xi32>, vector<16xi32>], vector<16xf32>,
          %mul3A_847 = arith.mulf %gather3A_846, %select_n3A_835 : vector<16xf32>
          %add3A_848 = arith.addf %add3A_813, %mul3A_847 : vector<16xf32>
          %gather3A_849 = tpu.vector_load_idx %arg12[%add3A_214, %and3A_842] : memref<480x128xf32, #tpu.memory_space<vmem>>[vector<16xi32>, vector<16xi32>], vector<16xf32>,
          %mul3A_850 = arith.mulf %gather3A_849, %select_n3A_835 : vector<16xf32>
          %add3A_851 = arith.addf %add3A_816, %mul3A_850 : vector<16xf32>
          %gather3A_852 = tpu.vector_load_idx %arg12[%add3A_218, %and3A_842] : memref<480x128xf32, #tpu.memory_space<vmem>>[vector<16xi32>, vector<16xi32>], vector<16xf32>,
          %mul3A_853 = arith.mulf %gather3A_852, %select_n3A_835 : vector<16xf32>
          %add3A_854 = arith.addf %add3A_819, %mul3A_853 : vector<16xf32>
          %add3A_855 = arith.constant 13 : i32
          %add3A_856 = vector.broadcast %add3A_855 : i32 to vector<16xi32>
          %add3A_857 = arith.addi %iota3A, %add3A_856 : vector<16xi32>
          %and3A_858 = arith.constant 15 : i32
          %and3A_859 = vector.broadcast %and3A_858 : i32 to vector<16xi32>
          %and3A_860 = arith.andi %add3A_857, %and3A_859 : vector<16xi32>
          %broadcast_in_dim3A_861 = vector.shape_cast %and3A_860 : vector<16xi32> to vector<16x1xi32>
          %gather3A_862 = vector.shape_cast %broadcast_in_dim3A_861 : vector<16x1xi32> to vector<16xi32>
          %gather3A_863 = tpu.dynamic_gather %gather3A[%gather3A_862] in [0] : vector<16xf32>, vector<16xi32> -> vector<16xf32>
          %lt3A_864 = arith.constant 3 : i32
          %lt3A_865 = vector.broadcast %lt3A_864 : i32 to vector<16xi32>
          %lt3A_866 = arith.cmpi slt, %iota3A, %lt3A_865 : vector<16xi32>
          %broadcast_in_dim3A_867 = vector.shape_cast %and3A_860 : vector<16xi32> to vector<16x1xi32>
          %gather3A_868 = vector.shape_cast %broadcast_in_dim3A_867 : vector<16x1xi32> to vector<16xi32>
          %gather3A_869 = tpu.dynamic_gather %gather3A_406[%gather3A_868] in [0] : vector<16xf32>, vector<16xi32> -> vector<16xf32>
          %select_n3A_870 = arith.select %lt3A_866, %gather3A_863, %gather3A_869 : vector<16xi1>, vector<16xf32>
          %add3A_871 = arith.constant 13 : i32
          %add3A_872 = arith.addi %mul3A_397, %add3A_871 : i32
          %add3A_873 = vector.broadcast %add3A_872 : i32 to vector<16xi32>
          %add3A_874 = arith.addi %add3A_873, %iota3A : vector<16xi32>
          %and3A_875 = arith.constant 127 : i32
          %and3A_876 = vector.broadcast %and3A_875 : i32 to vector<16xi32>
          %and3A_877 = arith.andi %add3A_874, %and3A_876 : vector<16xi32>
          %gather3A_878 = tpu.vector_load_idx %arg12[%select_n3A_206, %and3A_877] : memref<480x128xf32, #tpu.memory_space<vmem>>[vector<16xi32>, vector<16xi32>], vector<16xf32>,
          %mul3A_879 = arith.mulf %gather3A_878, %select_n3A_870 : vector<16xf32>
          %add3A_880 = arith.addf %add3A_845, %mul3A_879 : vector<16xf32>
          %gather3A_881 = tpu.vector_load_idx %arg12[%add3A_210, %and3A_877] : memref<480x128xf32, #tpu.memory_space<vmem>>[vector<16xi32>, vector<16xi32>], vector<16xf32>,
          %mul3A_882 = arith.mulf %gather3A_881, %select_n3A_870 : vector<16xf32>
          %add3A_883 = arith.addf %add3A_848, %mul3A_882 : vector<16xf32>
          %gather3A_884 = tpu.vector_load_idx %arg12[%add3A_214, %and3A_877] : memref<480x128xf32, #tpu.memory_space<vmem>>[vector<16xi32>, vector<16xi32>], vector<16xf32>,
          %mul3A_885 = arith.mulf %gather3A_884, %select_n3A_870 : vector<16xf32>
          %add3A_886 = arith.addf %add3A_851, %mul3A_885 : vector<16xf32>
          %gather3A_887 = tpu.vector_load_idx %arg12[%add3A_218, %and3A_877] : memref<480x128xf32, #tpu.memory_space<vmem>>[vector<16xi32>, vector<16xi32>], vector<16xf32>,
          %mul3A_888 = arith.mulf %gather3A_887, %select_n3A_870 : vector<16xf32>
          %add3A_889 = arith.addf %add3A_854, %mul3A_888 : vector<16xf32>
          %add3A_890 = arith.constant 14 : i32
          %add3A_891 = vector.broadcast %add3A_890 : i32 to vector<16xi32>
          %add3A_892 = arith.addi %iota3A, %add3A_891 : vector<16xi32>
          %and3A_893 = arith.constant 15 : i32
          %and3A_894 = vector.broadcast %and3A_893 : i32 to vector<16xi32>
          %and3A_895 = arith.andi %add3A_892, %and3A_894 : vector<16xi32>
          %broadcast_in_dim3A_896 = vector.shape_cast %and3A_895 : vector<16xi32> to vector<16x1xi32>
          %gather3A_897 = vector.shape_cast %broadcast_in_dim3A_896 : vector<16x1xi32> to vector<16xi32>
          %gather3A_898 = tpu.dynamic_gather %gather3A[%gather3A_897] in [0] : vector<16xf32>, vector<16xi32> -> vector<16xf32>
          %lt3A_899 = arith.constant 2 : i32
          %lt3A_900 = vector.broadcast %lt3A_899 : i32 to vector<16xi32>
          %lt3A_901 = arith.cmpi slt, %iota3A, %lt3A_900 : vector<16xi32>
          %broadcast_in_dim3A_902 = vector.shape_cast %and3A_895 : vector<16xi32> to vector<16x1xi32>
          %gather3A_903 = vector.shape_cast %broadcast_in_dim3A_902 : vector<16x1xi32> to vector<16xi32>
          %gather3A_904 = tpu.dynamic_gather %gather3A_406[%gather3A_903] in [0] : vector<16xf32>, vector<16xi32> -> vector<16xf32>
          %select_n3A_905 = arith.select %lt3A_901, %gather3A_898, %gather3A_904 : vector<16xi1>, vector<16xf32>
          %add3A_906 = arith.constant 14 : i32
          %add3A_907 = arith.addi %mul3A_397, %add3A_906 : i32
          %add3A_908 = vector.broadcast %add3A_907 : i32 to vector<16xi32>
          %add3A_909 = arith.addi %add3A_908, %iota3A : vector<16xi32>
          %and3A_910 = arith.constant 127 : i32
          %and3A_911 = vector.broadcast %and3A_910 : i32 to vector<16xi32>
          %and3A_912 = arith.andi %add3A_909, %and3A_911 : vector<16xi32>
          %gather3A_913 = tpu.vector_load_idx %arg12[%select_n3A_206, %and3A_912] : memref<480x128xf32, #tpu.memory_space<vmem>>[vector<16xi32>, vector<16xi32>], vector<16xf32>,
          %mul3A_914 = arith.mulf %gather3A_913, %select_n3A_905 : vector<16xf32>
          %add3A_915 = arith.addf %add3A_880, %mul3A_914 : vector<16xf32>
          %gather3A_916 = tpu.vector_load_idx %arg12[%add3A_210, %and3A_912] : memref<480x128xf32, #tpu.memory_space<vmem>>[vector<16xi32>, vector<16xi32>], vector<16xf32>,
          %mul3A_917 = arith.mulf %gather3A_916, %select_n3A_905 : vector<16xf32>
          %add3A_918 = arith.addf %add3A_883, %mul3A_917 : vector<16xf32>
          %gather3A_919 = tpu.vector_load_idx %arg12[%add3A_214, %and3A_912] : memref<480x128xf32, #tpu.memory_space<vmem>>[vector<16xi32>, vector<16xi32>], vector<16xf32>,
          %mul3A_920 = arith.mulf %gather3A_919, %select_n3A_905 : vector<16xf32>
          %add3A_921 = arith.addf %add3A_886, %mul3A_920 : vector<16xf32>
          %gather3A_922 = tpu.vector_load_idx %arg12[%add3A_218, %and3A_912] : memref<480x128xf32, #tpu.memory_space<vmem>>[vector<16xi32>, vector<16xi32>], vector<16xf32>,
          %mul3A_923 = arith.mulf %gather3A_922, %select_n3A_905 : vector<16xf32>
          %add3A_924 = arith.addf %add3A_889, %mul3A_923 : vector<16xf32>
          %add3A_925 = arith.constant 15 : i32
          %add3A_926 = vector.broadcast %add3A_925 : i32 to vector<16xi32>
          %add3A_927 = arith.addi %iota3A, %add3A_926 : vector<16xi32>
          %and3A_928 = arith.constant 15 : i32
          %and3A_929 = vector.broadcast %and3A_928 : i32 to vector<16xi32>
          %and3A_930 = arith.andi %add3A_927, %and3A_929 : vector<16xi32>
          %broadcast_in_dim3A_931 = vector.shape_cast %and3A_930 : vector<16xi32> to vector<16x1xi32>
          %gather3A_932 = vector.shape_cast %broadcast_in_dim3A_931 : vector<16x1xi32> to vector<16xi32>
          %gather3A_933 = tpu.dynamic_gather %gather3A[%gather3A_932] in [0] : vector<16xf32>, vector<16xi32> -> vector<16xf32>
          %lt3A_934 = arith.constant 1 : i32
          %lt3A_935 = vector.broadcast %lt3A_934 : i32 to vector<16xi32>
          %lt3A_936 = arith.cmpi slt, %iota3A, %lt3A_935 : vector<16xi32>
          %broadcast_in_dim3A_937 = vector.shape_cast %and3A_930 : vector<16xi32> to vector<16x1xi32>
          %gather3A_938 = vector.shape_cast %broadcast_in_dim3A_937 : vector<16x1xi32> to vector<16xi32>
          %gather3A_939 = tpu.dynamic_gather %gather3A_406[%gather3A_938] in [0] : vector<16xf32>, vector<16xi32> -> vector<16xf32>
          %select_n3A_940 = arith.select %lt3A_936, %gather3A_933, %gather3A_939 : vector<16xi1>, vector<16xf32>
          %add3A_941 = arith.constant 15 : i32
          %add3A_942 = arith.addi %mul3A_397, %add3A_941 : i32
          %add3A_943 = vector.broadcast %add3A_942 : i32 to vector<16xi32>
          %add3A_944 = arith.addi %add3A_943, %iota3A : vector<16xi32>
          %and3A_945 = arith.constant 127 : i32
          %and3A_946 = vector.broadcast %and3A_945 : i32 to vector<16xi32>
          %and3A_947 = arith.andi %add3A_944, %and3A_946 : vector<16xi32>
          %gather3A_948 = tpu.vector_load_idx %arg12[%select_n3A_206, %and3A_947] : memref<480x128xf32, #tpu.memory_space<vmem>>[vector<16xi32>, vector<16xi32>], vector<16xf32>,
          %mul3A_949 = arith.mulf %gather3A_948, %select_n3A_940 : vector<16xf32>
          %add3A_950 = arith.addf %add3A_915, %mul3A_949 : vector<16xf32>
          %gather3A_951 = tpu.vector_load_idx %arg12[%add3A_210, %and3A_947] : memref<480x128xf32, #tpu.memory_space<vmem>>[vector<16xi32>, vector<16xi32>], vector<16xf32>,
          %mul3A_952 = arith.mulf %gather3A_951, %select_n3A_940 : vector<16xf32>
          %add3A_953 = arith.addf %add3A_918, %mul3A_952 : vector<16xf32>
          %gather3A_954 = tpu.vector_load_idx %arg12[%add3A_214, %and3A_947] : memref<480x128xf32, #tpu.memory_space<vmem>>[vector<16xi32>, vector<16xi32>], vector<16xf32>,
          %mul3A_955 = arith.mulf %gather3A_954, %select_n3A_940 : vector<16xf32>
          %add3A_956 = arith.addf %add3A_921, %mul3A_955 : vector<16xf32>
          %gather3A_957 = tpu.vector_load_idx %arg12[%add3A_218, %and3A_947] : memref<480x128xf32, #tpu.memory_space<vmem>>[vector<16xi32>, vector<16xi32>], vector<16xf32>,
          %mul3A_958 = arith.mulf %gather3A_957, %select_n3A_940 : vector<16xf32>
          %add3A_959 = arith.addf %add3A_924, %mul3A_958 : vector<16xf32>
          scf.yield %add3A_950, %add3A_953, %add3A_956, %add3A_959 : vector<16xf32>, vector<16xf32>, vector<16xf32>, vector<16xf32>
        }
        %scan3A_227 = arith.constant 8 : i32
        %mul3A_228 = arith.mulf %scan3A_226#0, %select_n3A : vector<16xf32>
        %abs3A = math.absf %mul3A_228 : vector<16xf32>
        %neg3A = arith.constant 0.000000e+00 : f32
        %neg3A_229 = vector.broadcast %neg3A : f32 to vector<16xf32>
        %neg3A_230 = arith.subf %neg3A_229, %abs3A : vector<16xf32>
        %exp3A = math.exp %neg3A_230 : vector<16xf32>
        %add3A_231 = arith.constant 2.000000e+00 : f32
        %add3A_232 = vector.broadcast %add3A_231 : f32 to vector<16xf32>
        %add3A_233 = arith.addf %exp3A, %add3A_232 : vector<16xf32>
        %div3A = arith.divf %exp3A, %add3A_233 : vector<16xf32>
        %mul3A_234 = arith.mulf %div3A, %div3A : vector<16xf32>
        %mul3A_235 = arith.constant 0.111111112 : f32
        %mul3A_236 = vector.broadcast %mul3A_235 : f32 to vector<16xf32>
        %mul3A_237 = arith.mulf %mul3A_234, %mul3A_236 : vector<16xf32>
        %add3A_238 = arith.constant 0.142857149 : f32
        %add3A_239 = vector.broadcast %add3A_238 : f32 to vector<16xf32>
        %add3A_240 = arith.addf %add3A_239, %mul3A_237 : vector<16xf32>
        %mul3A_241 = arith.mulf %mul3A_234, %add3A_240 : vector<16xf32>
        %add3A_242 = arith.constant 2.000000e-01 : f32
        %add3A_243 = vector.broadcast %add3A_242 : f32 to vector<16xf32>
        %add3A_244 = arith.addf %add3A_243, %mul3A_241 : vector<16xf32>
        %mul3A_245 = arith.mulf %mul3A_234, %add3A_244 : vector<16xf32>
        %add3A_246 = arith.constant 0.333333343 : f32
        %add3A_247 = vector.broadcast %add3A_246 : f32 to vector<16xf32>
        %add3A_248 = arith.addf %add3A_247, %mul3A_245 : vector<16xf32>
        %mul3A_249 = arith.mulf %mul3A_234, %add3A_248 : vector<16xf32>
        %add3A_250 = arith.constant 1.000000e+00 : f32
        %add3A_251 = vector.broadcast %add3A_250 : f32 to vector<16xf32>
        %add3A_252 = arith.addf %add3A_251, %mul3A_249 : vector<16xf32>
        %min3A_253 = arith.constant 0.000000e+00 : f32
        %min3A_254 = vector.broadcast %min3A_253 : f32 to vector<16xf32>
        %min3A_255 = arith.minimumf %mul3A_228, %min3A_254 : vector<16xf32>
        %mul3A_256 = arith.constant 2.000000e+00 : f32
        %mul3A_257 = vector.broadcast %mul3A_256 : f32 to vector<16xf32>
        %mul3A_258 = arith.mulf %mul3A_257, %div3A : vector<16xf32>
        %mul3A_259 = arith.mulf %mul3A_258, %add3A_252 : vector<16xf32>
        %sub3A = arith.subf %min3A_255, %mul3A_259 : vector<16xf32>
        %jit3A_260 = arith.constant 0.000000e+00 : f32
        %broadcast_in_dim3A_261 = vector.broadcast %jit3A_260 : f32 to vector<16xf32>
        %select_n3A_262 = arith.select %lt3A_7, %sub3A, %broadcast_in_dim3A_261 : vector<16xi1>, vector<16xf32>
        %neg3A_263 = arith.constant 0.000000e+00 : f32
        %neg3A_264 = vector.broadcast %neg3A_263 : f32 to vector<16xf32>
        %neg3A_265 = arith.subf %neg3A_264, %scan3A_226#1 : vector<16xf32>
        %abs3A_266 = math.absf %neg3A_265 : vector<16xf32>
        %neg3A_267 = arith.constant 0.000000e+00 : f32
        %neg3A_268 = vector.broadcast %neg3A_267 : f32 to vector<16xf32>
        %neg3A_269 = arith.subf %neg3A_268, %abs3A_266 : vector<16xf32>
        %exp3A_270 = math.exp %neg3A_269 : vector<16xf32>
        %add3A_271 = arith.constant 2.000000e+00 : f32
        %add3A_272 = vector.broadcast %add3A_271 : f32 to vector<16xf32>
        %add3A_273 = arith.addf %exp3A_270, %add3A_272 : vector<16xf32>
        %div3A_274 = arith.divf %exp3A_270, %add3A_273 : vector<16xf32>
        %mul3A_275 = arith.mulf %div3A_274, %div3A_274 : vector<16xf32>
        %mul3A_276 = arith.constant 0.111111112 : f32
        %mul3A_277 = vector.broadcast %mul3A_276 : f32 to vector<16xf32>
        %mul3A_278 = arith.mulf %mul3A_275, %mul3A_277 : vector<16xf32>
        %add3A_279 = arith.constant 0.142857149 : f32
        %add3A_280 = vector.broadcast %add3A_279 : f32 to vector<16xf32>
        %add3A_281 = arith.addf %add3A_280, %mul3A_278 : vector<16xf32>
        %mul3A_282 = arith.mulf %mul3A_275, %add3A_281 : vector<16xf32>
        %add3A_283 = arith.constant 2.000000e-01 : f32
        %add3A_284 = vector.broadcast %add3A_283 : f32 to vector<16xf32>
        %add3A_285 = arith.addf %add3A_284, %mul3A_282 : vector<16xf32>
        %mul3A_286 = arith.mulf %mul3A_275, %add3A_285 : vector<16xf32>
        %add3A_287 = arith.constant 0.333333343 : f32
        %add3A_288 = vector.broadcast %add3A_287 : f32 to vector<16xf32>
        %add3A_289 = arith.addf %add3A_288, %mul3A_286 : vector<16xf32>
        %mul3A_290 = arith.mulf %mul3A_275, %add3A_289 : vector<16xf32>
        %add3A_291 = arith.constant 1.000000e+00 : f32
        %add3A_292 = vector.broadcast %add3A_291 : f32 to vector<16xf32>
        %add3A_293 = arith.addf %add3A_292, %mul3A_290 : vector<16xf32>
        %min3A_294 = arith.constant 0.000000e+00 : f32
        %min3A_295 = vector.broadcast %min3A_294 : f32 to vector<16xf32>
        %min3A_296 = arith.minimumf %neg3A_265, %min3A_295 : vector<16xf32>
        %mul3A_297 = arith.constant 2.000000e+00 : f32
        %mul3A_298 = vector.broadcast %mul3A_297 : f32 to vector<16xf32>
        %mul3A_299 = arith.mulf %mul3A_298, %div3A_274 : vector<16xf32>
        %mul3A_300 = arith.mulf %mul3A_299, %add3A_293 : vector<16xf32>
        %sub3A_301 = arith.subf %min3A_296, %mul3A_300 : vector<16xf32>
        %add3A_302 = arith.addf %select_n3A_262, %sub3A_301 : vector<16xf32>
        %neg3A_303 = arith.constant 0.000000e+00 : f32
        %neg3A_304 = vector.broadcast %neg3A_303 : f32 to vector<16xf32>
        %neg3A_305 = arith.subf %neg3A_304, %scan3A_226#2 : vector<16xf32>
        %abs3A_306 = math.absf %neg3A_305 : vector<16xf32>
        %neg3A_307 = arith.constant 0.000000e+00 : f32
        %neg3A_308 = vector.broadcast %neg3A_307 : f32 to vector<16xf32>
        %neg3A_309 = arith.subf %neg3A_308, %abs3A_306 : vector<16xf32>
        %exp3A_310 = math.exp %neg3A_309 : vector<16xf32>
        %add3A_311 = arith.constant 2.000000e+00 : f32
        %add3A_312 = vector.broadcast %add3A_311 : f32 to vector<16xf32>
        %add3A_313 = arith.addf %exp3A_310, %add3A_312 : vector<16xf32>
        %div3A_314 = arith.divf %exp3A_310, %add3A_313 : vector<16xf32>
        %mul3A_315 = arith.mulf %div3A_314, %div3A_314 : vector<16xf32>
        %mul3A_316 = arith.constant 0.111111112 : f32
        %mul3A_317 = vector.broadcast %mul3A_316 : f32 to vector<16xf32>
        %mul3A_318 = arith.mulf %mul3A_315, %mul3A_317 : vector<16xf32>
        %add3A_319 = arith.constant 0.142857149 : f32
        %add3A_320 = vector.broadcast %add3A_319 : f32 to vector<16xf32>
        %add3A_321 = arith.addf %add3A_320, %mul3A_318 : vector<16xf32>
        %mul3A_322 = arith.mulf %mul3A_315, %add3A_321 : vector<16xf32>
        %add3A_323 = arith.constant 2.000000e-01 : f32
        %add3A_324 = vector.broadcast %add3A_323 : f32 to vector<16xf32>
        %add3A_325 = arith.addf %add3A_324, %mul3A_322 : vector<16xf32>
        %mul3A_326 = arith.mulf %mul3A_315, %add3A_325 : vector<16xf32>
        %add3A_327 = arith.constant 0.333333343 : f32
        %add3A_328 = vector.broadcast %add3A_327 : f32 to vector<16xf32>
        %add3A_329 = arith.addf %add3A_328, %mul3A_326 : vector<16xf32>
        %mul3A_330 = arith.mulf %mul3A_315, %add3A_329 : vector<16xf32>
        %add3A_331 = arith.constant 1.000000e+00 : f32
        %add3A_332 = vector.broadcast %add3A_331 : f32 to vector<16xf32>
        %add3A_333 = arith.addf %add3A_332, %mul3A_330 : vector<16xf32>
        %min3A_334 = arith.constant 0.000000e+00 : f32
        %min3A_335 = vector.broadcast %min3A_334 : f32 to vector<16xf32>
        %min3A_336 = arith.minimumf %neg3A_305, %min3A_335 : vector<16xf32>
        %mul3A_337 = arith.constant 2.000000e+00 : f32
        %mul3A_338 = vector.broadcast %mul3A_337 : f32 to vector<16xf32>
        %mul3A_339 = arith.mulf %mul3A_338, %div3A_314 : vector<16xf32>
        %mul3A_340 = arith.mulf %mul3A_339, %add3A_333 : vector<16xf32>
        %sub3A_341 = arith.subf %min3A_336, %mul3A_340 : vector<16xf32>
        %add3A_342 = arith.addf %add3A_302, %sub3A_341 : vector<16xf32>
        %neg3A_343 = arith.constant 0.000000e+00 : f32
        %neg3A_344 = vector.broadcast %neg3A_343 : f32 to vector<16xf32>
        %neg3A_345 = arith.subf %neg3A_344, %scan3A_226#3 : vector<16xf32>
        %abs3A_346 = math.absf %neg3A_345 : vector<16xf32>
        %neg3A_347 = arith.constant 0.000000e+00 : f32
        %neg3A_348 = vector.broadcast %neg3A_347 : f32 to vector<16xf32>
        %neg3A_349 = arith.subf %neg3A_348, %abs3A_346 : vector<16xf32>
        %exp3A_350 = math.exp %neg3A_349 : vector<16xf32>
        %add3A_351 = arith.constant 2.000000e+00 : f32
        %add3A_352 = vector.broadcast %add3A_351 : f32 to vector<16xf32>
        %add3A_353 = arith.addf %exp3A_350, %add3A_352 : vector<16xf32>
        %div3A_354 = arith.divf %exp3A_350, %add3A_353 : vector<16xf32>
        %mul3A_355 = arith.mulf %div3A_354, %div3A_354 : vector<16xf32>
        %mul3A_356 = arith.constant 0.111111112 : f32
        %mul3A_357 = vector.broadcast %mul3A_356 : f32 to vector<16xf32>
        %mul3A_358 = arith.mulf %mul3A_355, %mul3A_357 : vector<16xf32>
        %add3A_359 = arith.constant 0.142857149 : f32
        %add3A_360 = vector.broadcast %add3A_359 : f32 to vector<16xf32>
        %add3A_361 = arith.addf %add3A_360, %mul3A_358 : vector<16xf32>
        %mul3A_362 = arith.mulf %mul3A_355, %add3A_361 : vector<16xf32>
        %add3A_363 = arith.constant 2.000000e-01 : f32
        %add3A_364 = vector.broadcast %add3A_363 : f32 to vector<16xf32>
        %add3A_365 = arith.addf %add3A_364, %mul3A_362 : vector<16xf32>
        %mul3A_366 = arith.mulf %mul3A_355, %add3A_365 : vector<16xf32>
        %add3A_367 = arith.constant 0.333333343 : f32
        %add3A_368 = vector.broadcast %add3A_367 : f32 to vector<16xf32>
        %add3A_369 = arith.addf %add3A_368, %mul3A_366 : vector<16xf32>
        %mul3A_370 = arith.mulf %mul3A_355, %add3A_369 : vector<16xf32>
        %add3A_371 = arith.constant 1.000000e+00 : f32
        %add3A_372 = vector.broadcast %add3A_371 : f32 to vector<16xf32>
        %add3A_373 = arith.addf %add3A_372, %mul3A_370 : vector<16xf32>
        %min3A_374 = arith.constant 0.000000e+00 : f32
        %min3A_375 = vector.broadcast %min3A_374 : f32 to vector<16xf32>
        %min3A_376 = arith.minimumf %neg3A_345, %min3A_375 : vector<16xf32>
        %mul3A_377 = arith.constant 2.000000e+00 : f32
        %mul3A_378 = vector.broadcast %mul3A_377 : f32 to vector<16xf32>
        %mul3A_379 = arith.mulf %mul3A_378, %div3A_354 : vector<16xf32>
        %mul3A_380 = arith.mulf %mul3A_379, %add3A_373 : vector<16xf32>
        %sub3A_381 = arith.subf %min3A_376, %mul3A_380 : vector<16xf32>
        %add3A_382 = arith.addf %add3A_342, %sub3A_381 : vector<16xf32>
        %reduce_sum3A = arith.constant true
        %reduce_sum3A_383 = vector.broadcast %reduce_sum3A : i1 to vector<16xi1>
        %reduce_sum3A_384 = tpu.scan <sum>, %add3A_382 masked %reduce_sum3A_383 : vector<16xf32>, vector<16xi1> -> vector<16xf32>
        %reduce_sum3A_385 = vector.extract %reduce_sum3A_384[15] : f32 from vector<16xf32>
        %neg3A_386 = arith.constant 0.000000e+00 : f32
        %neg3A_387 = arith.subf %neg3A_386, %reduce_sum3A_385 : f32
        %broadcast_in_dim3A_388 = vector.broadcast %neg3A_387 : f32 to vector<16xf32>
        %eq3A = vector.broadcast %scan3A_187 : i32 to vector<16xi32>
        %eq3A_389 = arith.cmpi eq, %iota3A, %eq3A : vector<16xi32>
        %select_n3A_390 = arith.select %eq3A_389, %broadcast_in_dim3A_388, %scan3A_188 : vector<16xi1>, vector<16xf32>
        scf.yield %select_n3A_390 : vector<16xf32>
      }
      %scan3A_121 = arith.constant 8 : i32
      %mul3A_122 = arith.constant 8 : i32
      %mul3A_123 = arith.muli %mul3A_91, %mul3A_122 : i32
      %add3A_124 = vector.broadcast %mul3A_123 : i32 to vector<16xi32>
      %add3A_125 = arith.addi %add3A_124, %iota3A : vector<16xi32>
      %lt3A_126 = arith.constant 8 : i32
      %lt3A_127 = vector.broadcast %lt3A_126 : i32 to vector<16xi32>
      %lt3A_128 = arith.cmpi slt, %iota3A, %lt3A_127 : vector<16xi32>
      tpu.vector_store_idx %arg18[%add3A_125], %scan3A_120 masked %lt3A_128 : memref<512xf32, #tpu.memory_space<vmem>>[vector<16xi32>], vector<16xf32>, vector<16xi1>
      %add3A_129 = arith.constant 2 : i32
      %add3A_130 = arith.addi %mul3A_91, %add3A_129 : i32
      %lt3A_131 = arith.constant 64 : i32
      %lt3A_132 = arith.cmpi slt, %add3A_130, %lt3A_131 : i32
      %convert_element_type3A_133 = arith.extui %lt3A_132 : i1 to i32
      %cond3A_134 = arith.constant 0 : i32
      %cond3A_135 = arith.cmpi ne, %convert_element_type3A_133, %cond3A_134 : i32
      scf.if %cond3A_135 {
        %add3A_187 = arith.constant 2 : i32
        %add3A_188 = arith.addi %mul3A_91, %add3A_187 : i32
        %mul3A_189 = arith.constant 512 : i32
        %mul3A_190 = arith.muli %add3A, %mul3A_189 : i32
        %mul3A_191 = arith.constant 8 : i32
        %mul3A_192 = arith.muli %add3A_188, %mul3A_191 : i32
        %add3A_193 = arith.addi %mul3A_190, %mul3A_192 : i32
        %mul3A_194 = arith.constant 10 : i32
        %mul3A_195 = arith.muli %add3A_193, %mul3A_194 : i32
        %mul3A_196 = arith.constant 50 : i32
        %mul3A_197 = arith.muli %add3A_193, %mul3A_196 : i32
        %dma_wait3A_198 = tpu.memref_slice %arg2[%add3A_193] : memref<16384xi32, #tpu.memory_space<hbm>> -> memref<8xi32, #tpu.memory_space<hbm>>
        %dma_wait3A_199 = tpu.memref_slice %arg2[%add3A_193] : memref<16384xi32, #tpu.memory_space<hbm>> -> memref<8xi32, #tpu.memory_space<hbm>>
        tpu.wait_dma2 semaphore(%arg21 : memref<!tpu.dma_semaphore, #tpu.memory_space<semaphore_mem>>) src(%dma_wait3A_199 : memref<8xi32, #tpu.memory_space<hbm>>) dst(%arg8 : memref<8xi32, #tpu.memory_space<vmem>>)
        %dma_wait3A_200 = tpu.memref_slice %arg3[%mul3A_195] : memref<163840xi32, #tpu.memory_space<hbm>> -> memref<80xi32, #tpu.memory_space<hbm>>
        %dma_wait3A_201 = tpu.memref_slice %arg3[%mul3A_195] : memref<163840xi32, #tpu.memory_space<hbm>> -> memref<80xi32, #tpu.memory_space<hbm>>
        tpu.wait_dma2 semaphore(%arg21 : memref<!tpu.dma_semaphore, #tpu.memory_space<semaphore_mem>>) src(%dma_wait3A_201 : memref<80xi32, #tpu.memory_space<hbm>>) dst(%arg9 : memref<80xi32, #tpu.memory_space<vmem>>)
        %dma_wait3A_202 = tpu.memref_slice %arg4[%mul3A_197] : memref<819200xi32, #tpu.memory_space<hbm>> -> memref<400xi32, #tpu.memory_space<hbm>>
        %dma_wait3A_203 = tpu.memref_slice %arg4[%mul3A_197] : memref<819200xi32, #tpu.memory_space<hbm>> -> memref<400xi32, #tpu.memory_space<hbm>>
        tpu.wait_dma2 semaphore(%arg21 : memref<!tpu.dma_semaphore, #tpu.memory_space<semaphore_mem>>) src(%dma_wait3A_203 : memref<400xi32, #tpu.memory_space<hbm>>) dst(%arg10 : memref<400xi32, #tpu.memory_space<vmem>>)
        %dma_start3A_204 = arith.constant 0 : i32
        %dma_start3A_205 = arith.constant 0 : i32
        %dma_start3A_206 = tpu.memref_slice %arg5[%dma_start3A_204, %dma_start3A_205] : memref<100000x128xf32, #tpu.memory_space<hbm>> -> memref<100000x128xf32, #tpu.memory_space<hbm>>
        tpu.enqueue_indirect_dma source(%dma_start3A_206 : memref<100000x128xf32, #tpu.memory_space<hbm>>) target(%arg11 : memref<8x128xf32, #tpu.memory_space<vmem>>) offsets(%arg8 : memref<8xi32, #tpu.memory_space<vmem>>) semaphore(%arg19 : memref<!tpu.dma_semaphore, #tpu.memory_space<semaphore_mem>>)
        %dma_start3A_207 = arith.constant 0 : i32
        %dma_start3A_208 = arith.constant 0 : i32
        %dma_start3A_209 = tpu.memref_slice %arg12[%dma_start3A_207, %dma_start3A_208] : memref<480x128xf32, #tpu.memory_space<vmem>> -> memref<80x128xf32, #tpu.memory_space<vmem>>
        %dma_start3A_210 = arith.constant 0 : i32
        %dma_start3A_211 = arith.constant 0 : i32
        %dma_start3A_212 = tpu.memref_slice %arg6[%dma_start3A_210, %dma_start3A_211] : memref<100000x128xf32, #tpu.memory_space<hbm>> -> memref<100000x128xf32, #tpu.memory_space<hbm>>
        tpu.enqueue_indirect_dma source(%dma_start3A_212 : memref<100000x128xf32, #tpu.memory_space<hbm>>) target(%dma_start3A_209 : memref<80x128xf32, #tpu.memory_space<vmem>>) offsets(%arg9 : memref<80xi32, #tpu.memory_space<vmem>>) semaphore(%arg19 : memref<!tpu.dma_semaphore, #tpu.memory_space<semaphore_mem>>)
        %dma_start3A_213 = arith.constant 80 : i32
        %dma_start3A_214 = arith.constant 0 : i32
        %dma_start3A_215 = tpu.memref_slice %arg12[%dma_start3A_213, %dma_start3A_214] : memref<480x128xf32, #tpu.memory_space<vmem>> -> memref<400x128xf32, #tpu.memory_space<vmem>>
        %dma_start3A_216 = arith.constant 0 : i32
        %dma_start3A_217 = tpu.memref_slice %arg10[%dma_start3A_216] : memref<400xi32, #tpu.memory_space<vmem>> -> memref<400xi32, #tpu.memory_space<vmem>>
        %dma_start3A_218 = arith.constant 0 : i32
        %dma_start3A_219 = arith.constant 0 : i32
        %dma_start3A_220 = tpu.memref_slice %arg6[%dma_start3A_218, %dma_start3A_219] : memref<100000x128xf32, #tpu.memory_space<hbm>> -> memref<100000x128xf32, #tpu.memory_space<hbm>>
        tpu.enqueue_indirect_dma source(%dma_start3A_220 : memref<100000x128xf32, #tpu.memory_space<hbm>>) target(%dma_start3A_215 : memref<400x128xf32, #tpu.memory_space<vmem>>) offsets(%dma_start3A_217 : memref<400xi32, #tpu.memory_space<vmem>>) semaphore(%arg19 : memref<!tpu.dma_semaphore, #tpu.memory_space<semaphore_mem>>)
      } else {
      }
      %mul3A_136 = arith.constant 2 : i32
      %mul3A_137 = arith.muli %mul3A_136, %scan3A_88 : i32
      %add3A_138 = arith.constant 1 : i32
      %add3A_139 = arith.addi %mul3A_137, %add3A_138 : i32
      %dma_wait3A_140 = arith.constant 0 : i32
      %dma_wait3A_141 = arith.constant 0 : i32
      %dma_wait3A_142 = tpu.memref_slice %arg5[%dma_wait3A_140, %dma_wait3A_141] : memref<100000x128xf32, #tpu.memory_space<hbm>> -> memref<100000x128xf32, #tpu.memory_space<hbm>>
      tpu.wait_indirect_dma semaphore(%arg20 : memref<!tpu.dma_semaphore, #tpu.memory_space<semaphore_mem>>) src(%dma_wait3A_142 : memref<100000x128xf32, #tpu.memory_space<hbm>>) dst(%arg16 : memref<8x128xf32, #tpu.memory_space<vmem>>)
      %dma_wait3A_143 = arith.constant 0 : i32
      %dma_wait3A_144 = arith.constant 0 : i32
      %dma_wait3A_145 = tpu.memref_slice %arg17[%dma_wait3A_143, %dma_wait3A_144] : memref<480x128xf32, #tpu.memory_space<vmem>> -> memref<80x128xf32, #tpu.memory_space<vmem>>
      %dma_wait3A_146 = arith.constant 0 : i32
      %dma_wait3A_147 = arith.constant 0 : i32
      %dma_wait3A_148 = tpu.memref_slice %arg6[%dma_wait3A_146, %dma_wait3A_147] : memref<100000x128xf32, #tpu.memory_space<hbm>> -> memref<100000x128xf32, #tpu.memory_space<hbm>>
      tpu.wait_indirect_dma semaphore(%arg20 : memref<!tpu.dma_semaphore, #tpu.memory_space<semaphore_mem>>) src(%dma_wait3A_148 : memref<100000x128xf32, #tpu.memory_space<hbm>>) dst(%dma_wait3A_145 : memref<80x128xf32, #tpu.memory_space<vmem>>)
      %dma_wait3A_149 = arith.constant 80 : i32
      %dma_wait3A_150 = arith.constant 0 : i32
      %dma_wait3A_151 = tpu.memref_slice %arg17[%dma_wait3A_149, %dma_wait3A_150] : memref<480x128xf32, #tpu.memory_space<vmem>> -> memref<400x128xf32, #tpu.memory_space<vmem>>
      %dma_wait3A_152 = arith.constant 0 : i32
      %dma_wait3A_153 = tpu.memref_slice %arg15[%dma_wait3A_152] : memref<400xi32, #tpu.memory_space<vmem>> -> memref<400xi32, #tpu.memory_space<vmem>>
      %dma_wait3A_154 = arith.constant 0 : i32
      %dma_wait3A_155 = arith.constant 0 : i32
      %dma_wait3A_156 = tpu.memref_slice %arg6[%dma_wait3A_154, %dma_wait3A_155] : memref<100000x128xf32, #tpu.memory_space<hbm>> -> memref<100000x128xf32, #tpu.memory_space<hbm>>
      tpu.wait_indirect_dma semaphore(%arg20 : memref<!tpu.dma_semaphore, #tpu.memory_space<semaphore_mem>>) src(%dma_wait3A_156 : memref<100000x128xf32, #tpu.memory_space<hbm>>) dst(%dma_wait3A_151 : memref<400x128xf32, #tpu.memory_space<vmem>>)
      %add3A_157 = arith.constant 2 : i32
      %add3A_158 = arith.addi %add3A_139, %add3A_157 : i32
      %lt3A_159 = arith.constant 64 : i32
      %lt3A_160 = arith.cmpi slt, %add3A_158, %lt3A_159 : i32
      %convert_element_type3A_161 = arith.extui %lt3A_160 : i1 to i32
      %cond3A_162 = arith.constant 0 : i32
      %cond3A_163 = arith.cmpi ne, %convert_element_type3A_161, %cond3A_162 : i32
      scf.if %cond3A_163 {
        %add3A_187 = arith.constant 2 : i32
        %add3A_188 = arith.addi %add3A_139, %add3A_187 : i32
        %mul3A_189 = arith.constant 512 : i32
        %mul3A_190 = arith.muli %add3A, %mul3A_189 : i32
        %mul3A_191 = arith.constant 8 : i32
        %mul3A_192 = arith.muli %add3A_188, %mul3A_191 : i32
        %add3A_193 = arith.addi %mul3A_190, %mul3A_192 : i32
        %dma_start3A_194 = tpu.memref_slice %arg2[%add3A_193] : memref<16384xi32, #tpu.memory_space<hbm>> -> memref<8xi32, #tpu.memory_space<hbm>>
        %dma_start3A_195 = tpu.memref_slice %arg2[%add3A_193] : memref<16384xi32, #tpu.memory_space<hbm>> -> memref<8xi32, #tpu.memory_space<hbm>>
        tpu.enqueue_dma source(%dma_start3A_195 : memref<8xi32, #tpu.memory_space<hbm>>) target(%arg13 : memref<8xi32, #tpu.memory_space<vmem>>) target_semaphore(%arg21 : memref<!tpu.dma_semaphore, #tpu.memory_space<semaphore_mem>>)
        %mul3A_196 = arith.constant 10 : i32
        %mul3A_197 = arith.muli %add3A_193, %mul3A_196 : i32
        %dma_start3A_198 = tpu.memref_slice %arg3[%mul3A_197] : memref<163840xi32, #tpu.memory_space<hbm>> -> memref<80xi32, #tpu.memory_space<hbm>>
        %dma_start3A_199 = tpu.memref_slice %arg3[%mul3A_197] : memref<163840xi32, #tpu.memory_space<hbm>> -> memref<80xi32, #tpu.memory_space<hbm>>
        tpu.enqueue_dma source(%dma_start3A_199 : memref<80xi32, #tpu.memory_space<hbm>>) target(%arg14 : memref<80xi32, #tpu.memory_space<vmem>>) target_semaphore(%arg21 : memref<!tpu.dma_semaphore, #tpu.memory_space<semaphore_mem>>)
        %mul3A_200 = arith.constant 50 : i32
        %mul3A_201 = arith.muli %add3A_193, %mul3A_200 : i32
        %dma_start3A_202 = tpu.memref_slice %arg4[%mul3A_201] : memref<819200xi32, #tpu.memory_space<hbm>> -> memref<400xi32, #tpu.memory_space<hbm>>
        %dma_start3A_203 = tpu.memref_slice %arg4[%mul3A_201] : memref<819200xi32, #tpu.memory_space<hbm>> -> memref<400xi32, #tpu.memory_space<hbm>>
        tpu.enqueue_dma source(%dma_start3A_203 : memref<400xi32, #tpu.memory_space<hbm>>) target(%arg15 : memref<400xi32, #tpu.memory_space<vmem>>) target_semaphore(%arg21 : memref<!tpu.dma_semaphore, #tpu.memory_space<semaphore_mem>>)
      } else {
      }
      %broadcast_in_dim3A_164 = arith.constant 0.000000e+00 : f32
      %broadcast_in_dim3A_165 = vector.broadcast %broadcast_in_dim3A_164 : f32 to vector<16xf32>
      %scan3A_166 = arith.constant 0 : i32
      %scan3A_167 = arith.constant 8 : i32
      %scan3A_168 = arith.addi %scan3A_166, %scan3A_167 : i32
      %scan3A_169 = arith.constant 1 : i32
      %scan3A_170 = scf.for %scan3A_187 = %scan3A_166 to %scan3A_168 step %scan3A_169 iter_args(%scan3A_188 = %broadcast_in_dim3A_165) -> (vector<16xf32>)  : i32 {
        %mul3A_189 = arith.constant 50 : i32
        %mul3A_190 = arith.muli %scan3A_187, %mul3A_189 : i32
        %add3A_191 = arith.constant 80 : i32
        %add3A_192 = arith.addi %add3A_191, %mul3A_190 : i32
        %lt3A_193 = arith.constant 10 : i32
        %lt3A_194 = vector.broadcast %lt3A_193 : i32 to vector<16xi32>
        %lt3A_195 = arith.cmpi slt, %iota3A, %lt3A_194 : vector<16xi32>
        %mul3A_196 = arith.constant 10 : i32
        %mul3A_197 = arith.muli %scan3A_187, %mul3A_196 : i32
        %add3A_198 = vector.broadcast %mul3A_197 : i32 to vector<16xi32>
        %add3A_199 = arith.addi %add3A_198, %iota3A : vector<16xi32>
        %add3A_200 = arith.constant 38 : i32
        %add3A_201 = arith.addi %add3A_192, %add3A_200 : i32
        %add3A_202 = vector.broadcast %add3A_201 : i32 to vector<16xi32>
        %add3A_203 = arith.addi %add3A_202, %iota3A : vector<16xi32>
        %min3A = arith.constant 479 : i32
        %min3A_204 = vector.broadcast %min3A : i32 to vector<16xi32>
        %min3A_205 = arith.minsi %add3A_203, %min3A_204 : vector<16xi32>
        %select_n3A_206 = arith.select %lt3A_195, %add3A_199, %min3A_205 : vector<16xi1>, vector<16xi32>
        %add3A_207 = arith.constant 0 : i32
        %add3A_208 = arith.addi %add3A_192, %add3A_207 : i32
        %add3A_209 = vector.broadcast %add3A_208 : i32 to vector<16xi32>
        %add3A_210 = arith.addi %add3A_209, %iota3A : vector<16xi32>
        %add3A_211 = arith.constant 16 : i32
        %add3A_212 = arith.addi %add3A_192, %add3A_211 : i32
        %add3A_213 = vector.broadcast %add3A_212 : i32 to vector<16xi32>
        %add3A_214 = arith.addi %add3A_213, %iota3A : vector<16xi32>
        %add3A_215 = arith.constant 32 : i32
        %add3A_216 = arith.addi %add3A_192, %add3A_215 : i32
        %add3A_217 = vector.broadcast %add3A_216 : i32 to vector<16xi32>
        %add3A_218 = arith.addi %add3A_217, %iota3A : vector<16xi32>
        %broadcast_in_dim3A_219 = vector.broadcast %scan3A_187 : i32 to vector<16xi32>
        %broadcast_in_dim3A_220 = arith.constant 0.000000e+00 : f32
        %broadcast_in_dim3A_221 = vector.broadcast %broadcast_in_dim3A_220 : f32 to vector<16xf32>
        %scan3A_222 = arith.constant 0 : i32
        %scan3A_223 = arith.constant 8 : i32
        %scan3A_224 = arith.addi %scan3A_222, %scan3A_223 : i32
        %scan3A_225 = arith.constant 1 : i32
        %scan3A_226:4 = scf.for %scan3A_391 = %scan3A_222 to %scan3A_224 step %scan3A_225 iter_args(%scan3A_392 = %broadcast_in_dim3A_221, %scan3A_393 = %broadcast_in_dim3A_221, %scan3A_394 = %broadcast_in_dim3A_221, %scan3A_395 = %broadcast_in_dim3A_221) -> (vector<16xf32>, vector<16xf32>, vector<16xf32>, vector<16xf32>)  : i32 {
          %mul3A_396 = arith.constant 16 : i32
          %mul3A_397 = arith.muli %scan3A_391, %mul3A_396 : i32
          %add3A_398 = vector.broadcast %mul3A_397 : i32 to vector<16xi32>
          %add3A_399 = arith.addi %add3A_398, %iota3A : vector<16xi32>
          %gather3A = tpu.vector_load_idx %arg16[%broadcast_in_dim3A_219, %add3A_399] : memref<8x128xf32, #tpu.memory_space<vmem>>[vector<16xi32>, vector<16xi32>], vector<16xf32>,
          %add3A_400 = arith.constant 16 : i32
          %add3A_401 = arith.addi %mul3A_397, %add3A_400 : i32
          %add3A_402 = vector.broadcast %add3A_401 : i32 to vector<16xi32>
          %add3A_403 = arith.addi %add3A_402, %iota3A : vector<16xi32>
          %and3A = arith.constant 127 : i32
          %and3A_404 = vector.broadcast %and3A : i32 to vector<16xi32>
          %and3A_405 = arith.andi %add3A_403, %and3A_404 : vector<16xi32>
          %gather3A_406 = tpu.vector_load_idx %arg16[%broadcast_in_dim3A_219, %and3A_405] : memref<8x128xf32, #tpu.memory_space<vmem>>[vector<16xi32>, vector<16xi32>], vector<16xf32>,
          %add3A_407 = arith.constant 0 : i32
          %add3A_408 = vector.broadcast %add3A_407 : i32 to vector<16xi32>
          %add3A_409 = arith.addi %iota3A, %add3A_408 : vector<16xi32>
          %and3A_410 = arith.constant 15 : i32
          %and3A_411 = vector.broadcast %and3A_410 : i32 to vector<16xi32>
          %and3A_412 = arith.andi %add3A_409, %and3A_411 : vector<16xi32>
          %broadcast_in_dim3A_413 = vector.shape_cast %and3A_412 : vector<16xi32> to vector<16x1xi32>
          %gather3A_414 = vector.shape_cast %broadcast_in_dim3A_413 : vector<16x1xi32> to vector<16xi32>
          %gather3A_415 = tpu.dynamic_gather %gather3A[%gather3A_414] in [0] : vector<16xf32>, vector<16xi32> -> vector<16xf32>
          %add3A_416 = arith.constant 0 : i32
          %add3A_417 = arith.addi %mul3A_397, %add3A_416 : i32
          %add3A_418 = vector.broadcast %add3A_417 : i32 to vector<16xi32>
          %add3A_419 = arith.addi %add3A_418, %iota3A : vector<16xi32>
          %and3A_420 = arith.constant 127 : i32
          %and3A_421 = vector.broadcast %and3A_420 : i32 to vector<16xi32>
          %and3A_422 = arith.andi %add3A_419, %and3A_421 : vector<16xi32>
          %gather3A_423 = tpu.vector_load_idx %arg17[%select_n3A_206, %and3A_422] : memref<480x128xf32, #tpu.memory_space<vmem>>[vector<16xi32>, vector<16xi32>], vector<16xf32>,
          %mul3A_424 = arith.mulf %gather3A_423, %gather3A_415 : vector<16xf32>
          %add3A_425 = arith.addf %scan3A_392, %mul3A_424 : vector<16xf32>
          %gather3A_426 = tpu.vector_load_idx %arg17[%add3A_210, %and3A_422] : memref<480x128xf32, #tpu.memory_space<vmem>>[vector<16xi32>, vector<16xi32>], vector<16xf32>,
          %mul3A_427 = arith.mulf %gather3A_426, %gather3A_415 : vector<16xf32>
          %add3A_428 = arith.addf %scan3A_393, %mul3A_427 : vector<16xf32>
          %gather3A_429 = tpu.vector_load_idx %arg17[%add3A_214, %and3A_422] : memref<480x128xf32, #tpu.memory_space<vmem>>[vector<16xi32>, vector<16xi32>], vector<16xf32>,
          %mul3A_430 = arith.mulf %gather3A_429, %gather3A_415 : vector<16xf32>
          %add3A_431 = arith.addf %scan3A_394, %mul3A_430 : vector<16xf32>
          %gather3A_432 = tpu.vector_load_idx %arg17[%add3A_218, %and3A_422] : memref<480x128xf32, #tpu.memory_space<vmem>>[vector<16xi32>, vector<16xi32>], vector<16xf32>,
          %mul3A_433 = arith.mulf %gather3A_432, %gather3A_415 : vector<16xf32>
          %add3A_434 = arith.addf %scan3A_395, %mul3A_433 : vector<16xf32>
          %add3A_435 = arith.constant 1 : i32
          %add3A_436 = vector.broadcast %add3A_435 : i32 to vector<16xi32>
          %add3A_437 = arith.addi %iota3A, %add3A_436 : vector<16xi32>
          %and3A_438 = arith.constant 15 : i32
          %and3A_439 = vector.broadcast %and3A_438 : i32 to vector<16xi32>
          %and3A_440 = arith.andi %add3A_437, %and3A_439 : vector<16xi32>
          %broadcast_in_dim3A_441 = vector.shape_cast %and3A_440 : vector<16xi32> to vector<16x1xi32>
          %gather3A_442 = vector.shape_cast %broadcast_in_dim3A_441 : vector<16x1xi32> to vector<16xi32>
          %gather3A_443 = tpu.dynamic_gather %gather3A[%gather3A_442] in [0] : vector<16xf32>, vector<16xi32> -> vector<16xf32>
          %lt3A_444 = arith.constant 15 : i32
          %lt3A_445 = vector.broadcast %lt3A_444 : i32 to vector<16xi32>
          %lt3A_446 = arith.cmpi slt, %iota3A, %lt3A_445 : vector<16xi32>
          %broadcast_in_dim3A_447 = vector.shape_cast %and3A_440 : vector<16xi32> to vector<16x1xi32>
          %gather3A_448 = vector.shape_cast %broadcast_in_dim3A_447 : vector<16x1xi32> to vector<16xi32>
          %gather3A_449 = tpu.dynamic_gather %gather3A_406[%gather3A_448] in [0] : vector<16xf32>, vector<16xi32> -> vector<16xf32>
          %select_n3A_450 = arith.select %lt3A_446, %gather3A_443, %gather3A_449 : vector<16xi1>, vector<16xf32>
          %add3A_451 = arith.constant 1 : i32
          %add3A_452 = arith.addi %mul3A_397, %add3A_451 : i32
          %add3A_453 = vector.broadcast %add3A_452 : i32 to vector<16xi32>
          %add3A_454 = arith.addi %add3A_453, %iota3A : vector<16xi32>
          %and3A_455 = arith.constant 127 : i32
          %and3A_456 = vector.broadcast %and3A_455 : i32 to vector<16xi32>
          %and3A_457 = arith.andi %add3A_454, %and3A_456 : vector<16xi32>
          %gather3A_458 = tpu.vector_load_idx %arg17[%select_n3A_206, %and3A_457] : memref<480x128xf32, #tpu.memory_space<vmem>>[vector<16xi32>, vector<16xi32>], vector<16xf32>,
          %mul3A_459 = arith.mulf %gather3A_458, %select_n3A_450 : vector<16xf32>
          %add3A_460 = arith.addf %add3A_425, %mul3A_459 : vector<16xf32>
          %gather3A_461 = tpu.vector_load_idx %arg17[%add3A_210, %and3A_457] : memref<480x128xf32, #tpu.memory_space<vmem>>[vector<16xi32>, vector<16xi32>], vector<16xf32>,
          %mul3A_462 = arith.mulf %gather3A_461, %select_n3A_450 : vector<16xf32>
          %add3A_463 = arith.addf %add3A_428, %mul3A_462 : vector<16xf32>
          %gather3A_464 = tpu.vector_load_idx %arg17[%add3A_214, %and3A_457] : memref<480x128xf32, #tpu.memory_space<vmem>>[vector<16xi32>, vector<16xi32>], vector<16xf32>,
          %mul3A_465 = arith.mulf %gather3A_464, %select_n3A_450 : vector<16xf32>
          %add3A_466 = arith.addf %add3A_431, %mul3A_465 : vector<16xf32>
          %gather3A_467 = tpu.vector_load_idx %arg17[%add3A_218, %and3A_457] : memref<480x128xf32, #tpu.memory_space<vmem>>[vector<16xi32>, vector<16xi32>], vector<16xf32>,
          %mul3A_468 = arith.mulf %gather3A_467, %select_n3A_450 : vector<16xf32>
          %add3A_469 = arith.addf %add3A_434, %mul3A_468 : vector<16xf32>
          %add3A_470 = arith.constant 2 : i32
          %add3A_471 = vector.broadcast %add3A_470 : i32 to vector<16xi32>
          %add3A_472 = arith.addi %iota3A, %add3A_471 : vector<16xi32>
          %and3A_473 = arith.constant 15 : i32
          %and3A_474 = vector.broadcast %and3A_473 : i32 to vector<16xi32>
          %and3A_475 = arith.andi %add3A_472, %and3A_474 : vector<16xi32>
          %broadcast_in_dim3A_476 = vector.shape_cast %and3A_475 : vector<16xi32> to vector<16x1xi32>
          %gather3A_477 = vector.shape_cast %broadcast_in_dim3A_476 : vector<16x1xi32> to vector<16xi32>
          %gather3A_478 = tpu.dynamic_gather %gather3A[%gather3A_477] in [0] : vector<16xf32>, vector<16xi32> -> vector<16xf32>
          %lt3A_479 = arith.constant 14 : i32
          %lt3A_480 = vector.broadcast %lt3A_479 : i32 to vector<16xi32>
          %lt3A_481 = arith.cmpi slt, %iota3A, %lt3A_480 : vector<16xi32>
          %broadcast_in_dim3A_482 = vector.shape_cast %and3A_475 : vector<16xi32> to vector<16x1xi32>
          %gather3A_483 = vector.shape_cast %broadcast_in_dim3A_482 : vector<16x1xi32> to vector<16xi32>
          %gather3A_484 = tpu.dynamic_gather %gather3A_406[%gather3A_483] in [0] : vector<16xf32>, vector<16xi32> -> vector<16xf32>
          %select_n3A_485 = arith.select %lt3A_481, %gather3A_478, %gather3A_484 : vector<16xi1>, vector<16xf32>
          %add3A_486 = arith.constant 2 : i32
          %add3A_487 = arith.addi %mul3A_397, %add3A_486 : i32
          %add3A_488 = vector.broadcast %add3A_487 : i32 to vector<16xi32>
          %add3A_489 = arith.addi %add3A_488, %iota3A : vector<16xi32>
          %and3A_490 = arith.constant 127 : i32
          %and3A_491 = vector.broadcast %and3A_490 : i32 to vector<16xi32>
          %and3A_492 = arith.andi %add3A_489, %and3A_491 : vector<16xi32>
          %gather3A_493 = tpu.vector_load_idx %arg17[%select_n3A_206, %and3A_492] : memref<480x128xf32, #tpu.memory_space<vmem>>[vector<16xi32>, vector<16xi32>], vector<16xf32>,
          %mul3A_494 = arith.mulf %gather3A_493, %select_n3A_485 : vector<16xf32>
          %add3A_495 = arith.addf %add3A_460, %mul3A_494 : vector<16xf32>
          %gather3A_496 = tpu.vector_load_idx %arg17[%add3A_210, %and3A_492] : memref<480x128xf32, #tpu.memory_space<vmem>>[vector<16xi32>, vector<16xi32>], vector<16xf32>,
          %mul3A_497 = arith.mulf %gather3A_496, %select_n3A_485 : vector<16xf32>
          %add3A_498 = arith.addf %add3A_463, %mul3A_497 : vector<16xf32>
          %gather3A_499 = tpu.vector_load_idx %arg17[%add3A_214, %and3A_492] : memref<480x128xf32, #tpu.memory_space<vmem>>[vector<16xi32>, vector<16xi32>], vector<16xf32>,
          %mul3A_500 = arith.mulf %gather3A_499, %select_n3A_485 : vector<16xf32>
          %add3A_501 = arith.addf %add3A_466, %mul3A_500 : vector<16xf32>
          %gather3A_502 = tpu.vector_load_idx %arg17[%add3A_218, %and3A_492] : memref<480x128xf32, #tpu.memory_space<vmem>>[vector<16xi32>, vector<16xi32>], vector<16xf32>,
          %mul3A_503 = arith.mulf %gather3A_502, %select_n3A_485 : vector<16xf32>
          %add3A_504 = arith.addf %add3A_469, %mul3A_503 : vector<16xf32>
          %add3A_505 = arith.constant 3 : i32
          %add3A_506 = vector.broadcast %add3A_505 : i32 to vector<16xi32>
          %add3A_507 = arith.addi %iota3A, %add3A_506 : vector<16xi32>
          %and3A_508 = arith.constant 15 : i32
          %and3A_509 = vector.broadcast %and3A_508 : i32 to vector<16xi32>
          %and3A_510 = arith.andi %add3A_507, %and3A_509 : vector<16xi32>
          %broadcast_in_dim3A_511 = vector.shape_cast %and3A_510 : vector<16xi32> to vector<16x1xi32>
          %gather3A_512 = vector.shape_cast %broadcast_in_dim3A_511 : vector<16x1xi32> to vector<16xi32>
          %gather3A_513 = tpu.dynamic_gather %gather3A[%gather3A_512] in [0] : vector<16xf32>, vector<16xi32> -> vector<16xf32>
          %lt3A_514 = arith.constant 13 : i32
          %lt3A_515 = vector.broadcast %lt3A_514 : i32 to vector<16xi32>
          %lt3A_516 = arith.cmpi slt, %iota3A, %lt3A_515 : vector<16xi32>
          %broadcast_in_dim3A_517 = vector.shape_cast %and3A_510 : vector<16xi32> to vector<16x1xi32>
          %gather3A_518 = vector.shape_cast %broadcast_in_dim3A_517 : vector<16x1xi32> to vector<16xi32>
          %gather3A_519 = tpu.dynamic_gather %gather3A_406[%gather3A_518] in [0] : vector<16xf32>, vector<16xi32> -> vector<16xf32>
          %select_n3A_520 = arith.select %lt3A_516, %gather3A_513, %gather3A_519 : vector<16xi1>, vector<16xf32>
          %add3A_521 = arith.constant 3 : i32
          %add3A_522 = arith.addi %mul3A_397, %add3A_521 : i32
          %add3A_523 = vector.broadcast %add3A_522 : i32 to vector<16xi32>
          %add3A_524 = arith.addi %add3A_523, %iota3A : vector<16xi32>
          %and3A_525 = arith.constant 127 : i32
          %and3A_526 = vector.broadcast %and3A_525 : i32 to vector<16xi32>
          %and3A_527 = arith.andi %add3A_524, %and3A_526 : vector<16xi32>
          %gather3A_528 = tpu.vector_load_idx %arg17[%select_n3A_206, %and3A_527] : memref<480x128xf32, #tpu.memory_space<vmem>>[vector<16xi32>, vector<16xi32>], vector<16xf32>,
          %mul3A_529 = arith.mulf %gather3A_528, %select_n3A_520 : vector<16xf32>
          %add3A_530 = arith.addf %add3A_495, %mul3A_529 : vector<16xf32>
          %gather3A_531 = tpu.vector_load_idx %arg17[%add3A_210, %and3A_527] : memref<480x128xf32, #tpu.memory_space<vmem>>[vector<16xi32>, vector<16xi32>], vector<16xf32>,
          %mul3A_532 = arith.mulf %gather3A_531, %select_n3A_520 : vector<16xf32>
          %add3A_533 = arith.addf %add3A_498, %mul3A_532 : vector<16xf32>
          %gather3A_534 = tpu.vector_load_idx %arg17[%add3A_214, %and3A_527] : memref<480x128xf32, #tpu.memory_space<vmem>>[vector<16xi32>, vector<16xi32>], vector<16xf32>,
          %mul3A_535 = arith.mulf %gather3A_534, %select_n3A_520 : vector<16xf32>
          %add3A_536 = arith.addf %add3A_501, %mul3A_535 : vector<16xf32>
          %gather3A_537 = tpu.vector_load_idx %arg17[%add3A_218, %and3A_527] : memref<480x128xf32, #tpu.memory_space<vmem>>[vector<16xi32>, vector<16xi32>], vector<16xf32>,
          %mul3A_538 = arith.mulf %gather3A_537, %select_n3A_520 : vector<16xf32>
          %add3A_539 = arith.addf %add3A_504, %mul3A_538 : vector<16xf32>
          %add3A_540 = arith.constant 4 : i32
          %add3A_541 = vector.broadcast %add3A_540 : i32 to vector<16xi32>
          %add3A_542 = arith.addi %iota3A, %add3A_541 : vector<16xi32>
          %and3A_543 = arith.constant 15 : i32
          %and3A_544 = vector.broadcast %and3A_543 : i32 to vector<16xi32>
          %and3A_545 = arith.andi %add3A_542, %and3A_544 : vector<16xi32>
          %broadcast_in_dim3A_546 = vector.shape_cast %and3A_545 : vector<16xi32> to vector<16x1xi32>
          %gather3A_547 = vector.shape_cast %broadcast_in_dim3A_546 : vector<16x1xi32> to vector<16xi32>
          %gather3A_548 = tpu.dynamic_gather %gather3A[%gather3A_547] in [0] : vector<16xf32>, vector<16xi32> -> vector<16xf32>
          %lt3A_549 = arith.constant 12 : i32
          %lt3A_550 = vector.broadcast %lt3A_549 : i32 to vector<16xi32>
          %lt3A_551 = arith.cmpi slt, %iota3A, %lt3A_550 : vector<16xi32>
          %broadcast_in_dim3A_552 = vector.shape_cast %and3A_545 : vector<16xi32> to vector<16x1xi32>
          %gather3A_553 = vector.shape_cast %broadcast_in_dim3A_552 : vector<16x1xi32> to vector<16xi32>
          %gather3A_554 = tpu.dynamic_gather %gather3A_406[%gather3A_553] in [0] : vector<16xf32>, vector<16xi32> -> vector<16xf32>
          %select_n3A_555 = arith.select %lt3A_551, %gather3A_548, %gather3A_554 : vector<16xi1>, vector<16xf32>
          %add3A_556 = arith.constant 4 : i32
          %add3A_557 = arith.addi %mul3A_397, %add3A_556 : i32
          %add3A_558 = vector.broadcast %add3A_557 : i32 to vector<16xi32>
          %add3A_559 = arith.addi %add3A_558, %iota3A : vector<16xi32>
          %and3A_560 = arith.constant 127 : i32
          %and3A_561 = vector.broadcast %and3A_560 : i32 to vector<16xi32>
          %and3A_562 = arith.andi %add3A_559, %and3A_561 : vector<16xi32>
          %gather3A_563 = tpu.vector_load_idx %arg17[%select_n3A_206, %and3A_562] : memref<480x128xf32, #tpu.memory_space<vmem>>[vector<16xi32>, vector<16xi32>], vector<16xf32>,
          %mul3A_564 = arith.mulf %gather3A_563, %select_n3A_555 : vector<16xf32>
          %add3A_565 = arith.addf %add3A_530, %mul3A_564 : vector<16xf32>
          %gather3A_566 = tpu.vector_load_idx %arg17[%add3A_210, %and3A_562] : memref<480x128xf32, #tpu.memory_space<vmem>>[vector<16xi32>, vector<16xi32>], vector<16xf32>,
          %mul3A_567 = arith.mulf %gather3A_566, %select_n3A_555 : vector<16xf32>
          %add3A_568 = arith.addf %add3A_533, %mul3A_567 : vector<16xf32>
          %gather3A_569 = tpu.vector_load_idx %arg17[%add3A_214, %and3A_562] : memref<480x128xf32, #tpu.memory_space<vmem>>[vector<16xi32>, vector<16xi32>], vector<16xf32>,
          %mul3A_570 = arith.mulf %gather3A_569, %select_n3A_555 : vector<16xf32>
          %add3A_571 = arith.addf %add3A_536, %mul3A_570 : vector<16xf32>
          %gather3A_572 = tpu.vector_load_idx %arg17[%add3A_218, %and3A_562] : memref<480x128xf32, #tpu.memory_space<vmem>>[vector<16xi32>, vector<16xi32>], vector<16xf32>,
          %mul3A_573 = arith.mulf %gather3A_572, %select_n3A_555 : vector<16xf32>
          %add3A_574 = arith.addf %add3A_539, %mul3A_573 : vector<16xf32>
          %add3A_575 = arith.constant 5 : i32
          %add3A_576 = vector.broadcast %add3A_575 : i32 to vector<16xi32>
          %add3A_577 = arith.addi %iota3A, %add3A_576 : vector<16xi32>
          %and3A_578 = arith.constant 15 : i32
          %and3A_579 = vector.broadcast %and3A_578 : i32 to vector<16xi32>
          %and3A_580 = arith.andi %add3A_577, %and3A_579 : vector<16xi32>
          %broadcast_in_dim3A_581 = vector.shape_cast %and3A_580 : vector<16xi32> to vector<16x1xi32>
          %gather3A_582 = vector.shape_cast %broadcast_in_dim3A_581 : vector<16x1xi32> to vector<16xi32>
          %gather3A_583 = tpu.dynamic_gather %gather3A[%gather3A_582] in [0] : vector<16xf32>, vector<16xi32> -> vector<16xf32>
          %lt3A_584 = arith.constant 11 : i32
          %lt3A_585 = vector.broadcast %lt3A_584 : i32 to vector<16xi32>
          %lt3A_586 = arith.cmpi slt, %iota3A, %lt3A_585 : vector<16xi32>
          %broadcast_in_dim3A_587 = vector.shape_cast %and3A_580 : vector<16xi32> to vector<16x1xi32>
          %gather3A_588 = vector.shape_cast %broadcast_in_dim3A_587 : vector<16x1xi32> to vector<16xi32>
          %gather3A_589 = tpu.dynamic_gather %gather3A_406[%gather3A_588] in [0] : vector<16xf32>, vector<16xi32> -> vector<16xf32>
          %select_n3A_590 = arith.select %lt3A_586, %gather3A_583, %gather3A_589 : vector<16xi1>, vector<16xf32>
          %add3A_591 = arith.constant 5 : i32
          %add3A_592 = arith.addi %mul3A_397, %add3A_591 : i32
          %add3A_593 = vector.broadcast %add3A_592 : i32 to vector<16xi32>
          %add3A_594 = arith.addi %add3A_593, %iota3A : vector<16xi32>
          %and3A_595 = arith.constant 127 : i32
          %and3A_596 = vector.broadcast %and3A_595 : i32 to vector<16xi32>
          %and3A_597 = arith.andi %add3A_594, %and3A_596 : vector<16xi32>
          %gather3A_598 = tpu.vector_load_idx %arg17[%select_n3A_206, %and3A_597] : memref<480x128xf32, #tpu.memory_space<vmem>>[vector<16xi32>, vector<16xi32>], vector<16xf32>,
          %mul3A_599 = arith.mulf %gather3A_598, %select_n3A_590 : vector<16xf32>
          %add3A_600 = arith.addf %add3A_565, %mul3A_599 : vector<16xf32>
          %gather3A_601 = tpu.vector_load_idx %arg17[%add3A_210, %and3A_597] : memref<480x128xf32, #tpu.memory_space<vmem>>[vector<16xi32>, vector<16xi32>], vector<16xf32>,
          %mul3A_602 = arith.mulf %gather3A_601, %select_n3A_590 : vector<16xf32>
          %add3A_603 = arith.addf %add3A_568, %mul3A_602 : vector<16xf32>
          %gather3A_604 = tpu.vector_load_idx %arg17[%add3A_214, %and3A_597] : memref<480x128xf32, #tpu.memory_space<vmem>>[vector<16xi32>, vector<16xi32>], vector<16xf32>,
          %mul3A_605 = arith.mulf %gather3A_604, %select_n3A_590 : vector<16xf32>
          %add3A_606 = arith.addf %add3A_571, %mul3A_605 : vector<16xf32>
          %gather3A_607 = tpu.vector_load_idx %arg17[%add3A_218, %and3A_597] : memref<480x128xf32, #tpu.memory_space<vmem>>[vector<16xi32>, vector<16xi32>], vector<16xf32>,
          %mul3A_608 = arith.mulf %gather3A_607, %select_n3A_590 : vector<16xf32>
          %add3A_609 = arith.addf %add3A_574, %mul3A_608 : vector<16xf32>
          %add3A_610 = arith.constant 6 : i32
          %add3A_611 = vector.broadcast %add3A_610 : i32 to vector<16xi32>
          %add3A_612 = arith.addi %iota3A, %add3A_611 : vector<16xi32>
          %and3A_613 = arith.constant 15 : i32
          %and3A_614 = vector.broadcast %and3A_613 : i32 to vector<16xi32>
          %and3A_615 = arith.andi %add3A_612, %and3A_614 : vector<16xi32>
          %broadcast_in_dim3A_616 = vector.shape_cast %and3A_615 : vector<16xi32> to vector<16x1xi32>
          %gather3A_617 = vector.shape_cast %broadcast_in_dim3A_616 : vector<16x1xi32> to vector<16xi32>
          %gather3A_618 = tpu.dynamic_gather %gather3A[%gather3A_617] in [0] : vector<16xf32>, vector<16xi32> -> vector<16xf32>
          %lt3A_619 = arith.constant 10 : i32
          %lt3A_620 = vector.broadcast %lt3A_619 : i32 to vector<16xi32>
          %lt3A_621 = arith.cmpi slt, %iota3A, %lt3A_620 : vector<16xi32>
          %broadcast_in_dim3A_622 = vector.shape_cast %and3A_615 : vector<16xi32> to vector<16x1xi32>
          %gather3A_623 = vector.shape_cast %broadcast_in_dim3A_622 : vector<16x1xi32> to vector<16xi32>
          %gather3A_624 = tpu.dynamic_gather %gather3A_406[%gather3A_623] in [0] : vector<16xf32>, vector<16xi32> -> vector<16xf32>
          %select_n3A_625 = arith.select %lt3A_621, %gather3A_618, %gather3A_624 : vector<16xi1>, vector<16xf32>
          %add3A_626 = arith.constant 6 : i32
          %add3A_627 = arith.addi %mul3A_397, %add3A_626 : i32
          %add3A_628 = vector.broadcast %add3A_627 : i32 to vector<16xi32>
          %add3A_629 = arith.addi %add3A_628, %iota3A : vector<16xi32>
          %and3A_630 = arith.constant 127 : i32
          %and3A_631 = vector.broadcast %and3A_630 : i32 to vector<16xi32>
          %and3A_632 = arith.andi %add3A_629, %and3A_631 : vector<16xi32>
          %gather3A_633 = tpu.vector_load_idx %arg17[%select_n3A_206, %and3A_632] : memref<480x128xf32, #tpu.memory_space<vmem>>[vector<16xi32>, vector<16xi32>], vector<16xf32>,
          %mul3A_634 = arith.mulf %gather3A_633, %select_n3A_625 : vector<16xf32>
          %add3A_635 = arith.addf %add3A_600, %mul3A_634 : vector<16xf32>
          %gather3A_636 = tpu.vector_load_idx %arg17[%add3A_210, %and3A_632] : memref<480x128xf32, #tpu.memory_space<vmem>>[vector<16xi32>, vector<16xi32>], vector<16xf32>,
          %mul3A_637 = arith.mulf %gather3A_636, %select_n3A_625 : vector<16xf32>
          %add3A_638 = arith.addf %add3A_603, %mul3A_637 : vector<16xf32>
          %gather3A_639 = tpu.vector_load_idx %arg17[%add3A_214, %and3A_632] : memref<480x128xf32, #tpu.memory_space<vmem>>[vector<16xi32>, vector<16xi32>], vector<16xf32>,
          %mul3A_640 = arith.mulf %gather3A_639, %select_n3A_625 : vector<16xf32>
          %add3A_641 = arith.addf %add3A_606, %mul3A_640 : vector<16xf32>
          %gather3A_642 = tpu.vector_load_idx %arg17[%add3A_218, %and3A_632] : memref<480x128xf32, #tpu.memory_space<vmem>>[vector<16xi32>, vector<16xi32>], vector<16xf32>,
          %mul3A_643 = arith.mulf %gather3A_642, %select_n3A_625 : vector<16xf32>
          %add3A_644 = arith.addf %add3A_609, %mul3A_643 : vector<16xf32>
          %add3A_645 = arith.constant 7 : i32
          %add3A_646 = vector.broadcast %add3A_645 : i32 to vector<16xi32>
          %add3A_647 = arith.addi %iota3A, %add3A_646 : vector<16xi32>
          %and3A_648 = arith.constant 15 : i32
          %and3A_649 = vector.broadcast %and3A_648 : i32 to vector<16xi32>
          %and3A_650 = arith.andi %add3A_647, %and3A_649 : vector<16xi32>
          %broadcast_in_dim3A_651 = vector.shape_cast %and3A_650 : vector<16xi32> to vector<16x1xi32>
          %gather3A_652 = vector.shape_cast %broadcast_in_dim3A_651 : vector<16x1xi32> to vector<16xi32>
          %gather3A_653 = tpu.dynamic_gather %gather3A[%gather3A_652] in [0] : vector<16xf32>, vector<16xi32> -> vector<16xf32>
          %lt3A_654 = arith.constant 9 : i32
          %lt3A_655 = vector.broadcast %lt3A_654 : i32 to vector<16xi32>
          %lt3A_656 = arith.cmpi slt, %iota3A, %lt3A_655 : vector<16xi32>
          %broadcast_in_dim3A_657 = vector.shape_cast %and3A_650 : vector<16xi32> to vector<16x1xi32>
          %gather3A_658 = vector.shape_cast %broadcast_in_dim3A_657 : vector<16x1xi32> to vector<16xi32>
          %gather3A_659 = tpu.dynamic_gather %gather3A_406[%gather3A_658] in [0] : vector<16xf32>, vector<16xi32> -> vector<16xf32>
          %select_n3A_660 = arith.select %lt3A_656, %gather3A_653, %gather3A_659 : vector<16xi1>, vector<16xf32>
          %add3A_661 = arith.constant 7 : i32
          %add3A_662 = arith.addi %mul3A_397, %add3A_661 : i32
          %add3A_663 = vector.broadcast %add3A_662 : i32 to vector<16xi32>
          %add3A_664 = arith.addi %add3A_663, %iota3A : vector<16xi32>
          %and3A_665 = arith.constant 127 : i32
          %and3A_666 = vector.broadcast %and3A_665 : i32 to vector<16xi32>
          %and3A_667 = arith.andi %add3A_664, %and3A_666 : vector<16xi32>
          %gather3A_668 = tpu.vector_load_idx %arg17[%select_n3A_206, %and3A_667] : memref<480x128xf32, #tpu.memory_space<vmem>>[vector<16xi32>, vector<16xi32>], vector<16xf32>,
          %mul3A_669 = arith.mulf %gather3A_668, %select_n3A_660 : vector<16xf32>
          %add3A_670 = arith.addf %add3A_635, %mul3A_669 : vector<16xf32>
          %gather3A_671 = tpu.vector_load_idx %arg17[%add3A_210, %and3A_667] : memref<480x128xf32, #tpu.memory_space<vmem>>[vector<16xi32>, vector<16xi32>], vector<16xf32>,
          %mul3A_672 = arith.mulf %gather3A_671, %select_n3A_660 : vector<16xf32>
          %add3A_673 = arith.addf %add3A_638, %mul3A_672 : vector<16xf32>
          %gather3A_674 = tpu.vector_load_idx %arg17[%add3A_214, %and3A_667] : memref<480x128xf32, #tpu.memory_space<vmem>>[vector<16xi32>, vector<16xi32>], vector<16xf32>,
          %mul3A_675 = arith.mulf %gather3A_674, %select_n3A_660 : vector<16xf32>
          %add3A_676 = arith.addf %add3A_641, %mul3A_675 : vector<16xf32>
          %gather3A_677 = tpu.vector_load_idx %arg17[%add3A_218, %and3A_667] : memref<480x128xf32, #tpu.memory_space<vmem>>[vector<16xi32>, vector<16xi32>], vector<16xf32>,
          %mul3A_678 = arith.mulf %gather3A_677, %select_n3A_660 : vector<16xf32>
          %add3A_679 = arith.addf %add3A_644, %mul3A_678 : vector<16xf32>
          %add3A_680 = arith.constant 8 : i32
          %add3A_681 = vector.broadcast %add3A_680 : i32 to vector<16xi32>
          %add3A_682 = arith.addi %iota3A, %add3A_681 : vector<16xi32>
          %and3A_683 = arith.constant 15 : i32
          %and3A_684 = vector.broadcast %and3A_683 : i32 to vector<16xi32>
          %and3A_685 = arith.andi %add3A_682, %and3A_684 : vector<16xi32>
          %broadcast_in_dim3A_686 = vector.shape_cast %and3A_685 : vector<16xi32> to vector<16x1xi32>
          %gather3A_687 = vector.shape_cast %broadcast_in_dim3A_686 : vector<16x1xi32> to vector<16xi32>
          %gather3A_688 = tpu.dynamic_gather %gather3A[%gather3A_687] in [0] : vector<16xf32>, vector<16xi32> -> vector<16xf32>
          %lt3A_689 = arith.constant 8 : i32
          %lt3A_690 = vector.broadcast %lt3A_689 : i32 to vector<16xi32>
          %lt3A_691 = arith.cmpi slt, %iota3A, %lt3A_690 : vector<16xi32>
          %broadcast_in_dim3A_692 = vector.shape_cast %and3A_685 : vector<16xi32> to vector<16x1xi32>
          %gather3A_693 = vector.shape_cast %broadcast_in_dim3A_692 : vector<16x1xi32> to vector<16xi32>
          %gather3A_694 = tpu.dynamic_gather %gather3A_406[%gather3A_693] in [0] : vector<16xf32>, vector<16xi32> -> vector<16xf32>
          %select_n3A_695 = arith.select %lt3A_691, %gather3A_688, %gather3A_694 : vector<16xi1>, vector<16xf32>
          %add3A_696 = arith.constant 8 : i32
          %add3A_697 = arith.addi %mul3A_397, %add3A_696 : i32
          %add3A_698 = vector.broadcast %add3A_697 : i32 to vector<16xi32>
          %add3A_699 = arith.addi %add3A_698, %iota3A : vector<16xi32>
          %and3A_700 = arith.constant 127 : i32
          %and3A_701 = vector.broadcast %and3A_700 : i32 to vector<16xi32>
          %and3A_702 = arith.andi %add3A_699, %and3A_701 : vector<16xi32>
          %gather3A_703 = tpu.vector_load_idx %arg17[%select_n3A_206, %and3A_702] : memref<480x128xf32, #tpu.memory_space<vmem>>[vector<16xi32>, vector<16xi32>], vector<16xf32>,
          %mul3A_704 = arith.mulf %gather3A_703, %select_n3A_695 : vector<16xf32>
          %add3A_705 = arith.addf %add3A_670, %mul3A_704 : vector<16xf32>
          %gather3A_706 = tpu.vector_load_idx %arg17[%add3A_210, %and3A_702] : memref<480x128xf32, #tpu.memory_space<vmem>>[vector<16xi32>, vector<16xi32>], vector<16xf32>,
          %mul3A_707 = arith.mulf %gather3A_706, %select_n3A_695 : vector<16xf32>
          %add3A_708 = arith.addf %add3A_673, %mul3A_707 : vector<16xf32>
          %gather3A_709 = tpu.vector_load_idx %arg17[%add3A_214, %and3A_702] : memref<480x128xf32, #tpu.memory_space<vmem>>[vector<16xi32>, vector<16xi32>], vector<16xf32>,
          %mul3A_710 = arith.mulf %gather3A_709, %select_n3A_695 : vector<16xf32>
          %add3A_711 = arith.addf %add3A_676, %mul3A_710 : vector<16xf32>
          %gather3A_712 = tpu.vector_load_idx %arg17[%add3A_218, %and3A_702] : memref<480x128xf32, #tpu.memory_space<vmem>>[vector<16xi32>, vector<16xi32>], vector<16xf32>,
          %mul3A_713 = arith.mulf %gather3A_712, %select_n3A_695 : vector<16xf32>
          %add3A_714 = arith.addf %add3A_679, %mul3A_713 : vector<16xf32>
          %add3A_715 = arith.constant 9 : i32
          %add3A_716 = vector.broadcast %add3A_715 : i32 to vector<16xi32>
          %add3A_717 = arith.addi %iota3A, %add3A_716 : vector<16xi32>
          %and3A_718 = arith.constant 15 : i32
          %and3A_719 = vector.broadcast %and3A_718 : i32 to vector<16xi32>
          %and3A_720 = arith.andi %add3A_717, %and3A_719 : vector<16xi32>
          %broadcast_in_dim3A_721 = vector.shape_cast %and3A_720 : vector<16xi32> to vector<16x1xi32>
          %gather3A_722 = vector.shape_cast %broadcast_in_dim3A_721 : vector<16x1xi32> to vector<16xi32>
          %gather3A_723 = tpu.dynamic_gather %gather3A[%gather3A_722] in [0] : vector<16xf32>, vector<16xi32> -> vector<16xf32>
          %lt3A_724 = arith.constant 7 : i32
          %lt3A_725 = vector.broadcast %lt3A_724 : i32 to vector<16xi32>
          %lt3A_726 = arith.cmpi slt, %iota3A, %lt3A_725 : vector<16xi32>
          %broadcast_in_dim3A_727 = vector.shape_cast %and3A_720 : vector<16xi32> to vector<16x1xi32>
          %gather3A_728 = vector.shape_cast %broadcast_in_dim3A_727 : vector<16x1xi32> to vector<16xi32>
          %gather3A_729 = tpu.dynamic_gather %gather3A_406[%gather3A_728] in [0] : vector<16xf32>, vector<16xi32> -> vector<16xf32>
          %select_n3A_730 = arith.select %lt3A_726, %gather3A_723, %gather3A_729 : vector<16xi1>, vector<16xf32>
          %add3A_731 = arith.constant 9 : i32
          %add3A_732 = arith.addi %mul3A_397, %add3A_731 : i32
          %add3A_733 = vector.broadcast %add3A_732 : i32 to vector<16xi32>
          %add3A_734 = arith.addi %add3A_733, %iota3A : vector<16xi32>
          %and3A_735 = arith.constant 127 : i32
          %and3A_736 = vector.broadcast %and3A_735 : i32 to vector<16xi32>
          %and3A_737 = arith.andi %add3A_734, %and3A_736 : vector<16xi32>
          %gather3A_738 = tpu.vector_load_idx %arg17[%select_n3A_206, %and3A_737] : memref<480x128xf32, #tpu.memory_space<vmem>>[vector<16xi32>, vector<16xi32>], vector<16xf32>,
          %mul3A_739 = arith.mulf %gather3A_738, %select_n3A_730 : vector<16xf32>
          %add3A_740 = arith.addf %add3A_705, %mul3A_739 : vector<16xf32>
          %gather3A_741 = tpu.vector_load_idx %arg17[%add3A_210, %and3A_737] : memref<480x128xf32, #tpu.memory_space<vmem>>[vector<16xi32>, vector<16xi32>], vector<16xf32>,
          %mul3A_742 = arith.mulf %gather3A_741, %select_n3A_730 : vector<16xf32>
          %add3A_743 = arith.addf %add3A_708, %mul3A_742 : vector<16xf32>
          %gather3A_744 = tpu.vector_load_idx %arg17[%add3A_214, %and3A_737] : memref<480x128xf32, #tpu.memory_space<vmem>>[vector<16xi32>, vector<16xi32>], vector<16xf32>,
          %mul3A_745 = arith.mulf %gather3A_744, %select_n3A_730 : vector<16xf32>
          %add3A_746 = arith.addf %add3A_711, %mul3A_745 : vector<16xf32>
          %gather3A_747 = tpu.vector_load_idx %arg17[%add3A_218, %and3A_737] : memref<480x128xf32, #tpu.memory_space<vmem>>[vector<16xi32>, vector<16xi32>], vector<16xf32>,
          %mul3A_748 = arith.mulf %gather3A_747, %select_n3A_730 : vector<16xf32>
          %add3A_749 = arith.addf %add3A_714, %mul3A_748 : vector<16xf32>
          %add3A_750 = arith.constant 10 : i32
          %add3A_751 = vector.broadcast %add3A_750 : i32 to vector<16xi32>
          %add3A_752 = arith.addi %iota3A, %add3A_751 : vector<16xi32>
          %and3A_753 = arith.constant 15 : i32
          %and3A_754 = vector.broadcast %and3A_753 : i32 to vector<16xi32>
          %and3A_755 = arith.andi %add3A_752, %and3A_754 : vector<16xi32>
          %broadcast_in_dim3A_756 = vector.shape_cast %and3A_755 : vector<16xi32> to vector<16x1xi32>
          %gather3A_757 = vector.shape_cast %broadcast_in_dim3A_756 : vector<16x1xi32> to vector<16xi32>
          %gather3A_758 = tpu.dynamic_gather %gather3A[%gather3A_757] in [0] : vector<16xf32>, vector<16xi32> -> vector<16xf32>
          %lt3A_759 = arith.constant 6 : i32
          %lt3A_760 = vector.broadcast %lt3A_759 : i32 to vector<16xi32>
          %lt3A_761 = arith.cmpi slt, %iota3A, %lt3A_760 : vector<16xi32>
          %broadcast_in_dim3A_762 = vector.shape_cast %and3A_755 : vector<16xi32> to vector<16x1xi32>
          %gather3A_763 = vector.shape_cast %broadcast_in_dim3A_762 : vector<16x1xi32> to vector<16xi32>
          %gather3A_764 = tpu.dynamic_gather %gather3A_406[%gather3A_763] in [0] : vector<16xf32>, vector<16xi32> -> vector<16xf32>
          %select_n3A_765 = arith.select %lt3A_761, %gather3A_758, %gather3A_764 : vector<16xi1>, vector<16xf32>
          %add3A_766 = arith.constant 10 : i32
          %add3A_767 = arith.addi %mul3A_397, %add3A_766 : i32
          %add3A_768 = vector.broadcast %add3A_767 : i32 to vector<16xi32>
          %add3A_769 = arith.addi %add3A_768, %iota3A : vector<16xi32>
          %and3A_770 = arith.constant 127 : i32
          %and3A_771 = vector.broadcast %and3A_770 : i32 to vector<16xi32>
          %and3A_772 = arith.andi %add3A_769, %and3A_771 : vector<16xi32>
          %gather3A_773 = tpu.vector_load_idx %arg17[%select_n3A_206, %and3A_772] : memref<480x128xf32, #tpu.memory_space<vmem>>[vector<16xi32>, vector<16xi32>], vector<16xf32>,
          %mul3A_774 = arith.mulf %gather3A_773, %select_n3A_765 : vector<16xf32>
          %add3A_775 = arith.addf %add3A_740, %mul3A_774 : vector<16xf32>
          %gather3A_776 = tpu.vector_load_idx %arg17[%add3A_210, %and3A_772] : memref<480x128xf32, #tpu.memory_space<vmem>>[vector<16xi32>, vector<16xi32>], vector<16xf32>,
          %mul3A_777 = arith.mulf %gather3A_776, %select_n3A_765 : vector<16xf32>
          %add3A_778 = arith.addf %add3A_743, %mul3A_777 : vector<16xf32>
          %gather3A_779 = tpu.vector_load_idx %arg17[%add3A_214, %and3A_772] : memref<480x128xf32, #tpu.memory_space<vmem>>[vector<16xi32>, vector<16xi32>], vector<16xf32>,
          %mul3A_780 = arith.mulf %gather3A_779, %select_n3A_765 : vector<16xf32>
          %add3A_781 = arith.addf %add3A_746, %mul3A_780 : vector<16xf32>
          %gather3A_782 = tpu.vector_load_idx %arg17[%add3A_218, %and3A_772] : memref<480x128xf32, #tpu.memory_space<vmem>>[vector<16xi32>, vector<16xi32>], vector<16xf32>,
          %mul3A_783 = arith.mulf %gather3A_782, %select_n3A_765 : vector<16xf32>
          %add3A_784 = arith.addf %add3A_749, %mul3A_783 : vector<16xf32>
          %add3A_785 = arith.constant 11 : i32
          %add3A_786 = vector.broadcast %add3A_785 : i32 to vector<16xi32>
          %add3A_787 = arith.addi %iota3A, %add3A_786 : vector<16xi32>
          %and3A_788 = arith.constant 15 : i32
          %and3A_789 = vector.broadcast %and3A_788 : i32 to vector<16xi32>
          %and3A_790 = arith.andi %add3A_787, %and3A_789 : vector<16xi32>
          %broadcast_in_dim3A_791 = vector.shape_cast %and3A_790 : vector<16xi32> to vector<16x1xi32>
          %gather3A_792 = vector.shape_cast %broadcast_in_dim3A_791 : vector<16x1xi32> to vector<16xi32>
          %gather3A_793 = tpu.dynamic_gather %gather3A[%gather3A_792] in [0] : vector<16xf32>, vector<16xi32> -> vector<16xf32>
          %lt3A_794 = arith.constant 5 : i32
          %lt3A_795 = vector.broadcast %lt3A_794 : i32 to vector<16xi32>
          %lt3A_796 = arith.cmpi slt, %iota3A, %lt3A_795 : vector<16xi32>
          %broadcast_in_dim3A_797 = vector.shape_cast %and3A_790 : vector<16xi32> to vector<16x1xi32>
          %gather3A_798 = vector.shape_cast %broadcast_in_dim3A_797 : vector<16x1xi32> to vector<16xi32>
          %gather3A_799 = tpu.dynamic_gather %gather3A_406[%gather3A_798] in [0] : vector<16xf32>, vector<16xi32> -> vector<16xf32>
          %select_n3A_800 = arith.select %lt3A_796, %gather3A_793, %gather3A_799 : vector<16xi1>, vector<16xf32>
          %add3A_801 = arith.constant 11 : i32
          %add3A_802 = arith.addi %mul3A_397, %add3A_801 : i32
          %add3A_803 = vector.broadcast %add3A_802 : i32 to vector<16xi32>
          %add3A_804 = arith.addi %add3A_803, %iota3A : vector<16xi32>
          %and3A_805 = arith.constant 127 : i32
          %and3A_806 = vector.broadcast %and3A_805 : i32 to vector<16xi32>
          %and3A_807 = arith.andi %add3A_804, %and3A_806 : vector<16xi32>
          %gather3A_808 = tpu.vector_load_idx %arg17[%select_n3A_206, %and3A_807] : memref<480x128xf32, #tpu.memory_space<vmem>>[vector<16xi32>, vector<16xi32>], vector<16xf32>,
          %mul3A_809 = arith.mulf %gather3A_808, %select_n3A_800 : vector<16xf32>
          %add3A_810 = arith.addf %add3A_775, %mul3A_809 : vector<16xf32>
          %gather3A_811 = tpu.vector_load_idx %arg17[%add3A_210, %and3A_807] : memref<480x128xf32, #tpu.memory_space<vmem>>[vector<16xi32>, vector<16xi32>], vector<16xf32>,
          %mul3A_812 = arith.mulf %gather3A_811, %select_n3A_800 : vector<16xf32>
          %add3A_813 = arith.addf %add3A_778, %mul3A_812 : vector<16xf32>
          %gather3A_814 = tpu.vector_load_idx %arg17[%add3A_214, %and3A_807] : memref<480x128xf32, #tpu.memory_space<vmem>>[vector<16xi32>, vector<16xi32>], vector<16xf32>,
          %mul3A_815 = arith.mulf %gather3A_814, %select_n3A_800 : vector<16xf32>
          %add3A_816 = arith.addf %add3A_781, %mul3A_815 : vector<16xf32>
          %gather3A_817 = tpu.vector_load_idx %arg17[%add3A_218, %and3A_807] : memref<480x128xf32, #tpu.memory_space<vmem>>[vector<16xi32>, vector<16xi32>], vector<16xf32>,
          %mul3A_818 = arith.mulf %gather3A_817, %select_n3A_800 : vector<16xf32>
          %add3A_819 = arith.addf %add3A_784, %mul3A_818 : vector<16xf32>
          %add3A_820 = arith.constant 12 : i32
          %add3A_821 = vector.broadcast %add3A_820 : i32 to vector<16xi32>
          %add3A_822 = arith.addi %iota3A, %add3A_821 : vector<16xi32>
          %and3A_823 = arith.constant 15 : i32
          %and3A_824 = vector.broadcast %and3A_823 : i32 to vector<16xi32>
          %and3A_825 = arith.andi %add3A_822, %and3A_824 : vector<16xi32>
          %broadcast_in_dim3A_826 = vector.shape_cast %and3A_825 : vector<16xi32> to vector<16x1xi32>
          %gather3A_827 = vector.shape_cast %broadcast_in_dim3A_826 : vector<16x1xi32> to vector<16xi32>
          %gather3A_828 = tpu.dynamic_gather %gather3A[%gather3A_827] in [0] : vector<16xf32>, vector<16xi32> -> vector<16xf32>
          %lt3A_829 = arith.constant 4 : i32
          %lt3A_830 = vector.broadcast %lt3A_829 : i32 to vector<16xi32>
          %lt3A_831 = arith.cmpi slt, %iota3A, %lt3A_830 : vector<16xi32>
          %broadcast_in_dim3A_832 = vector.shape_cast %and3A_825 : vector<16xi32> to vector<16x1xi32>
          %gather3A_833 = vector.shape_cast %broadcast_in_dim3A_832 : vector<16x1xi32> to vector<16xi32>
          %gather3A_834 = tpu.dynamic_gather %gather3A_406[%gather3A_833] in [0] : vector<16xf32>, vector<16xi32> -> vector<16xf32>
          %select_n3A_835 = arith.select %lt3A_831, %gather3A_828, %gather3A_834 : vector<16xi1>, vector<16xf32>
          %add3A_836 = arith.constant 12 : i32
          %add3A_837 = arith.addi %mul3A_397, %add3A_836 : i32
          %add3A_838 = vector.broadcast %add3A_837 : i32 to vector<16xi32>
          %add3A_839 = arith.addi %add3A_838, %iota3A : vector<16xi32>
          %and3A_840 = arith.constant 127 : i32
          %and3A_841 = vector.broadcast %and3A_840 : i32 to vector<16xi32>
          %and3A_842 = arith.andi %add3A_839, %and3A_841 : vector<16xi32>
          %gather3A_843 = tpu.vector_load_idx %arg17[%select_n3A_206, %and3A_842] : memref<480x128xf32, #tpu.memory_space<vmem>>[vector<16xi32>, vector<16xi32>], vector<16xf32>,
          %mul3A_844 = arith.mulf %gather3A_843, %select_n3A_835 : vector<16xf32>
          %add3A_845 = arith.addf %add3A_810, %mul3A_844 : vector<16xf32>
          %gather3A_846 = tpu.vector_load_idx %arg17[%add3A_210, %and3A_842] : memref<480x128xf32, #tpu.memory_space<vmem>>[vector<16xi32>, vector<16xi32>], vector<16xf32>,
          %mul3A_847 = arith.mulf %gather3A_846, %select_n3A_835 : vector<16xf32>
          %add3A_848 = arith.addf %add3A_813, %mul3A_847 : vector<16xf32>
          %gather3A_849 = tpu.vector_load_idx %arg17[%add3A_214, %and3A_842] : memref<480x128xf32, #tpu.memory_space<vmem>>[vector<16xi32>, vector<16xi32>], vector<16xf32>,
          %mul3A_850 = arith.mulf %gather3A_849, %select_n3A_835 : vector<16xf32>
          %add3A_851 = arith.addf %add3A_816, %mul3A_850 : vector<16xf32>
          %gather3A_852 = tpu.vector_load_idx %arg17[%add3A_218, %and3A_842] : memref<480x128xf32, #tpu.memory_space<vmem>>[vector<16xi32>, vector<16xi32>], vector<16xf32>,
          %mul3A_853 = arith.mulf %gather3A_852, %select_n3A_835 : vector<16xf32>
          %add3A_854 = arith.addf %add3A_819, %mul3A_853 : vector<16xf32>
          %add3A_855 = arith.constant 13 : i32
          %add3A_856 = vector.broadcast %add3A_855 : i32 to vector<16xi32>
          %add3A_857 = arith.addi %iota3A, %add3A_856 : vector<16xi32>
          %and3A_858 = arith.constant 15 : i32
          %and3A_859 = vector.broadcast %and3A_858 : i32 to vector<16xi32>
          %and3A_860 = arith.andi %add3A_857, %and3A_859 : vector<16xi32>
          %broadcast_in_dim3A_861 = vector.shape_cast %and3A_860 : vector<16xi32> to vector<16x1xi32>
          %gather3A_862 = vector.shape_cast %broadcast_in_dim3A_861 : vector<16x1xi32> to vector<16xi32>
          %gather3A_863 = tpu.dynamic_gather %gather3A[%gather3A_862] in [0] : vector<16xf32>, vector<16xi32> -> vector<16xf32>
          %lt3A_864 = arith.constant 3 : i32
          %lt3A_865 = vector.broadcast %lt3A_864 : i32 to vector<16xi32>
          %lt3A_866 = arith.cmpi slt, %iota3A, %lt3A_865 : vector<16xi32>
          %broadcast_in_dim3A_867 = vector.shape_cast %and3A_860 : vector<16xi32> to vector<16x1xi32>
          %gather3A_868 = vector.shape_cast %broadcast_in_dim3A_867 : vector<16x1xi32> to vector<16xi32>
          %gather3A_869 = tpu.dynamic_gather %gather3A_406[%gather3A_868] in [0] : vector<16xf32>, vector<16xi32> -> vector<16xf32>
          %select_n3A_870 = arith.select %lt3A_866, %gather3A_863, %gather3A_869 : vector<16xi1>, vector<16xf32>
          %add3A_871 = arith.constant 13 : i32
          %add3A_872 = arith.addi %mul3A_397, %add3A_871 : i32
          %add3A_873 = vector.broadcast %add3A_872 : i32 to vector<16xi32>
          %add3A_874 = arith.addi %add3A_873, %iota3A : vector<16xi32>
          %and3A_875 = arith.constant 127 : i32
          %and3A_876 = vector.broadcast %and3A_875 : i32 to vector<16xi32>
          %and3A_877 = arith.andi %add3A_874, %and3A_876 : vector<16xi32>
          %gather3A_878 = tpu.vector_load_idx %arg17[%select_n3A_206, %and3A_877] : memref<480x128xf32, #tpu.memory_space<vmem>>[vector<16xi32>, vector<16xi32>], vector<16xf32>,
          %mul3A_879 = arith.mulf %gather3A_878, %select_n3A_870 : vector<16xf32>
          %add3A_880 = arith.addf %add3A_845, %mul3A_879 : vector<16xf32>
          %gather3A_881 = tpu.vector_load_idx %arg17[%add3A_210, %and3A_877] : memref<480x128xf32, #tpu.memory_space<vmem>>[vector<16xi32>, vector<16xi32>], vector<16xf32>,
          %mul3A_882 = arith.mulf %gather3A_881, %select_n3A_870 : vector<16xf32>
          %add3A_883 = arith.addf %add3A_848, %mul3A_882 : vector<16xf32>
          %gather3A_884 = tpu.vector_load_idx %arg17[%add3A_214, %and3A_877] : memref<480x128xf32, #tpu.memory_space<vmem>>[vector<16xi32>, vector<16xi32>], vector<16xf32>,
          %mul3A_885 = arith.mulf %gather3A_884, %select_n3A_870 : vector<16xf32>
          %add3A_886 = arith.addf %add3A_851, %mul3A_885 : vector<16xf32>
          %gather3A_887 = tpu.vector_load_idx %arg17[%add3A_218, %and3A_877] : memref<480x128xf32, #tpu.memory_space<vmem>>[vector<16xi32>, vector<16xi32>], vector<16xf32>,
          %mul3A_888 = arith.mulf %gather3A_887, %select_n3A_870 : vector<16xf32>
          %add3A_889 = arith.addf %add3A_854, %mul3A_888 : vector<16xf32>
          %add3A_890 = arith.constant 14 : i32
          %add3A_891 = vector.broadcast %add3A_890 : i32 to vector<16xi32>
          %add3A_892 = arith.addi %iota3A, %add3A_891 : vector<16xi32>
          %and3A_893 = arith.constant 15 : i32
          %and3A_894 = vector.broadcast %and3A_893 : i32 to vector<16xi32>
          %and3A_895 = arith.andi %add3A_892, %and3A_894 : vector<16xi32>
          %broadcast_in_dim3A_896 = vector.shape_cast %and3A_895 : vector<16xi32> to vector<16x1xi32>
          %gather3A_897 = vector.shape_cast %broadcast_in_dim3A_896 : vector<16x1xi32> to vector<16xi32>
          %gather3A_898 = tpu.dynamic_gather %gather3A[%gather3A_897] in [0] : vector<16xf32>, vector<16xi32> -> vector<16xf32>
          %lt3A_899 = arith.constant 2 : i32
          %lt3A_900 = vector.broadcast %lt3A_899 : i32 to vector<16xi32>
          %lt3A_901 = arith.cmpi slt, %iota3A, %lt3A_900 : vector<16xi32>
          %broadcast_in_dim3A_902 = vector.shape_cast %and3A_895 : vector<16xi32> to vector<16x1xi32>
          %gather3A_903 = vector.shape_cast %broadcast_in_dim3A_902 : vector<16x1xi32> to vector<16xi32>
          %gather3A_904 = tpu.dynamic_gather %gather3A_406[%gather3A_903] in [0] : vector<16xf32>, vector<16xi32> -> vector<16xf32>
          %select_n3A_905 = arith.select %lt3A_901, %gather3A_898, %gather3A_904 : vector<16xi1>, vector<16xf32>
          %add3A_906 = arith.constant 14 : i32
          %add3A_907 = arith.addi %mul3A_397, %add3A_906 : i32
          %add3A_908 = vector.broadcast %add3A_907 : i32 to vector<16xi32>
          %add3A_909 = arith.addi %add3A_908, %iota3A : vector<16xi32>
          %and3A_910 = arith.constant 127 : i32
          %and3A_911 = vector.broadcast %and3A_910 : i32 to vector<16xi32>
          %and3A_912 = arith.andi %add3A_909, %and3A_911 : vector<16xi32>
          %gather3A_913 = tpu.vector_load_idx %arg17[%select_n3A_206, %and3A_912] : memref<480x128xf32, #tpu.memory_space<vmem>>[vector<16xi32>, vector<16xi32>], vector<16xf32>,
          %mul3A_914 = arith.mulf %gather3A_913, %select_n3A_905 : vector<16xf32>
          %add3A_915 = arith.addf %add3A_880, %mul3A_914 : vector<16xf32>
          %gather3A_916 = tpu.vector_load_idx %arg17[%add3A_210, %and3A_912] : memref<480x128xf32, #tpu.memory_space<vmem>>[vector<16xi32>, vector<16xi32>], vector<16xf32>,
          %mul3A_917 = arith.mulf %gather3A_916, %select_n3A_905 : vector<16xf32>
          %add3A_918 = arith.addf %add3A_883, %mul3A_917 : vector<16xf32>
          %gather3A_919 = tpu.vector_load_idx %arg17[%add3A_214, %and3A_912] : memref<480x128xf32, #tpu.memory_space<vmem>>[vector<16xi32>, vector<16xi32>], vector<16xf32>,
          %mul3A_920 = arith.mulf %gather3A_919, %select_n3A_905 : vector<16xf32>
          %add3A_921 = arith.addf %add3A_886, %mul3A_920 : vector<16xf32>
          %gather3A_922 = tpu.vector_load_idx %arg17[%add3A_218, %and3A_912] : memref<480x128xf32, #tpu.memory_space<vmem>>[vector<16xi32>, vector<16xi32>], vector<16xf32>,
          %mul3A_923 = arith.mulf %gather3A_922, %select_n3A_905 : vector<16xf32>
          %add3A_924 = arith.addf %add3A_889, %mul3A_923 : vector<16xf32>
          %add3A_925 = arith.constant 15 : i32
          %add3A_926 = vector.broadcast %add3A_925 : i32 to vector<16xi32>
          %add3A_927 = arith.addi %iota3A, %add3A_926 : vector<16xi32>
          %and3A_928 = arith.constant 15 : i32
          %and3A_929 = vector.broadcast %and3A_928 : i32 to vector<16xi32>
          %and3A_930 = arith.andi %add3A_927, %and3A_929 : vector<16xi32>
          %broadcast_in_dim3A_931 = vector.shape_cast %and3A_930 : vector<16xi32> to vector<16x1xi32>
          %gather3A_932 = vector.shape_cast %broadcast_in_dim3A_931 : vector<16x1xi32> to vector<16xi32>
          %gather3A_933 = tpu.dynamic_gather %gather3A[%gather3A_932] in [0] : vector<16xf32>, vector<16xi32> -> vector<16xf32>
          %lt3A_934 = arith.constant 1 : i32
          %lt3A_935 = vector.broadcast %lt3A_934 : i32 to vector<16xi32>
          %lt3A_936 = arith.cmpi slt, %iota3A, %lt3A_935 : vector<16xi32>
          %broadcast_in_dim3A_937 = vector.shape_cast %and3A_930 : vector<16xi32> to vector<16x1xi32>
          %gather3A_938 = vector.shape_cast %broadcast_in_dim3A_937 : vector<16x1xi32> to vector<16xi32>
          %gather3A_939 = tpu.dynamic_gather %gather3A_406[%gather3A_938] in [0] : vector<16xf32>, vector<16xi32> -> vector<16xf32>
          %select_n3A_940 = arith.select %lt3A_936, %gather3A_933, %gather3A_939 : vector<16xi1>, vector<16xf32>
          %add3A_941 = arith.constant 15 : i32
          %add3A_942 = arith.addi %mul3A_397, %add3A_941 : i32
          %add3A_943 = vector.broadcast %add3A_942 : i32 to vector<16xi32>
          %add3A_944 = arith.addi %add3A_943, %iota3A : vector<16xi32>
          %and3A_945 = arith.constant 127 : i32
          %and3A_946 = vector.broadcast %and3A_945 : i32 to vector<16xi32>
          %and3A_947 = arith.andi %add3A_944, %and3A_946 : vector<16xi32>
          %gather3A_948 = tpu.vector_load_idx %arg17[%select_n3A_206, %and3A_947] : memref<480x128xf32, #tpu.memory_space<vmem>>[vector<16xi32>, vector<16xi32>], vector<16xf32>,
          %mul3A_949 = arith.mulf %gather3A_948, %select_n3A_940 : vector<16xf32>
          %add3A_950 = arith.addf %add3A_915, %mul3A_949 : vector<16xf32>
          %gather3A_951 = tpu.vector_load_idx %arg17[%add3A_210, %and3A_947] : memref<480x128xf32, #tpu.memory_space<vmem>>[vector<16xi32>, vector<16xi32>], vector<16xf32>,
          %mul3A_952 = arith.mulf %gather3A_951, %select_n3A_940 : vector<16xf32>
          %add3A_953 = arith.addf %add3A_918, %mul3A_952 : vector<16xf32>
          %gather3A_954 = tpu.vector_load_idx %arg17[%add3A_214, %and3A_947] : memref<480x128xf32, #tpu.memory_space<vmem>>[vector<16xi32>, vector<16xi32>], vector<16xf32>,
          %mul3A_955 = arith.mulf %gather3A_954, %select_n3A_940 : vector<16xf32>
          %add3A_956 = arith.addf %add3A_921, %mul3A_955 : vector<16xf32>
          %gather3A_957 = tpu.vector_load_idx %arg17[%add3A_218, %and3A_947] : memref<480x128xf32, #tpu.memory_space<vmem>>[vector<16xi32>, vector<16xi32>], vector<16xf32>,
          %mul3A_958 = arith.mulf %gather3A_957, %select_n3A_940 : vector<16xf32>
          %add3A_959 = arith.addf %add3A_924, %mul3A_958 : vector<16xf32>
          scf.yield %add3A_950, %add3A_953, %add3A_956, %add3A_959 : vector<16xf32>, vector<16xf32>, vector<16xf32>, vector<16xf32>
        }
        %scan3A_227 = arith.constant 8 : i32
        %mul3A_228 = arith.mulf %scan3A_226#0, %select_n3A : vector<16xf32>
        %abs3A = math.absf %mul3A_228 : vector<16xf32>
        %neg3A = arith.constant 0.000000e+00 : f32
        %neg3A_229 = vector.broadcast %neg3A : f32 to vector<16xf32>
        %neg3A_230 = arith.subf %neg3A_229, %abs3A : vector<16xf32>
        %exp3A = math.exp %neg3A_230 : vector<16xf32>
        %add3A_231 = arith.constant 2.000000e+00 : f32
        %add3A_232 = vector.broadcast %add3A_231 : f32 to vector<16xf32>
        %add3A_233 = arith.addf %exp3A, %add3A_232 : vector<16xf32>
        %div3A = arith.divf %exp3A, %add3A_233 : vector<16xf32>
        %mul3A_234 = arith.mulf %div3A, %div3A : vector<16xf32>
        %mul3A_235 = arith.constant 0.111111112 : f32
        %mul3A_236 = vector.broadcast %mul3A_235 : f32 to vector<16xf32>
        %mul3A_237 = arith.mulf %mul3A_234, %mul3A_236 : vector<16xf32>
        %add3A_238 = arith.constant 0.142857149 : f32
        %add3A_239 = vector.broadcast %add3A_238 : f32 to vector<16xf32>
        %add3A_240 = arith.addf %add3A_239, %mul3A_237 : vector<16xf32>
        %mul3A_241 = arith.mulf %mul3A_234, %add3A_240 : vector<16xf32>
        %add3A_242 = arith.constant 2.000000e-01 : f32
        %add3A_243 = vector.broadcast %add3A_242 : f32 to vector<16xf32>
        %add3A_244 = arith.addf %add3A_243, %mul3A_241 : vector<16xf32>
        %mul3A_245 = arith.mulf %mul3A_234, %add3A_244 : vector<16xf32>
        %add3A_246 = arith.constant 0.333333343 : f32
        %add3A_247 = vector.broadcast %add3A_246 : f32 to vector<16xf32>
        %add3A_248 = arith.addf %add3A_247, %mul3A_245 : vector<16xf32>
        %mul3A_249 = arith.mulf %mul3A_234, %add3A_248 : vector<16xf32>
        %add3A_250 = arith.constant 1.000000e+00 : f32
        %add3A_251 = vector.broadcast %add3A_250 : f32 to vector<16xf32>
        %add3A_252 = arith.addf %add3A_251, %mul3A_249 : vector<16xf32>
        %min3A_253 = arith.constant 0.000000e+00 : f32
        %min3A_254 = vector.broadcast %min3A_253 : f32 to vector<16xf32>
        %min3A_255 = arith.minimumf %mul3A_228, %min3A_254 : vector<16xf32>
        %mul3A_256 = arith.constant 2.000000e+00 : f32
        %mul3A_257 = vector.broadcast %mul3A_256 : f32 to vector<16xf32>
        %mul3A_258 = arith.mulf %mul3A_257, %div3A : vector<16xf32>
        %mul3A_259 = arith.mulf %mul3A_258, %add3A_252 : vector<16xf32>
        %sub3A = arith.subf %min3A_255, %mul3A_259 : vector<16xf32>
        %jit3A_260 = arith.constant 0.000000e+00 : f32
        %broadcast_in_dim3A_261 = vector.broadcast %jit3A_260 : f32 to vector<16xf32>
        %select_n3A_262 = arith.select %lt3A_7, %sub3A, %broadcast_in_dim3A_261 : vector<16xi1>, vector<16xf32>
        %neg3A_263 = arith.constant 0.000000e+00 : f32
        %neg3A_264 = vector.broadcast %neg3A_263 : f32 to vector<16xf32>
        %neg3A_265 = arith.subf %neg3A_264, %scan3A_226#1 : vector<16xf32>
        %abs3A_266 = math.absf %neg3A_265 : vector<16xf32>
        %neg3A_267 = arith.constant 0.000000e+00 : f32
        %neg3A_268 = vector.broadcast %neg3A_267 : f32 to vector<16xf32>
        %neg3A_269 = arith.subf %neg3A_268, %abs3A_266 : vector<16xf32>
        %exp3A_270 = math.exp %neg3A_269 : vector<16xf32>
        %add3A_271 = arith.constant 2.000000e+00 : f32
        %add3A_272 = vector.broadcast %add3A_271 : f32 to vector<16xf32>
        %add3A_273 = arith.addf %exp3A_270, %add3A_272 : vector<16xf32>
        %div3A_274 = arith.divf %exp3A_270, %add3A_273 : vector<16xf32>
        %mul3A_275 = arith.mulf %div3A_274, %div3A_274 : vector<16xf32>
        %mul3A_276 = arith.constant 0.111111112 : f32
        %mul3A_277 = vector.broadcast %mul3A_276 : f32 to vector<16xf32>
        %mul3A_278 = arith.mulf %mul3A_275, %mul3A_277 : vector<16xf32>
        %add3A_279 = arith.constant 0.142857149 : f32
        %add3A_280 = vector.broadcast %add3A_279 : f32 to vector<16xf32>
        %add3A_281 = arith.addf %add3A_280, %mul3A_278 : vector<16xf32>
        %mul3A_282 = arith.mulf %mul3A_275, %add3A_281 : vector<16xf32>
        %add3A_283 = arith.constant 2.000000e-01 : f32
        %add3A_284 = vector.broadcast %add3A_283 : f32 to vector<16xf32>
        %add3A_285 = arith.addf %add3A_284, %mul3A_282 : vector<16xf32>
        %mul3A_286 = arith.mulf %mul3A_275, %add3A_285 : vector<16xf32>
        %add3A_287 = arith.constant 0.333333343 : f32
        %add3A_288 = vector.broadcast %add3A_287 : f32 to vector<16xf32>
        %add3A_289 = arith.addf %add3A_288, %mul3A_286 : vector<16xf32>
        %mul3A_290 = arith.mulf %mul3A_275, %add3A_289 : vector<16xf32>
        %add3A_291 = arith.constant 1.000000e+00 : f32
        %add3A_292 = vector.broadcast %add3A_291 : f32 to vector<16xf32>
        %add3A_293 = arith.addf %add3A_292, %mul3A_290 : vector<16xf32>
        %min3A_294 = arith.constant 0.000000e+00 : f32
        %min3A_295 = vector.broadcast %min3A_294 : f32 to vector<16xf32>
        %min3A_296 = arith.minimumf %neg3A_265, %min3A_295 : vector<16xf32>
        %mul3A_297 = arith.constant 2.000000e+00 : f32
        %mul3A_298 = vector.broadcast %mul3A_297 : f32 to vector<16xf32>
        %mul3A_299 = arith.mulf %mul3A_298, %div3A_274 : vector<16xf32>
        %mul3A_300 = arith.mulf %mul3A_299, %add3A_293 : vector<16xf32>
        %sub3A_301 = arith.subf %min3A_296, %mul3A_300 : vector<16xf32>
        %add3A_302 = arith.addf %select_n3A_262, %sub3A_301 : vector<16xf32>
        %neg3A_303 = arith.constant 0.000000e+00 : f32
        %neg3A_304 = vector.broadcast %neg3A_303 : f32 to vector<16xf32>
        %neg3A_305 = arith.subf %neg3A_304, %scan3A_226#2 : vector<16xf32>
        %abs3A_306 = math.absf %neg3A_305 : vector<16xf32>
        %neg3A_307 = arith.constant 0.000000e+00 : f32
        %neg3A_308 = vector.broadcast %neg3A_307 : f32 to vector<16xf32>
        %neg3A_309 = arith.subf %neg3A_308, %abs3A_306 : vector<16xf32>
        %exp3A_310 = math.exp %neg3A_309 : vector<16xf32>
        %add3A_311 = arith.constant 2.000000e+00 : f32
        %add3A_312 = vector.broadcast %add3A_311 : f32 to vector<16xf32>
        %add3A_313 = arith.addf %exp3A_310, %add3A_312 : vector<16xf32>
        %div3A_314 = arith.divf %exp3A_310, %add3A_313 : vector<16xf32>
        %mul3A_315 = arith.mulf %div3A_314, %div3A_314 : vector<16xf32>
        %mul3A_316 = arith.constant 0.111111112 : f32
        %mul3A_317 = vector.broadcast %mul3A_316 : f32 to vector<16xf32>
        %mul3A_318 = arith.mulf %mul3A_315, %mul3A_317 : vector<16xf32>
        %add3A_319 = arith.constant 0.142857149 : f32
        %add3A_320 = vector.broadcast %add3A_319 : f32 to vector<16xf32>
        %add3A_321 = arith.addf %add3A_320, %mul3A_318 : vector<16xf32>
        %mul3A_322 = arith.mulf %mul3A_315, %add3A_321 : vector<16xf32>
        %add3A_323 = arith.constant 2.000000e-01 : f32
        %add3A_324 = vector.broadcast %add3A_323 : f32 to vector<16xf32>
        %add3A_325 = arith.addf %add3A_324, %mul3A_322 : vector<16xf32>
        %mul3A_326 = arith.mulf %mul3A_315, %add3A_325 : vector<16xf32>
        %add3A_327 = arith.constant 0.333333343 : f32
        %add3A_328 = vector.broadcast %add3A_327 : f32 to vector<16xf32>
        %add3A_329 = arith.addf %add3A_328, %mul3A_326 : vector<16xf32>
        %mul3A_330 = arith.mulf %mul3A_315, %add3A_329 : vector<16xf32>
        %add3A_331 = arith.constant 1.000000e+00 : f32
        %add3A_332 = vector.broadcast %add3A_331 : f32 to vector<16xf32>
        %add3A_333 = arith.addf %add3A_332, %mul3A_330 : vector<16xf32>
        %min3A_334 = arith.constant 0.000000e+00 : f32
        %min3A_335 = vector.broadcast %min3A_334 : f32 to vector<16xf32>
        %min3A_336 = arith.minimumf %neg3A_305, %min3A_335 : vector<16xf32>
        %mul3A_337 = arith.constant 2.000000e+00 : f32
        %mul3A_338 = vector.broadcast %mul3A_337 : f32 to vector<16xf32>
        %mul3A_339 = arith.mulf %mul3A_338, %div3A_314 : vector<16xf32>
        %mul3A_340 = arith.mulf %mul3A_339, %add3A_333 : vector<16xf32>
        %sub3A_341 = arith.subf %min3A_336, %mul3A_340 : vector<16xf32>
        %add3A_342 = arith.addf %add3A_302, %sub3A_341 : vector<16xf32>
        %neg3A_343 = arith.constant 0.000000e+00 : f32
        %neg3A_344 = vector.broadcast %neg3A_343 : f32 to vector<16xf32>
        %neg3A_345 = arith.subf %neg3A_344, %scan3A_226#3 : vector<16xf32>
        %abs3A_346 = math.absf %neg3A_345 : vector<16xf32>
        %neg3A_347 = arith.constant 0.000000e+00 : f32
        %neg3A_348 = vector.broadcast %neg3A_347 : f32 to vector<16xf32>
        %neg3A_349 = arith.subf %neg3A_348, %abs3A_346 : vector<16xf32>
        %exp3A_350 = math.exp %neg3A_349 : vector<16xf32>
        %add3A_351 = arith.constant 2.000000e+00 : f32
        %add3A_352 = vector.broadcast %add3A_351 : f32 to vector<16xf32>
        %add3A_353 = arith.addf %exp3A_350, %add3A_352 : vector<16xf32>
        %div3A_354 = arith.divf %exp3A_350, %add3A_353 : vector<16xf32>
        %mul3A_355 = arith.mulf %div3A_354, %div3A_354 : vector<16xf32>
        %mul3A_356 = arith.constant 0.111111112 : f32
        %mul3A_357 = vector.broadcast %mul3A_356 : f32 to vector<16xf32>
        %mul3A_358 = arith.mulf %mul3A_355, %mul3A_357 : vector<16xf32>
        %add3A_359 = arith.constant 0.142857149 : f32
        %add3A_360 = vector.broadcast %add3A_359 : f32 to vector<16xf32>
        %add3A_361 = arith.addf %add3A_360, %mul3A_358 : vector<16xf32>
        %mul3A_362 = arith.mulf %mul3A_355, %add3A_361 : vector<16xf32>
        %add3A_363 = arith.constant 2.000000e-01 : f32
        %add3A_364 = vector.broadcast %add3A_363 : f32 to vector<16xf32>
        %add3A_365 = arith.addf %add3A_364, %mul3A_362 : vector<16xf32>
        %mul3A_366 = arith.mulf %mul3A_355, %add3A_365 : vector<16xf32>
        %add3A_367 = arith.constant 0.333333343 : f32
        %add3A_368 = vector.broadcast %add3A_367 : f32 to vector<16xf32>
        %add3A_369 = arith.addf %add3A_368, %mul3A_366 : vector<16xf32>
        %mul3A_370 = arith.mulf %mul3A_355, %add3A_369 : vector<16xf32>
        %add3A_371 = arith.constant 1.000000e+00 : f32
        %add3A_372 = vector.broadcast %add3A_371 : f32 to vector<16xf32>
        %add3A_373 = arith.addf %add3A_372, %mul3A_370 : vector<16xf32>
        %min3A_374 = arith.constant 0.000000e+00 : f32
        %min3A_375 = vector.broadcast %min3A_374 : f32 to vector<16xf32>
        %min3A_376 = arith.minimumf %neg3A_345, %min3A_375 : vector<16xf32>
        %mul3A_377 = arith.constant 2.000000e+00 : f32
        %mul3A_378 = vector.broadcast %mul3A_377 : f32 to vector<16xf32>
        %mul3A_379 = arith.mulf %mul3A_378, %div3A_354 : vector<16xf32>
        %mul3A_380 = arith.mulf %mul3A_379, %add3A_373 : vector<16xf32>
        %sub3A_381 = arith.subf %min3A_376, %mul3A_380 : vector<16xf32>
        %add3A_382 = arith.addf %add3A_342, %sub3A_381 : vector<16xf32>
        %reduce_sum3A = arith.constant true
        %reduce_sum3A_383 = vector.broadcast %reduce_sum3A : i1 to vector<16xi1>
        %reduce_sum3A_384 = tpu.scan <sum>, %add3A_382 masked %reduce_sum3A_383 : vector<16xf32>, vector<16xi1> -> vector<16xf32>
        %reduce_sum3A_385 = vector.extract %reduce_sum3A_384[15] : f32 from vector<16xf32>
        %neg3A_386 = arith.constant 0.000000e+00 : f32
        %neg3A_387 = arith.subf %neg3A_386, %reduce_sum3A_385 : f32
        %broadcast_in_dim3A_388 = vector.broadcast %neg3A_387 : f32 to vector<16xf32>
        %eq3A = vector.broadcast %scan3A_187 : i32 to vector<16xi32>
        %eq3A_389 = arith.cmpi eq, %iota3A, %eq3A : vector<16xi32>
        %select_n3A_390 = arith.select %eq3A_389, %broadcast_in_dim3A_388, %scan3A_188 : vector<16xi1>, vector<16xf32>
        scf.yield %select_n3A_390 : vector<16xf32>
      }
      %scan3A_171 = arith.constant 8 : i32
      %mul3A_172 = arith.constant 8 : i32
      %mul3A_173 = arith.muli %add3A_139, %mul3A_172 : i32
      %add3A_174 = vector.broadcast %mul3A_173 : i32 to vector<16xi32>
      %add3A_175 = arith.addi %add3A_174, %iota3A : vector<16xi32>
      %lt3A_176 = arith.constant 8 : i32
      %lt3A_177 = vector.broadcast %lt3A_176 : i32 to vector<16xi32>
      %lt3A_178 = arith.cmpi slt, %iota3A, %lt3A_177 : vector<16xi32>
      tpu.vector_store_idx %arg18[%add3A_175], %scan3A_170 masked %lt3A_178 : memref<512xf32, #tpu.memory_space<vmem>>[vector<16xi32>], vector<16xf32>, vector<16xi1>
      %add3A_179 = arith.constant 2 : i32
      %add3A_180 = arith.addi %add3A_139, %add3A_179 : i32
      %lt3A_181 = arith.constant 64 : i32
      %lt3A_182 = arith.cmpi slt, %add3A_180, %lt3A_181 : i32
      %convert_element_type3A_183 = arith.extui %lt3A_182 : i1 to i32
      %cond3A_184 = arith.constant 0 : i32
      %cond3A_185 = arith.cmpi ne, %convert_element_type3A_183, %cond3A_184 : i32
      scf.if %cond3A_185 {
        %add3A_187 = arith.constant 2 : i32
        %add3A_188 = arith.addi %add3A_139, %add3A_187 : i32
        %mul3A_189 = arith.constant 512 : i32
        %mul3A_190 = arith.muli %add3A, %mul3A_189 : i32
        %mul3A_191 = arith.constant 8 : i32
        %mul3A_192 = arith.muli %add3A_188, %mul3A_191 : i32
        %add3A_193 = arith.addi %mul3A_190, %mul3A_192 : i32
        %mul3A_194 = arith.constant 10 : i32
        %mul3A_195 = arith.muli %add3A_193, %mul3A_194 : i32
        %mul3A_196 = arith.constant 50 : i32
        %mul3A_197 = arith.muli %add3A_193, %mul3A_196 : i32
        %dma_wait3A_198 = tpu.memref_slice %arg2[%add3A_193] : memref<16384xi32, #tpu.memory_space<hbm>> -> memref<8xi32, #tpu.memory_space<hbm>>
        %dma_wait3A_199 = tpu.memref_slice %arg2[%add3A_193] : memref<16384xi32, #tpu.memory_space<hbm>> -> memref<8xi32, #tpu.memory_space<hbm>>
        tpu.wait_dma2 semaphore(%arg21 : memref<!tpu.dma_semaphore, #tpu.memory_space<semaphore_mem>>) src(%dma_wait3A_199 : memref<8xi32, #tpu.memory_space<hbm>>) dst(%arg13 : memref<8xi32, #tpu.memory_space<vmem>>)
        %dma_wait3A_200 = tpu.memref_slice %arg3[%mul3A_195] : memref<163840xi32, #tpu.memory_space<hbm>> -> memref<80xi32, #tpu.memory_space<hbm>>
        %dma_wait3A_201 = tpu.memref_slice %arg3[%mul3A_195] : memref<163840xi32, #tpu.memory_space<hbm>> -> memref<80xi32, #tpu.memory_space<hbm>>
        tpu.wait_dma2 semaphore(%arg21 : memref<!tpu.dma_semaphore, #tpu.memory_space<semaphore_mem>>) src(%dma_wait3A_201 : memref<80xi32, #tpu.memory_space<hbm>>) dst(%arg14 : memref<80xi32, #tpu.memory_space<vmem>>)
        %dma_wait3A_202 = tpu.memref_slice %arg4[%mul3A_197] : memref<819200xi32, #tpu.memory_space<hbm>> -> memref<400xi32, #tpu.memory_space<hbm>>
        %dma_wait3A_203 = tpu.memref_slice %arg4[%mul3A_197] : memref<819200xi32, #tpu.memory_space<hbm>> -> memref<400xi32, #tpu.memory_space<hbm>>
        tpu.wait_dma2 semaphore(%arg21 : memref<!tpu.dma_semaphore, #tpu.memory_space<semaphore_mem>>) src(%dma_wait3A_203 : memref<400xi32, #tpu.memory_space<hbm>>) dst(%arg15 : memref<400xi32, #tpu.memory_space<vmem>>)
        %dma_start3A_204 = arith.constant 0 : i32
        %dma_start3A_205 = arith.constant 0 : i32
        %dma_start3A_206 = tpu.memref_slice %arg5[%dma_start3A_204, %dma_start3A_205] : memref<100000x128xf32, #tpu.memory_space<hbm>> -> memref<100000x128xf32, #tpu.memory_space<hbm>>
        tpu.enqueue_indirect_dma source(%dma_start3A_206 : memref<100000x128xf32, #tpu.memory_space<hbm>>) target(%arg16 : memref<8x128xf32, #tpu.memory_space<vmem>>) offsets(%arg13 : memref<8xi32, #tpu.memory_space<vmem>>) semaphore(%arg20 : memref<!tpu.dma_semaphore, #tpu.memory_space<semaphore_mem>>)
        %dma_start3A_207 = arith.constant 0 : i32
        %dma_start3A_208 = arith.constant 0 : i32
        %dma_start3A_209 = tpu.memref_slice %arg17[%dma_start3A_207, %dma_start3A_208] : memref<480x128xf32, #tpu.memory_space<vmem>> -> memref<80x128xf32, #tpu.memory_space<vmem>>
        %dma_start3A_210 = arith.constant 0 : i32
        %dma_start3A_211 = arith.constant 0 : i32
        %dma_start3A_212 = tpu.memref_slice %arg6[%dma_start3A_210, %dma_start3A_211] : memref<100000x128xf32, #tpu.memory_space<hbm>> -> memref<100000x128xf32, #tpu.memory_space<hbm>>
        tpu.enqueue_indirect_dma source(%dma_start3A_212 : memref<100000x128xf32, #tpu.memory_space<hbm>>) target(%dma_start3A_209 : memref<80x128xf32, #tpu.memory_space<vmem>>) offsets(%arg14 : memref<80xi32, #tpu.memory_space<vmem>>) semaphore(%arg20 : memref<!tpu.dma_semaphore, #tpu.memory_space<semaphore_mem>>)
        %dma_start3A_213 = arith.constant 80 : i32
        %dma_start3A_214 = arith.constant 0 : i32
        %dma_start3A_215 = tpu.memref_slice %arg17[%dma_start3A_213, %dma_start3A_214] : memref<480x128xf32, #tpu.memory_space<vmem>> -> memref<400x128xf32, #tpu.memory_space<vmem>>
        %dma_start3A_216 = arith.constant 0 : i32
        %dma_start3A_217 = tpu.memref_slice %arg15[%dma_start3A_216] : memref<400xi32, #tpu.memory_space<vmem>> -> memref<400xi32, #tpu.memory_space<vmem>>
        %dma_start3A_218 = arith.constant 0 : i32
        %dma_start3A_219 = arith.constant 0 : i32
        %dma_start3A_220 = tpu.memref_slice %arg6[%dma_start3A_218, %dma_start3A_219] : memref<100000x128xf32, #tpu.memory_space<hbm>> -> memref<100000x128xf32, #tpu.memory_space<hbm>>
        tpu.enqueue_indirect_dma source(%dma_start3A_220 : memref<100000x128xf32, #tpu.memory_space<hbm>>) target(%dma_start3A_215 : memref<400x128xf32, #tpu.memory_space<vmem>>) offsets(%dma_start3A_217 : memref<400xi32, #tpu.memory_space<vmem>>) semaphore(%arg20 : memref<!tpu.dma_semaphore, #tpu.memory_space<semaphore_mem>>)
      } else {
      }
      %scan3A_186 = arith.constant 0 : i32
      scf.yield %scan3A_186 : i32
    }
    %scan3A_85 = arith.constant 32 : i32
    %mul3A_86 = arith.constant 512 : i32
    %mul3A_87 = arith.muli %add3A, %mul3A_86 : i32
    "tpu.region"() ({
      %run_scoped3A = tpu.sem_alloc : memref<!tpu.dma_semaphore, #tpu.memory_space<semaphore_mem>>
      %dma_start3A_88 = tpu.memref_slice %arg7[%mul3A_87] : memref<16384xf32, #tpu.memory_space<hbm>> -> memref<512xf32, #tpu.memory_space<hbm>>
      %dma_start3A_89 = tpu.memref_slice %arg7[%mul3A_87] : memref<16384xf32, #tpu.memory_space<hbm>> -> memref<512xf32, #tpu.memory_space<hbm>>
      tpu.enqueue_dma source(%arg18 : memref<512xf32, #tpu.memory_space<vmem>>) target(%dma_start3A_89 : memref<512xf32, #tpu.memory_space<hbm>>) target_semaphore(%run_scoped3A : memref<!tpu.dma_semaphore, #tpu.memory_space<semaphore_mem>>)
      %dma_wait3A_90 = tpu.memref_slice %arg7[%mul3A_87] : memref<16384xf32, #tpu.memory_space<hbm>> -> memref<512xf32, #tpu.memory_space<hbm>>
      %dma_wait3A_91 = tpu.memref_slice %arg7[%mul3A_87] : memref<16384xf32, #tpu.memory_space<hbm>> -> memref<512xf32, #tpu.memory_space<hbm>>
      tpu.wait_dma2 semaphore(%run_scoped3A : memref<!tpu.dma_semaphore, #tpu.memory_space<semaphore_mem>>) src(%arg18 : memref<512xf32, #tpu.memory_space<vmem>>) dst(%dma_wait3A_91 : memref<512xf32, #tpu.memory_space<hbm>>)
      tpu.yield
    }) : () -> ()
    return
  }
}

</mosaic_0001>

<sc_bundles>
// kernel: kernel.3.cloned.1.call-start
scs
__scs_entry_jumppad:
0x0: {  	(pc) =	sbr.rel $0x88, $3  }
0x1: {  	(tag) =	ssettag $0x0;
	lr =	simm.s32 $0x1  }
0x2: {  	[smem:$0x3F9C] =	sst lr;
	_ =	strace $0xD0000000  }
0x3: {  	_ = 	snop  }
0x4: {  	_ = 	snop  }
0x5: {  	_ = 	snop  }
0x6: {  	_ = 	snop  }
0x7: {  	_ = 	snop  }
__scs_overlays_trampoline_lowered:
0x8: {  	[smem:$0x3FAB] =	sst s0  }
0x9: {  	[smem:$0x3FAC] =	sst s1  }
0xa: {  	[smem:$0x3FAD] =	sst s2  }
0xb: {  	[smem:$0x3FAE] =	sst s3  }
0xc: {  	[smem:$0x3FAF] =	sst s4  }
0xd: {  	[smem:$0x3FB0] =	sst s5  }
0xe: {  	[smem:$0x3FB1] =	sst s6  }
0xf: {  	[smem:$0x3FB2] =	sst s7  }
0x10: {  	[smem:$0x3FB3] =	sst s8  }
0x11: {  	[smem:$0x3FB4] =	sst s9;
	s0 =	simm.s32 @!p0 $0x0  }
0x12: {  	s1 =	sld [smem:$0x3F9A];
	s0 =	simm.s32 @p0 $0x1  }
0x13: {  	[smem:$0x3FB5] =	sst s0;
	s0 =	simm.s32 @!p1 $0x0  }
0x14: {  	s2 =	sld [smem:$0x3F99];
	s0 =	simm.s32 @p1 $0x1  }
0x15: {  	[smem:$0x3FB6] =	sst s0;
	s0 =	simm.s32 @!p2 $0x0  }
0x16: {  	s3 =	sld [smem:$0x3FDB];
	s0 =	simm.s32 @p2 $0x1  }
0x17: {  	s4 =	simm.s32 $0x1BF5;
	[smem:$0x3FB8] =	sst s0  }
0x18: {  	s0 =	sld [smem:$0x3F9B];
	_ =	swait.ge [sflag:s4], $0x0  }
0x19: {  	s7 =	sld [smem:$0x3F9C]  }
0x1a: {  	s8 =	sadd.s32 $0xFFFFE003, lr  }
0x1b: {  	s9 =	sadd.s32 $0xFFFFFEF7, lr;
	s5 =	simm.s32 $0xFFFFFFFF;
	p2 =	slt.u32 s8, $0xFFFFF086  }
0x1c: {  	p1 =	slt.u32 s9, $0xF7A;
	s5 =	simm.s32 @!p2 $0x0  }
0x1d: {  	s5 =	simm.s32 @p1 $0x1;
	p0 =	seq.s32 s7, s2  }
0x1e: {  	s7 =	smul.u32 @!p0 $0xF7A, s2;
	p2 =	seq.s32 @!p0 s5, $0x0  }
0x1f: {  	s9 =	smul.u32 $0xF7A, s1;
	s8 =	simm.s32 @!p0 $0x1BF5;
	p2 =	por !p2, p0  }
0x20: {  	[sflag:s8] =	ssyncset.s32 @!p0 $0xFFFFF086;
	s6 =	sadd.s32 @!p0 s3, s7;
	s7 =	simm.s32 @!p0 $0x108  }
0x21: {  	s3 =	sadd.s32 s3, s9;
	s6 =	sadd.s32 @!p0 $0x88, s6;
	s7 =	simm.s32 @p2 $0x1082  }
0x22: {  	[simem:s7], [sflag:s8] =	dma.local @!p0 [hbm:s6], $0xF7A  }
0x23: {  	s9 =	sor.u32 $0xD0000000, s2;
	s6 =	simm.s32 $0x108;
	_ =	swait.ge @!p0 [sflag:s8], $0x0  }
0x24: {  	s3 =	sadd.s32 $0x88, s3;
	s6 =	simm.s32 @!p1 $0x1082;
	[sflag:s4] =	ssyncset.s32 $0xFFFFF086  }
0x25: {  	[simem:s6], [sflag:s4] =	dma.local [hbm:s3], $0xF7A  }
0x26: {  	[smem:$0x3F9C] =	sst s1;
	(tag) =	ssettag s2;
	_ =	strace s9  }
0x27: {  	s1 =	sld [smem:$0x3FAC]  }
0x28: {  	s2 =	sld [smem:$0x3FAD]  }
0x29: {  	s4 =	sld [smem:$0x3FAF]  }
0x2a: {  	p0 =	seq.s32 s5, $0x0;
	s5 =	sld [smem:$0x3FB0]  }
0x2b: {  	s6 =	sld [smem:$0x3FB1]  }
0x2c: {  	s7 =	sld [smem:$0x3FB2]  }
0x2d: {  	s3 =	simm.s32 $0x108;
	s8 =	sld [smem:$0x3FB3]  }
0x2e: {  	s3 =	simm.s32 @!p0 $0x1082;
	s9 =	sld [smem:$0x3FB4]  }
0x2f: {  	lr =	sadd.s32 s0, s3;
	s0 =	sld [smem:$0x3FAB]  }
0x30: {  	s3 =	sld [smem:$0x3FAE]  }
0x31: {  	[smem:$0x3FB7] =	sst s10  }
0x32: {  	s10 =	sld [smem:$0x3FB5];
	_ =	sdelay $0x3  }
0x33: {  	p0 =	seq.s32 s10, $0x1;
	s10 =	sld [smem:$0x3FB7];
	_ =	sdelay $0x3  }
0x34: {  	[smem:$0x3FB7] =	sst s10  }
0x35: {  	s10 =	sld [smem:$0x3FB6];
	_ =	sdelay $0x3  }
0x36: {  	p1 =	seq.s32 s10, $0x1;
	s10 =	sld [smem:$0x3FB7];
	_ =	sdelay $0x3  }
0x37: {  	[smem:$0x3FB7] =	sst s10  }
0x38: {  	s10 =	sld [smem:$0x3FB8]  }
0x39: {  	_ = 	snop;
	(pc) =	sbr.ind lr, $3  }
0x3a: {  	_ = 	snop  }
0x3b: {  	_ = 	snop  }
0x3c: {  	p2 =	seq.s32 s10, $0x1;
	s10 =	sld [smem:$0x3FB7]  }
0x3d: {  	_ =	shalt  }
0x3e: {  	_ =	shalt  }
0x3f: {  	_ =	shalt  }
0x40: {  	_ =	shalt  }
0x41: {  	_ =	shalt  }
0x42: {  	_ =	shalt  }
0x43: {  	_ =	shalt  }
0x44: {  	_ =	shalt  }
0x45: {  	_ =	shalt  }
0x46: {  	_ =	shalt  }
0x47: {  	_ =	shalt  }
0x48: {  	_ =	shalt  }
0x49: {  	_ =	shalt  }
0x4a: {  	_ =	shalt  }
0x4b: {  	_ =	shalt  }
0x4c: {  	_ =	shalt  }
0x4d: {  	_ =	shalt  }
0x4e: {  	_ =	shalt  }
0x4f: {  	_ =	shalt  }
0x50: {  	_ =	shalt  }
0x51: {  	_ =	shalt  }
0x52: {  	_ =	shalt  }
0x53: {  	_ =	shalt  }
0x54: {  	_ =	shalt  }
0x55: {  	_ =	shalt  }
0x56: {  	_ =	shalt  }
0x57: {  	_ =	shalt  }
0x58: {  	_ =	shalt  }
0x59: {  	_ =	shalt  }
0x5a: {  	_ =	shalt  }
0x5b: {  	_ =	shalt  }
0x5c: {  	_ =	shalt  }
0x5d: {  	_ =	shalt  }
0x5e: {  	_ =	shalt  }
0x5f: {  	_ =	shalt  }
0x60: {  	_ =	shalt  }
0x61: {  	_ =	shalt  }
0x62: {  	_ =	shalt  }
0x63: {  	_ =	shalt  }
0x64: {  	_ =	shalt  }
0x65: {  	_ =	shalt  }
0x66: {  	_ =	shalt  }
0x67: {  	_ =	shalt  }
0x68: {  	_ =	shalt  }
0x69: {  	_ =	shalt  }
0x6a: {  	_ =	shalt  }
0x6b: {  	_ =	shalt  }
0x6c: {  	_ =	shalt  }
0x6d: {  	_ =	shalt  }
0x6e: {  	_ =	shalt  }
0x6f: {  	_ =	shalt  }
0x70: {  	_ =	shalt  }
0x71: {  	_ =	shalt  }
0x72: {  	_ =	shalt  }
0x73: {  	_ =	shalt  }
0x74: {  	_ =	shalt  }
0x75: {  	_ =	shalt  }
0x76: {  	_ =	shalt  }
0x77: {  	_ =	shalt  }
0x78: {  	_ =	shalt  }
0x79: {  	_ =	shalt  }
0x7a: {  	_ =	shalt  }
0x7b: {  	_ =	shalt  }
0x7c: {  	_ =	shalt  }
0x7d: {  	_ =	shalt  }
0x7e: {  	_ =	shalt  }
0x7f: {  	_ =	shalt  }
0x80: {  	_ =	shalt  }
0x81: {  	_ =	shalt  }
0x82: {  	_ =	shalt  }
0x83: {  	_ =	shalt  }
0x84: {  	_ =	shalt  }
0x85: {  	_ =	shalt  }
0x86: {  	_ =	shalt  }
0x87: {  	_ =	shalt  }
.Lfunc_end0:
.L_simem_size_0:
called_computation_lowered:
.L_overlay_start_0:
0x88: {  	s2 =	sld [smem:$0x3FD9]  }
0x89: {  	s3 =	sld [smem:$0x3FFE];
	_ =	sdelay $0x1  }
0x8a: {  	s1 =	srdreg.scid  }
0x8b: {  	s0 =	sand.u32 $0x1, s1  }
0x8c: {  	s17 =	sshll.u32 s0, $0xA;
	s2 =	sadd.s32 s3, s2  }
0x8d: {  	s2 =	sadd.s32 s2, s17  }
0x8e: {  	[smem:$0x3FC3] =	sst s2  }
0x8f: {  	_ = 	snop  }
0x90: {  	s2 =	sld [smem:$0x3FC9]  }
0x91: {  	s18 =	sld [smem:$0x3FC6]  }
0x92: {  	s4 =	sld [smem:$0x3FC5]  }
0x93: {  	s5 =	sld [smem:$0x3FD0];
	(tm) =	ssettm $0x1  }
0x94: {  	s6 =	sld [smem:$0x3FFB];
	_ =	sdelay $0x3  }
0x95: {  	_ =	strace s6  }
0x96: {  	s6 =	sld [smem:$0x3FFC];
	_ =	sdelay $0x3  }
0x97: {  	_ =	strace s6  }
0x98: {  	s6 =	sld [smem:$0x3FFD];
	_ =	sdelay $0x3  }
0x99: {  	_ =	strace s6  }
0x9a: {  	_ =	strace $0x8FFFFFFF  }
0x9b: {  	s19 =	sld [smem:$0x3FDB];
	_ =	sdelay $0x1  }
0x9c: {  	s7 =	simm.s32 $_scs_section_size  }
0x9d: {  	s8 =	simm.s32 $_size__tile_overlayer_lowered;
	s9 =	simm.s32 $_tile_overlayer_lowered  }
0x9e: {  	s22 =	simm.s32 $0x1BFF;
	s21 =	sshll.u32 s9, $0x1;
	s6 =	sadd.s32 s7, s19  }
0x9f: {  	s10 =	simm.s32 $0x0;
	s20 =	sshll.u32 s8, $0x1;
	s8 =	sadd.s32 s21, s6  }
0xa0: {  	[timem:s10], [sflag:s22] =	dma.local [hbm:s8], s20  }
0xa1: {  	_ =	swait.ge [sflag:s22], s20  }
0xa2: {  	s7 =	ssub.s32 $0x0, s20;
	[sflag:s22] =	ssyncset.done $0x0  }
0xa3: {  	[sflag:s22] =	ssyncadd.s32 s7;
	_ =	sdelay $0x1  }
0xa4: {  	s23 =	simm.s32 $0x1B8B  }
0xa5: {  	_ =	swait.ge [sflag:s23], $0x1  }
0xa6: {  	[sflag:s23] =	ssyncset.done $0x0  }
0xa7: {  	s25 =	simm.s32 $0x1B8E;
	s24 =	sld [smem:$0x3FFE];
	[sflag:s23] =	ssyncadd.s32 $0xFFFFFFFF  }
0xa8: {  	s26 =	simm.s32 $execute0_lowered;
	[smem:$0x3FD2] =	sst s25  }
0xa9: {  	s8 =	sshll.u32 s26, $0x1;
	_ =	strace $0x80000046;
	[dreg:$0x1] =	wrdreg $0xFFFFFFFF  }
0xaa: {  	s28 =	simm.s32 $_size_execute0_lowered;
	s6 =	sadd.s32 s6, s8;
	[dreg:$0x0] =	wrdreg $0x0  }
0xab: {  	s8 =	sshll.u32 s28, $0x1;
	[dreg:$0x2] =	wrdreg s6  }
0xac: {  	[dreg:$0x3] =	wrdreg s8  }
0xad: {  	[dreg:$0x4] =	wrdreg $0xC0  }
0xae: {  	_ =	task [dreg:s10], $0x5FFFF  }
0xaf: {  	[dreg:$0x1] =	wrdreg $0xFFFFFFFF  }
0xb0: {  	[dreg:$0x0] =	wrdreg $0x60  }
0xb1: {  	[dreg:$0x2] =	wrdreg s2  }
0xb2: {  	[dreg:$0x3] =	wrdreg s24  }
0xb3: {  	[dreg:$0x4] =	wrdreg s18  }
0xb4: {  	[dreg:$0x5] =	wrdreg s4  }
0xb5: {  	[dreg:$0x6] =	wrdreg s5  }
0xb6: {  	[dreg:$0x7] =	wrdreg $0x9  }
0xb7: {  	_ =	task.clear_ibuf [dreg:s10], $0x8FFFF;
	_ =	strace $0x90000046  }
0xb8: {  	s29 =	simm.s32 $0x9;
	_ =	strace $0x80000048  }
0xb9: {  	_ =	swait.ge [sflag:s29], $0x1  }
0xba: {  	[sflag:s29] =	ssyncadd.s32 $0xFFFFFFFF  }
0xbb: {  	_ =	strace $0x90000048  }
0xbc: {  	_ =	sfence  }
0xbd: {  	s30 =	sld [smem:$0x0];
	_ =	sdelay $0x2  }
0xbe: {  	s31 =	sshll.u32 s1, $0xD;
	s1 =	sshrl.u32 s1, $0x2  }
0xbf: {  	s3 =	sand.u32 $0x4000, s31;
	s1 =	sadd.s32 s1, s30  }
0xc0: {  	s0 =	sor.u32 s3, s0;
	s1 =	sshll.u32 s1, $0x11  }
0xc1: {  	s0 =	sor.u32 s1, s0  }
0xc2: {  	s0 =	sadd.s32 $0x8F2B, s0  }
0xc3: {  	[sflag:s0] =	ssyncadd.remote.s32 $0x1  }
0xc4: {  	_ =	sfence.sel $0xFFFF  }
0xc5: {  	[dreg:$0x0] =	wrdreg $0xFFFFFFFF;
	(pc) =	sbr.abs _section_cstart, $3  }
0xc6: {  	[dreg:$0x1] =	wrdreg $0xFFFFFFFF  }
0xc7: {  	_ =	task.clear_ibuf [dreg:s10], $0x2FFFF;
	_ =	strace $0x9FFFFFFF  }
0xc8: {  	(tm) =	ssettm $0x7FFFFFFF  }
0xc9: {  	_ =	shalt  }
tec
execute0_lowered:
.L_overlay_start_1:
0x0: {  	(tag) =	ssettag $0x1  }
0x1: {  	v0 =	vimm.s32 $0xFEDCBA9;
	v1 =	vimm.s32 $0x87654321  }
0x2: {  	v28 =	vlaneseq.u32;
	vm0 =	vmmov $0x3ff;
	v4 =	vimm.s32 $0x10FEDCBA  }
0x3: {  	v6 =	vimm.s32 $0x98765432;
	v39 =	vimm.s32 $0x210FEDCB;
	v40 =	vimm.s32 $0xA9876543  }
0x4: {  	v7 =	vimm.s32 $0x3210FEDC;
	v8 =	vimm.s32 $0xBA987654;
	vm1 =	vmmov $0x7fff  }
0x5: {  	vm2 =	vmmov $0x3fff;
	v10 =	vimm.s32 $0x43210FED;
	v12 =	vimm.s32 $0xCBA98765  }
0x6: {  	vm3 =	vmmov $0x1fff;
	v43 =	vimm.s32 $0x543210FE;
	v45 =	vimm.s32 $0xDCBA9876  }
0x7: {  	v13 =	vimm.s32 $0x6543210F;
	v14 =	vimm.s32 $0xEDCBA987;
	v46 =	vimm.s32 $0xFEDCBA98  }
0x8: {  	v17 =	vimm.s32 $0x76543210;
	v60 =	vimm.f32 $-1.000000000e+00;
	vm15 =	vcmask $0x2700  }
0x9: {  	v2 =	vunpack.c.l.s4.s8 v0;
	v1 =	vunpack.c.l.s4.s8 v1;
	v36 =	vmul.u32 $0x80, v28  }
0xa: {  	v3 =	vshrl.u32 v28, $0x3;
	v4 =	vunpack.c.l.s4.s8 v4;
	v37 =	vand.u32 $0x7, v28  }
0xb: {  	v38 =	vunpack.c.l.s4.s8 v6;
	v6 =	vunpack.c.l.s4.s8 v40;
	v7 =	vunpack.c.l.s4.s8 v7  }
0xc: {  	s0 =	rddreg [dreg:$0x0];
	v8 =	vunpack.c.l.s4.s8 v8;
	v10 =	vunpack.c.l.s4.s8 v10;
	v42 =	vunpack.c.l.s4.s8 v12  }
0xd: {  	s4 =	rddreg [dreg:$0x1];
	v12 =	vunpack.c.l.s4.s8 v45;
	v13 =	vunpack.c.l.s4.s8 v13;
	v14 =	vunpack.c.l.s4.s8 v14  }
0xe: {  	s1 =	rddreg [dreg:$0x2];
	v17 =	vunpack.c.l.s4.s8 v17;
	v61 =	vsel vm15, $0x3F800000, v60;
	v29 =	vmul.u32 $0x8, v3  }
0xf: {  	s2 =	rddreg [dreg:$0x3];
	v2 =	vunpack.c.0.s8.s32 v2;
	v13 =	vunpack.c.0.s8.s32 v13;
	v18 =	vunpack.c.0.s8.s32 v14  }
0x10: {  	s3 =	rddreg [dreg:$0x4];
	s16 =	simm.s32 $0x0;
	s6 =	srdreg.scid;
	[tilespmem:$0x1FEE0] =	vst v37;
	v1 =	vunpack.c.0.s8.s32 v1;
	v4 =	vunpack.c.0.s8.s32 v4;
	v3 =	vunpack.c.0.s8.s32 v38  }
0x11: {  	s5 =	stileid.u32;
	s28 =	simm.s32 $0xF5F0;
	[smem:$0x7FF] =	sst s16;
	[tilespmem:$0x1FED0] =	vst v36;
	v7 =	vunpack.c.0.s8.s32 v7;
	v8 =	vunpack.c.0.s8.s32 v8;
	v47 =	vcombine.low v18, v13  }
0x12: {  	s29 =	simm.s32 $0xF640;
	s30 =	simm.s32 $0xF7D0;
	v6 =	vunpack.c.0.s8.s32 v6;
	_ =	strace $0x80000047;
	[tilespmem:$0x1FEF0] =	vst v61;
	v5 =	vcombine.low v1, v2;
	v1 =	vcombine.low v2, v1  }
0x13: {  	s31 =	simm.s32 $0xFBD0;
	s8 =	sand.u32 $0x1, s6;
	s7 =	sshll.u32 s5, $0x1;
	v10 =	vunpack.c.0.s8.s32 v10;
	[tilespmem:$0x1FF00] =	vst v29;
	v51 =	vcombine.low v7, v8;
	v25 =	vand.u32 $0xF, v47  }
0x14: {  	s6 =	sadd.s32 $0x600, s4;
	s9 =	sor.u32 s8, s7;
	s7 =	sadd.s32 $0x5600, s4;
	v14 =	vunpack.c.l.s4.s8 v46;
	v48 =	vunpack.c.0.s8.s32 v17;
	v30 =	vand.u32 $0xF, v1;
	[tilespmem:$0x1FF10] =	vst v25  }
0x15: {  	s8 =	ssub.s32 $0x2, s8;
	s4 =	simm.s32 $0x1;
	s10 =	smul.u32 $0x280, s9;
	v9 =	vcombine.low v3, v4;
	v11 =	vcombine.low v8, v7;
	v63 =	vand.u32 $0xF, v51;
	[tilespmem:$0x1FF30] =	vst v30  }
0x16: {  	s26 =	sshll.u32 s9, $0x9;
	s11 =	smul.u32 $0xC80, s9;
	s9 =	sshll.u32 s9, $0x6;
	v14 =	vunpack.c.0.s8.s32 v14;
	v3 =	vcombine.low v4, v3;
	v31 =	vand.u32 $0xF, v5;
	[tilespmem:$0x1FF80] =	vst v63  }
0x17: {  	s13 =	sshrl.u32 s8, $0x1;
	s12 =	sor.u32 $0x8, s26;
	s15 =	sadd.s32 s0, s9;
	v5 =	vunpack.c.l.s4.s8 v39;
	v44 =	vand.u32 $0xF, v9;
	v9 =	vunpack.c.0.s8.s32 v42;
	[tilespmem:$0x1FF90] =	vst v31  }
0x18: {  	s8 =	ssub.s32 s8, s13;
	s3 =	sadd.s32 s3, s9;
	[dreg:$0x6] =	wrdreg s15;
	v53 =	vand.u32 $0xF, v11;
	v11 =	vunpack.c.l.s4.s8 v43;
	v49 =	vand.u32 $0xF, v14;
	[tilespmem:$0x1FFA0] =	vst v44  }
0x19: {  	s14 =	smul.u32 $0xA, s12;
	s18 =	sadd.s32 s6, s10;
	[dreg:$0xc] =	wrdreg s3;
	v59 =	vand.u32 $0xF, v3;
	v39 =	vcombine.low v49, v48;
	[tilespmem:$0x1FFC0] =	vst v53;
	v56 =	vcombine.low v10, v9  }
0x1a: {  	v12 =	vunpack.c.0.s8.s32 v12;
	s17 =	smul.u32 $0x32, s12;
	s19 =	sadd.s32 s7, s11;
	v58 =	vcombine.low v13, v18;
	[dreg:$0x7] =	wrdreg s18;
	[tilespmem:$0x1FFF0] =	vst v59;
	v5 =	vunpack.c.0.s8.s32 v5  }
0x1b: {  	s20 =	sshrl.u32 s12, $0x3;
	s15 =	sor.u32 $0x18, s26;
	[dreg:$0x8] =	wrdreg s19;
	v15 =	vcombine.low v9, v10;
	v11 =	vunpack.c.0.s8.s32 v11;
	[tilespmem:$0x1FF20] =	vst v39;
	v62 =	vand.u32 $0xF, v56  }
0x1c: {  	vm4 =	vmmov $0xfff;
	s21 =	sadd.s32 s0, s20;
	s18 =	simm.s32 $0x8;
	s20 =	simm.s32 $0x3;
	v50 =	vcombine.low v5, v6;
	v56 =	vand.u32 $0xF, v58;
	[tilespmem:$0x1FF50] =	vst v62  }
0x1d: {  	vm5 =	vmmov $0x7ff;
	[dreg:$0x9] =	wrdreg s21;
	s22 =	sshrl.u32 s14, $0x3;
	s23 =	sshrl.u32 s17, $0x3;
	v54 =	vand.u32 $0xF, v15;
	v57 =	vcombine.low v11, v12;
	[tilespmem:$0x1FF70] =	vst v56  }
.Ltmp0:
0x1e: {  	vm6 =	vmmov $0x1ff;
	s14 =	sor.u32 $0x10, s26;
	s26 =	smax.u32 s8, $0x1;
	v41 =	vcombine.low v6, v5;
	[tilespmem:$0x1FFD0] =	vst v54;
	v47 =	vand.u32 $0xF, v50;
	(pc) =	sbr.rel .LBB2_1-.Ltmp0, $4  }
0x1f: {  	vm7 =	vmmov $0xff;
	s21 =	simm.s32 $0x1E8;
	s8 =	simm.s32 $0x0;
	s24 =	sadd.s32 s6, s22;
	v16 =	vcombine.low v12, v11;
	v49 =	vand.u32 $0xF, v57;
	[tilespmem:$0x1FF40] =	vst v47  }
0x20: {  	vm8 =	vmmov $0x7f;
	vm9 =	vmmov $0x3f;
	s25 =	sadd.s32 s7, s23;
	[dreg:$0xd] =	wrdreg s26;
	s22 =	simm.s32 $0x50;
	v52 =	vand.u32 $0xF, v41;
	[tilespmem:$0x1FF60] =	vst v49  }
0x21: {  	vm10 =	vmmov $0x1f;
	vm11 =	vmmov $0xf;
	s23 =	simm.s32 $0x5E8;
	s26 =	simm.s32 $0xF5E8;
	[dreg:$0xa] =	wrdreg s24;
	v55 =	vand.u32 $0xF, v16;
	[tilespmem:$0x1FFB0] =	vst v52  }
0x22: {  	vm12 =	vmmov $0x7;
	vm13 =	vmmov $0x3;
	vm14 =	vmmov $0x1;
	[dreg:$0xb] =	wrdreg s25;
	s24 =	simm.s32 $0x190;
	s25 =	simm.s32 $0x1EBD0;
	[tilespmem:$0x1FFE0] =	vst v55  }
.LBB2_12:
0x23: {  	s16 =	simm.s32 $0x0;
	s3 =	rddreg [dreg:$0xc];
	s5 =	simm.s32 $0x4  }
0x24: {  	[hbm4b:s3+s16] =	stream.linear.scatter [tilespmem:s25], [sflag:$0x4], $0x200, $0x38;
	[tilespmem:$0x1EDD0] =	vst v63  }
0x25: {  	_ =	swait.ge [sflag:s5], $0x200  }
0x26: {  	s8 =	rddreg [dreg:$0xe]  }
0x27: {  	s19 =	rddreg [dreg:$0xd];
	s8 =	sadd.s32 $0x1, s8  }
0x28: {  	p0 =	sne.s32 s8, s19  }
.Ltmp1:
0x29: {  	_ = 	snop;
	(pc) =	sbr.rel @!p0 .LBB2_13-.Ltmp1, $3  }
0x2a: {  	_ =	sdelay $0x1  }
0x2b: {  	[sflag:s5] =	ssyncset.done $0x0  }
0x2c: {  	[sflag:s5] =	ssyncadd.s32 $0xFFFFFE00  }
.LBB2_1:
0x2d: {  	[dreg:$0xe] =	wrdreg s8  }
0x2e: {  	s3 =	rddreg [dreg:$0x6]  }
0x2f: {  	[tilespmem:s16], [sflag:$0x3] =	stream.linear.gather [hbm4b:s3+s16], $0x8, $0x38;
	[tilespmem:$0x1EDD0] =	vst v63  }
0x30: {  	s9 =	rddreg [dreg:$0x7]  }
0x31: {  	[tilespmem:s18], [sflag:$0x3] =	stream.linear.gather [hbm4b:s9+s16], $0x50, $0x38;
	[tilespmem:$0x1EDD0] =	vst v63  }
0x32: {  	s10 =	rddreg [dreg:$0x8];
	s5 =	simm.s32 $0x58  }
0x33: {  	[tilespmem:s5], [sflag:$0x3] =	stream.linear.gather [hbm4b:s10+s16], $0x190, $0x38;
	[tilespmem:$0x1EDD0] =	vst v63  }
0x34: {  	_ =	swait.ge [sflag:s20], $0x8  }
0x35: {  	[sflag:s20] =	ssyncset.done $0x0  }
0x36: {  	[sflag:s20] =	ssyncadd.s32 $0xFFFFFFF8  }
0x37: {  	_ =	swait.ge [sflag:s20], $0x50  }
0x38: {  	[sflag:s20] =	ssyncset.done $0x0  }
0x39: {  	[sflag:s20] =	ssyncadd.s32 $0xFFFFFFB0  }
0x3a: {  	_ =	swait.ge [sflag:s20], $0x190  }
0x3b: {  	[sflag:s20] =	ssyncset.done $0x0  }
0x3c: {  	[sflag:s20] =	ssyncadd.s32 $0xFFFFFE70  }
0x3d: {  	[tilespmem:s21], [sflag:$0x1] =	stream.indirect.gather [hbm4b:s1+s18], $0x80, s16, s18, $0xb8;
	[tilespmem:$0x1EDD0] =	vst v63  }
0x3e: {  	_ = 	snop  }
0x3f: {  	[tilespmem:s23], [sflag:$0x1] =	stream.indirect.gather [hbm4b:s2+s22], $0x80, s18, s22, $0xb8;
	[tilespmem:$0x1EDD0] =	vst v63  }
0x40: {  	s11 =	simm.s32 $0x2DE8  }
0x41: {  	[tilespmem:s11], [sflag:$0x1] =	stream.indirect.gather [hbm4b:s2+s24], $0x80, s5, s24, $0xb8;
	[tilespmem:$0x1EDD0] =	vst v63  }
0x42: {  	s12 =	rddreg [dreg:$0x9]  }
0x43: {  	[tilespmem:s26], [sflag:$0x3] =	stream.linear.gather [hbm4b:s12+s16], $0x8, $0x38;
	[tilespmem:$0x1EDD0] =	vst v63  }
0x44: {  	s13 =	rddreg [dreg:$0xa]  }
0x45: {  	[tilespmem:s28], [sflag:$0x3] =	stream.linear.gather [hbm4b:s13+s16], $0x50, $0x38;
	[tilespmem:$0x1EDD0] =	vst v63  }
0x46: {  	s17 =	rddreg [dreg:$0xb]  }
0x47: {  	[tilespmem:s29], [sflag:$0x3] =	stream.linear.gather [hbm4b:s17+s16], $0x190, $0x38;
	[tilespmem:$0x1EDD0] =	vst v63  }
0x48: {  	_ =	swait.ge [sflag:s20], $0x8  }
0x49: {  	[sflag:s20] =	ssyncset.done $0x0  }
0x4a: {  	[sflag:s20] =	ssyncadd.s32 $0xFFFFFFF8  }
0x4b: {  	_ =	swait.ge [sflag:s20], $0x50  }
0x4c: {  	[sflag:s20] =	ssyncset.done $0x0  }
0x4d: {  	[sflag:s20] =	ssyncadd.s32 $0xFFFFFFB0  }
0x4e: {  	_ =	swait.ge [sflag:s20], $0x190  }
0x4f: {  	[sflag:s20] =	ssyncset.done $0x0  }
0x50: {  	[sflag:s20] =	ssyncadd.s32 $0xFFFFFE70  }
0x51: {  	[tilespmem:s30], [sflag:$0x2] =	stream.indirect.gather [hbm4b:s1+s18], $0x80, s26, s18, $0xb8;
	[tilespmem:$0x1EDD0] =	vst v63  }
0x52: {  	_ = 	snop  }
0x53: {  	[tilespmem:s31], [sflag:$0x2] =	stream.indirect.gather [hbm4b:s2+s22], $0x80, s28, s22, $0xb8;
	[tilespmem:$0x1EDD0] =	vst v63  }
0x54: {  	s19 =	simm.s32 $0x123D0;
	s9 =	simm.s32 $0x0  }
0x55: {  	[tilespmem:s19], [sflag:$0x2] =	stream.indirect.gather [hbm4b:s2+s24], $0x80, s29, s24, $0xb8;
	[tilespmem:$0x1EDD0] =	vst v63  }
.LBB2_2:
0x56: {  	_ =	swait.ge [sflag:s4], $0x400  }
0x57: {  	[sflag:s4] =	ssyncset.done $0x0  }
0x58: {  	[sflag:s4] =	ssyncadd.s32 $0xFFFFFC00  }
0x59: {  	_ =	swait.ge [sflag:s4], $0x2800  }
0x5a: {  	[sflag:s4] =	ssyncset.done $0x0  }
0x5b: {  	s10 =	sshll.u32 s9, $0x4;
	p0 =	seq.s32 s9, $0x1F;
	[sflag:s4] =	ssyncadd.s32 $0xFFFFD800  }
0x5c: {  	s11 =	sadd.s32 @!p0 s10, s14;
	s13 =	simm.s32 @!p0 $0x0;
	_ =	swait.ge [sflag:s4], $0xC800  }
0x5d: {  	s12 =	sshrl.u32 @!p0 s11, $0x3;
	s16 =	smul.u32 @!p0 $0xA, s11;
	[sflag:s4] =	ssyncset.done $0x0  }
0x5e: {  	s11 =	smul.u32 @!p0 $0x32, s11;
	s12 =	sadd.s32 @!p0 s0, s12;
	[sflag:s4] =	ssyncadd.s32 $0xFFFF3800  }
0x5f: {  	[tilespmem:s13], [sflag:$0x3] =	stream.linear.gather @!p0 [hbm4b:s12+s13], $0x8, $0x38;
	[tilespmem:$0x1EDD0] =	vst v63  }
0x60: {  	s12 =	sshrl.u32 @!p0 s16, $0x3  }
0x61: {  	s11 =	sshrl.u32 @!p0 s11, $0x3;
	s16 =	simm.s32 @!p0 $0x8;
	s12 =	sadd.s32 @!p0 s6, s12  }
0x62: {  	[tilespmem:s16], [sflag:$0x3] =	stream.linear.gather @!p0 [hbm4b:s12+s13], $0x50, $0x38;
	[tilespmem:$0x1EDD0] =	vst v63  }
0x63: {  	s11 =	sadd.s32 @!p0 s7, s11;
	s12 =	simm.s32 @!p0 $0x58  }
0x64: {  	[tilespmem:s12], [sflag:$0x3] =	stream.linear.gather @!p0 [hbm4b:s11+s13], $0x190, $0x38;
	[tilespmem:$0x1EDD0] =	vst v63  }
0x65: {  	v1 =	vimm.f32 $0.0e+00;
	s11 =	simm.s32 $0x0;
	s12 =	simm.s32 $0x0  }
.LBB2_3:
0x66: {  	v7 =	vld [tilespmem:$0x1FEE0];
	_ =	sdelay $0x2  }
0x67: {  	v0 =	vmov s12  }
0x68: {  	[tilespmem:$0x1FE20] =	vst v1;
	v1 =	vshll.u32 v0, $0x7  }
0x69: {  	s13 =	smul.u32 $0x32, s12;
	v8 =	vor.u32 v7, v1;
	v1 =	vor.u32 s11, v29  }
0x6a: {  	v3 =	vor.u32 v8, v1  }
0x6b: {  	s17 =	smul.u32 $0xA, s12;
	s3 =	simm.s32 $0xC;
	[tilespmem:$0x1FE30] =	vst v0;
	v0 =	vld [tilespmem:$0x1FED0];
	s16 =	sadd.s32 $0x76, s13  }
0x6c: {  	v19 =	vadd.s32 s3, v28;
	s3 =	simm.s32 $0x3;
	v2 =	vadd.s32 s16, v28  }
0x6d: {  	s5 =	sadd.s32 $0x50, s13;
	v4 =	vadd.s32 s17, v28;
	s8 =	sadd.s32 $0x60, s13;
	s13 =	sadd.s32 $0x70, s13;
	v45 =	vadd.s32 s3, v28;
	vm15 =	vlt.s32 v2, $0x1DF  }
0x6e: {  	v5 =	vmov s8;
	v6 =	vmov s13;
	v2 =	vnsel vm15, $0x1DF, v2  }
0x6f: {  	v5 =	vshll.u32 v5, $0x7;
	v6 =	vshll.u32 v6, $0x7;
	v2 =	vsel vm0, v4, v2;
	v3 =	vld.idx.msk [tilespmem:v3+s21+$0x0], $0xffff  }
0x70: {  	s13 =	simm.s32 $0x10;
	v4 =	vmov s5;
	v40 =	vadd.s32 v0, v5;
	v57 =	vadd.s32 v0, v6  }
0x71: {  	v35 =	vshll.u32 v2, $0x7;
	v2 =	vor.u32 s13, v29;
	v58 =	vor.u32 v7, v40  }
0x72: {  	v4 =	vshll.u32 v4, $0x7;
	v2 =	vand.u32 $0x78, v2;
	v10 =	vor.u32 v58, v1  }
0x73: {  	v60 =	vor.u32 v7, v57;
	v36 =	vadd.s32 v0, v4;
	v4 =	vor.u32 v2, v8  }
0x74: {  	[tilespmem:$0x1FE40] =	vst v8;
	v37 =	vor.u32 v7, v35;
	v8 =	vperm.xlane v3, v56;
	v9 =	vperm.xlane v3, v62  }
0x75: {  	v38 =	vor.u32 v7, v36;
	v11 =	vperm.xlane v3, v49;
	v12 =	vperm.xlane v3, v47  }
0x76: {  	v6 =	vor.u32 v37, v1;
	v13 =	vperm.xlane v3, v63;
	v20 =	vperm.xlane v3, v30  }
0x77: {  	v7 =	vor.u32 v38, v1;
	v10 =	vld.idx.msk [tilespmem:v10+s23+$0x0], $0xffff;
	v21 =	vperm.xlane v3, v59;
	v23 =	vperm.xlane v3, v25  }
0x78: {  	v1 =	vor.u32 v60, v1;
	v22 =	vld.idx.msk [tilespmem:v4+s21+$0x0], $0xffff;
	v41 =	vperm.xlane v3, v39;
	v42 =	vperm.xlane v3, v54  }
0x79: {  	s19 =	simm.s32 $0xF;
	v45 =	vand.u32 $0x7F, v45;
	v43 =	vperm.xlane v3, v55;
	v24 =	vperm.xlane v3, v52  }
0x7a: {  	v5 =	vadd.s32 s19, v28;
	s5 =	simm.s32 $0xD;
	v46 =	vperm.xlane v3, v53;
	v26 =	vperm.xlane v3, v31  }
0x7b: {  	s8 =	simm.s32 $0xE;
	s19 =	simm.s32 $0x9;
	v2 =	vadd.s32 s5, v28;
	s5 =	simm.s32 $0x2;
	v6 =	vld.idx.msk [tilespmem:v6+s23+$0x0], $0xffff;
	v48 =	vperm.xlane v3, v44;
	v3 =	vperm.xlane v3, v28  }
0x7c: {  	v18 =	vadd.s32 s19, v28;
	v32 =	vadd.s32 s5, v28;
	v4 =	vadd.s32 s8, v28;
	s8 =	simm.s32 $0x1;
	v7 =	vld.idx.msk [tilespmem:v7+s23+$0x0], $0xffff  }
0x7d: {  	v1 =	vld.idx.msk [tilespmem:v1+s23+$0x0], $0xffff;
	v33 =	vadd.s32 s8, v28;
	v10 =	vmul.f32 v10, v3;
	v0 =	vperm.xlane v22, v56  }
0x7e: {  	v15 =	vand.u32 $0x7F, v33;
	v14 =	vperm.xlane v22, v62;
	v61 =	vperm.xlane v22, v49  }
0x7f: {  	v16 =	vperm.xlane v22, v47;
	v49 =	vand.u32 $0x7F, v32;
	v17 =	vperm.xlane v22, v63  }
0x80: {  	v50 =	vperm.xlane v22, v30;
	v27 =	vmul.f32 v6, v3;
	v6 =	vor.u32 v36, v15  }
0x81: {  	v34 =	vperm.xlane v22, v55;
	v51 =	vor.u32 v35, v49;
	v7 =	vmul.f32 v7, v3  }
0x82: {  	v1 =	vmul.f32 v1, v3;
	v3 =	vor.u32 v35, v15;
	v32 =	vsel vm14, v8, v0  }
0x83: {  	v33 =	vsel vm13, v11, v61;
	v8 =	vperm.xlane v22, v59;
	v0 =	vsel vm12, v9, v14  }
0x84: {  	v9 =	vor.u32 v40, v15;
	v14 =	vsel vm11, v13, v17;
	v11 =	vperm.xlane v22, v25  }
0x85: {  	v13 =	vor.u32 v57, v15;
	v15 =	vsel vm10, v12, v16;
	v61 =	vperm.xlane v22, v39  }
0x86: {  	v17 =	vsel vm8, v20, v50;
	v59 =	vperm.xlane v22, v54;
	v16 =	vsel vm9, v21, v8  }
0x87: {  	v8 =	vor.u32 v36, v49;
	v21 =	vsel vm7, v41, v61;
	v61 =	vor.u32 v40, v49  }
0x88: {  	v41 =	vor.u32 v57, v49;
	v12 =	vsel vm5, v42, v59;
	v49 =	vperm.xlane v22, v52  }
0x89: {  	v52 =	vperm.xlane v22, v44;
	v59 =	vor.u32 v36, v45;
	v55 =	vld.idx.msk [tilespmem:v3+s23+$0x0], $0xffff;
	v3 =	vsel vm6, v23, v11  }
0x8a: {  	s17 =	simm.s32 $0x6;
	v11 =	vld.idx.msk [tilespmem:v6+s23+$0x0], $0xffff;
	v6 =	vsel vm0, v43, v34;
	v34 =	vperm.xlane v22, v53;
	v22 =	vperm.xlane v22, v31  }
0x8b: {  	s19 =	simm.s32 $0x4;
	v42 =	vsel vm3, v24, v49;
	v24 =	vadd.s32 s17, v28;
	v43 =	vsel vm2, v48, v52;
	v54 =	vld.idx.msk [tilespmem:v51+s23+$0x0], $0xffff  }
0x8c: {  	v53 =	vor.u32 v35, v45;
	v23 =	vadd.s32 s19, v28;
	v51 =	vand.u32 $0x7F, v2;
	v9 =	vld.idx.msk [tilespmem:v9+s23+$0x0], $0xffff  }
0x8d: {  	v13 =	vld.idx.msk [tilespmem:v13+s23+$0x0], $0xffff;
	v49 =	vand.u32 $0x7F, v23;
	v20 =	vsel vm4, v46, v34;
	v34 =	vimm.f32 $0.0e+00  }
0x8e: {  	v22 =	vsel vm1, v26, v22;
	v8 =	vld.idx.msk [tilespmem:v8+s23+$0x0], $0xffff;
	v7 =	vadd.f32 v7, v34;
	v10 =	vadd.f32 v10, v34  }
0x8f: {  	v41 =	vld.idx.msk [tilespmem:v41+s23+$0x0], $0xffff;
	v1 =	vadd.f32 v1, v34;
	v26 =	vmul.f32 v22, v55;
	v11 =	vmul.f32 v11, v22  }
0x90: {  	v55 =	vadd.f32 v27, v34;
	v27 =	vld.idx.msk [tilespmem:v61+s23+$0x0], $0xffff;
	v61 =	vor.u32 v40, v45;
	v45 =	vor.u32 v57, v45  }
0x91: {  	s3 =	simm.s32 $0x5;
	v48 =	vmul.f32 v43, v54;
	v34 =	vor.u32 v40, v49;
	v9 =	vmul.f32 v9, v22  }
0x92: {  	v54 =	vadd.s32 s3, v28;
	v13 =	vmul.f32 v13, v22;
	v26 =	vadd.f32 v26, v55  }
0x93: {  	v50 =	vld.idx.msk [tilespmem:v59+s23+$0x0], $0xffff;
	v7 =	vadd.f32 v11, v7;
	v11 =	vor.u32 v35, v49;
	v9 =	vadd.f32 v9, v10  }
0x94: {  	v46 =	vld.idx.msk [tilespmem:v53+s23+$0x0], $0xffff;
	v10 =	vor.u32 v36, v49;
	v8 =	vmul.f32 v8, v43;
	v13 =	vadd.f32 v13, v1  }
0x95: {  	v41 =	vmul.f32 v41, v43;
	v1 =	vand.u32 $0x7F, v5;
	v5 =	vor.u32 v57, v49;
	v22 =	vld.idx.msk [tilespmem:v61+s23+$0x0], $0xffff  }
0x96: {  	v55 =	vor.u32 v35, v1;
	v27 =	vmul.f32 v27, v43;
	v45 =	vld.idx.msk [tilespmem:v45+s23+$0x0], $0xffff;
	v43 =	vand.u32 $0x7F, v54  }
0x97: {  	v26 =	vadd.f32 v48, v26;
	v7 =	vadd.f32 v8, v7;
	v34 =	vld.idx.msk [tilespmem:v34+s23+$0x0], $0xffff;
	v8 =	vor.u32 v35, v43  }
0x98: {  	v13 =	vadd.f32 v41, v13;
	v61 =	vmul.f32 v50, v42;
	v59 =	vor.u32 v36, v43;
	v11 =	vld.idx.msk [tilespmem:v11+s23+$0x0], $0xffff  }
0x99: {  	v41 =	vor.u32 v40, v43;
	v9 =	vadd.f32 v27, v9;
	v27 =	vmul.f32 v42, v46;
	v10 =	vld.idx.msk [tilespmem:v10+s23+$0x0], $0xffff  }
0x9a: {  	v24 =	vand.u32 $0x7F, v24;
	v43 =	vor.u32 v57, v43;
	v7 =	vadd.f32 v61, v7;
	v54 =	vld.idx.msk [tilespmem:v5+s23+$0x0], $0xffff  }
0x9b: {  	v61 =	vor.u32 v36, v24;
	v5 =	vand.u32 $0x7F, v4;
	v4 =	vadd.f32 v27, v26;
	v27 =	vld.idx.msk [tilespmem:v55+s23+$0x0], $0xffff  }
0x9c: {  	s5 =	simm.s32 $0x7;
	v26 =	vor.u32 v36, v1;
	v55 =	vor.u32 v35, v5;
	v22 =	vmul.f32 v22, v42;
	v8 =	vld.idx.msk [tilespmem:v8+s23+$0x0], $0xffff  }
0x9d: {  	v42 =	vmul.f32 v45, v42;
	v45 =	vadd.s32 s5, v28;
	v34 =	vmul.f32 v34, v20;
	v59 =	vld.idx.msk [tilespmem:v59+s23+$0x0], $0xffff  }
0x9e: {  	v41 =	vld.idx.msk [tilespmem:v41+s23+$0x0], $0xffff;
	v45 =	vand.u32 $0x7F, v45;
	v9 =	vadd.f32 v22, v9;
	v22 =	vor.u32 v35, v24  }
0x9f: {  	v43 =	vld.idx.msk [tilespmem:v43+s23+$0x0], $0xffff;
	v13 =	vadd.f32 v42, v13;
	v11 =	vmul.f32 v20, v11;
	v10 =	vmul.f32 v10, v20  }
0xa0: {  	v20 =	vmul.f32 v54, v20;
	v54 =	vor.u32 v40, v24;
	v24 =	vor.u32 v57, v24  }
0xa1: {  	s8 =	simm.s32 $0x8;
	v11 =	vadd.f32 v11, v4;
	v4 =	vld.idx.msk [tilespmem:v55+s23+$0x0], $0xffff;
	v9 =	vadd.f32 v34, v9;
	v55 =	vor.u32 v36, v45  }
0xa2: {  	v42 =	vld.idx.msk [tilespmem:v61+s23+$0x0], $0xffff;
	v34 =	vadd.s32 s8, v28;
	v7 =	vadd.f32 v10, v7;
	v10 =	vor.u32 v35, v45  }
0xa3: {  	v2 =	vld.idx.msk [tilespmem:v26+s23+$0x0], $0xffff;
	v8 =	vmul.f32 v12, v8;
	v48 =	vmul.f32 v59, v12;
	v59 =	vor.u32 v40, v45  }
0xa4: {  	v41 =	vmul.f32 v41, v12;
	v12 =	vmul.f32 v43, v12;
	v43 =	vand.u32 $0x78, v34;
	v22 =	vld.idx.msk [tilespmem:v22+s23+$0x0], $0xffff  }
0xa5: {  	[tilespmem:$0x1FE50] =	vst v37;
	v37 =	vor.u32 v37, v43;
	v61 =	vld.idx.msk [tilespmem:v54+s23+$0x0], $0xffff  }
0xa6: {  	v19 =	vand.u32 $0x7F, v19;
	v52 =	vor.u32 v38, v43;
	v24 =	vld.idx.msk [tilespmem:v24+s23+$0x0], $0xffff  }
0xa7: {  	[tilespmem:$0x1FE70] =	vst v58;
	v18 =	vand.u32 $0x7F, v18;
	v13 =	vadd.f32 v20, v13;
	v53 =	vor.u32 v58, v43;
	v46 =	vld.idx.msk [tilespmem:v55+s23+$0x0], $0xffff  }
0xa8: {  	v45 =	vor.u32 v57, v45;
	v42 =	vmul.f32 v42, v6;
	v43 =	vor.u32 v60, v43;
	v10 =	vld.idx.msk [tilespmem:v10+s23+$0x0], $0xffff  }
0xa9: {  	v58 =	vor.u32 v36, v18;
	v8 =	vadd.f32 v8, v11;
	v7 =	vadd.f32 v48, v7;
	v20 =	vld.idx.msk [tilespmem:v59+s23+$0x0], $0xffff  }
0xaa: {  	s17 =	simm.s32 $0xA;
	v11 =	vor.u32 v35, v19;
	v9 =	vadd.f32 v41, v9;
	v12 =	vadd.f32 v12, v13;
	v48 =	vld.idx.msk [tilespmem:v37+s23+$0x0], $0xffff  }
0xab: {  	v54 =	vor.u32 v35, v18;
	v55 =	vadd.s32 s17, v28;
	v7 =	vadd.f32 v42, v7;
	v41 =	vld.idx.msk [tilespmem:v52+s23+$0x0], $0xffff  }
0xac: {  	[tilespmem:$0x1FE80] =	vst v60;
	v42 =	vand.u32 $0x7F, v55;
	v59 =	vor.u32 v40, v18;
	v22 =	vmul.f32 v6, v22;
	v13 =	vld.idx.msk [tilespmem:v53+s23+$0x0], $0xffff  }
0xad: {  	v18 =	vor.u32 v57, v18;
	v43 =	vld.idx.msk [tilespmem:v43+s23+$0x0], $0xffff;
	v49 =	vmul.f32 v61, v6;
	v46 =	vmul.f32 v46, v3  }
0xae: {  	s19 =	simm.s32 $0xB;
	v6 =	vmul.f32 v24, v6;
	v24 =	vld.idx.msk [tilespmem:v45+s23+$0x0], $0xffff;
	v8 =	vadd.f32 v22, v8;
	v10 =	vmul.f32 v3, v10  }
0xaf: {  	[tilespmem:$0x1FE90] =	vst v35;
	v60 =	vadd.s32 s19, v28;
	v11 =	vld.idx.msk [tilespmem:v11+s23+$0x0], $0xffff;
	v61 =	vor.u32 v40, v42;
	v7 =	vadd.f32 v46, v7  }
0xb0: {  	[tilespmem:$0x1FE60] =	vst v38;
	v45 =	vld.idx.msk [tilespmem:v58+s23+$0x0], $0xffff;
	v46 =	vand.u32 $0x7F, v60;
	v8 =	vadd.f32 v10, v8;
	v10 =	vor.u32 v36, v42  }
0xb1: {  	v50 =	vor.u32 v40, v51;
	v22 =	vld.idx.msk [tilespmem:v54+s23+$0x0], $0xffff;
	v9 =	vadd.f32 v49, v9;
	v34 =	vor.u32 v36, v46  }
0xb2: {  	v6 =	vadd.f32 v6, v12;
	v20 =	vmul.f32 v20, v3;
	v12 =	vld.idx.msk [tilespmem:v59+s23+$0x0], $0xffff;
	v37 =	vor.u32 v57, v46  }
0xb3: {  	v38 =	vor.u32 v36, v19;
	v18 =	vld.idx.msk [tilespmem:v18+s23+$0x0], $0xffff;
	v48 =	vmul.f32 v21, v48;
	v41 =	vmul.f32 v41, v21  }
0xb4: {  	v3 =	vmul.f32 v24, v3;
	v24 =	vor.u32 v35, v42;
	v9 =	vadd.f32 v20, v9;
	v20 =	vld.idx.msk [tilespmem:v61+s23+$0x0], $0xffff  }
0xb5: {  	v13 =	vmul.f32 v13, v21;
	v21 =	vmul.f32 v43, v21;
	v42 =	vor.u32 v57, v42;
	v10 =	vld.idx.msk [tilespmem:v10+s23+$0x0], $0xffff  }
0xb6: {  	v8 =	vadd.f32 v48, v8;
	v3 =	vadd.f32 v3, v6;
	v6 =	vor.u32 v35, v46;
	v48 =	vld.idx.msk [tilespmem:v34+s23+$0x0], $0xffff  }
0xb7: {  	v26 =	vor.u32 v35, v51;
	v49 =	vor.u32 v36, v51;
	v9 =	vadd.f32 v13, v9;
	v13 =	vld.idx.msk [tilespmem:v37+s23+$0x0], $0xffff  }
0xb8: {  	v53 =	vor.u32 v57, v51;
	v35 =	vor.u32 v40, v46;
	v3 =	vadd.f32 v21, v3;
	v21 =	vld.idx.msk [tilespmem:v38+s23+$0x0], $0xffff  }
0xb9: {  	v58 =	vor.u32 v40, v1;
	v1 =	vor.u32 v57, v1;
	v46 =	vor.u32 v40, v19;
	v24 =	vld.idx.msk [tilespmem:v24+s23+$0x0], $0xffff  }
0xba: {  	v54 =	vor.u32 v40, v5;
	v19 =	vor.u32 v57, v19;
	v12 =	vmul.f32 v12, v17;
	v42 =	vld.idx.msk [tilespmem:v42+s23+$0x0], $0xffff  }
0xbb: {  	v45 =	vmul.f32 v45, v17;
	v7 =	vadd.f32 v41, v7;
	v22 =	vmul.f32 v17, v22;
	v6 =	vld.idx.msk [tilespmem:v6+s23+$0x0], $0xffff  }
0xbc: {  	v11 =	vmul.f32 v14, v11;
	v17 =	vmul.f32 v18, v17;
	v9 =	vadd.f32 v12, v9;
	v12 =	vld.idx.msk [tilespmem:v49+s23+$0x0], $0xffff  }
0xbd: {  	v8 =	vadd.f32 v22, v8;
	v7 =	vadd.f32 v45, v7;
	v41 =	vld.idx.msk [tilespmem:v35+s23+$0x0], $0xffff;
	v10 =	vmul.f32 v10, v16  }
0xbe: {  	v20 =	vmul.f32 v20, v16;
	v3 =	vadd.f32 v17, v3;
	v18 =	vld.idx.msk [tilespmem:v46+s23+$0x0], $0xffff;
	v52 =	vmul.f32 v16, v24  }
0xbf: {  	v19 =	vld.idx.msk [tilespmem:v19+s23+$0x0], $0xffff;
	v22 =	vmul.f32 v48, v15;
	v7 =	vadd.f32 v10, v7;
	v10 =	vor.u32 v36, v5  }
0xc0: {  	v26 =	vld.idx.msk [tilespmem:v26+s23+$0x0], $0xffff;
	v5 =	vor.u32 v57, v5;
	v8 =	vadd.f32 v52, v8;
	v6 =	vmul.f32 v15, v6  }
0xc1: {  	v17 =	vld.idx.msk [tilespmem:v50+s23+$0x0], $0xffff;
	v9 =	vadd.f32 v20, v9;
	v13 =	vmul.f32 v13, v15;
	v16 =	vmul.f32 v42, v16  }
0xc2: {  	v21 =	vmul.f32 v21, v14;
	v55 =	vmul.f32 v41, v15;
	v6 =	vadd.f32 v6, v8;
	v8 =	vld.idx.msk [tilespmem:v53+s23+$0x0], $0xffff  }
0xc3: {  	v20 =	vld.idx.msk [tilespmem:v54+s23+$0x0], $0xffff;
	v12 =	vmul.f32 v12, v0;
	v3 =	vadd.f32 v16, v3;
	v59 =	vmul.f32 v18, v14  }
0xc4: {  	v19 =	vmul.f32 v19, v14;
	v7 =	vadd.f32 v22, v7;
	v9 =	vadd.f32 v55, v9;
	v10 =	vld.idx.msk [tilespmem:v10+s23+$0x0], $0xffff  }
0xc5: {  	v3 =	vadd.f32 v13, v3;
	v6 =	vadd.f32 v11, v6;
	v11 =	vmul.f32 v0, v26;
	v5 =	vld.idx.msk [tilespmem:v5+s23+$0x0], $0xffff  }
0xc6: {  	v60 =	vld.idx.msk [tilespmem:v58+s23+$0x0], $0xffff;
	v61 =	vmul.f32 v17, v0;
	v7 =	vadd.f32 v21, v7;
	v9 =	vadd.f32 v59, v9  }
0xc7: {  	v3 =	vadd.f32 v19, v3;
	v6 =	vadd.f32 v11, v6;
	v11 =	vld.idx.msk [tilespmem:v1+s23+$0x0], $0xffff;
	v8 =	vmul.f32 v8, v0  }
0xc8: {  	v4 =	vmul.f32 v33, v4;
	v1 =	vadd.f32 v12, v7;
	v9 =	vadd.f32 v61, v9  }
0xc9: {  	v7 =	vmul.f32 v10, v33;
	v8 =	vadd.f32 v8, v3;
	v3 =	vmul.f32 v20, v33  }
0xca: {  	[tilespmem:$0x1FEC0] =	vst v57;
	v57 =	vmul.f32 v32, v27;
	v6 =	vadd.f32 v4, v6;
	v10 =	vmul.f32 v5, v33  }
0xcb: {  	[tilespmem:$0x1FEB0] =	vst v40;
	v4 =	vmul.f32 v60, v32;
	v5 =	vadd.f32 v7, v1;
	v3 =	vadd.f32 v3, v9  }
0xcc: {  	[tilespmem:$0x1FEA0] =	vst v36;
	v9 =	vmul.f32 v2, v32;
	v1 =	vadd.f32 v10, v8;
	v2 =	vmul.f32 v11, v32  }
.LBB2_4:
0xcd: {  	_ =	sdelay $0x1  }
0xce: {  	v0 =	vadd.f32 v57, v6  }
0xcf: {  	v24 =	vld [tilespmem:$0x1FE50]  }
0xd0: {  	[tilespmem:$0x1FC30] =	vst v0;
	v0 =	vadd.f32 v9, v5  }
0xd1: {  	v53 =	vld [tilespmem:$0x1FEB0]  }
0xd2: {  	[tilespmem:$0x1FC40] =	vst v0;
	v0 =	vadd.f32 v4, v3  }
0xd3: {  	s16 =	sadd.s32 $0xF, s13;
	s17 =	smov.u32 s13;
	v7 =	vor.u32 s13, v29  }
0xd4: {  	s19 =	sadd.s32 $0xD, s13;
	v34 =	vld [tilespmem:$0x1FE70];
	s17 =	sadd.s32 $0xC, s13;
	v5 =	vadd.s32 s16, v28;
	v20 =	vor.u32 v24, v7;
	[tilespmem:$0x1FC60] =	vst v0;
	v0 =	vadd.f32 v2, v1  }
0xd5: {  	v23 =	vld [tilespmem:$0x1FE40];
	v5 =	vand.u32 $0x7F, v5;
	v1 =	vadd.s32 s17, v28;
	v2 =	vadd.s32 s19, v28;
	s19 =	sadd.s32 $0x8, s13  }
0xd6: {  	s8 =	sadd.s32 $0xA, s13;
	s3 =	sadd.s32 $0xB, s13;
	v11 =	vadd.s32 s19, v28;
	s19 =	sadd.s32 $0x2, s13;
	v43 =	vand.u32 $0x7F, v1;
	v1 =	vor.u32 v53, v5;
	[tilespmem:$0x1FC70] =	vst v0;
	v0 =	vld [tilespmem:$0x1FEA0]  }
0xd7: {  	s5 =	sadd.s32 $0xE, s13;
	v6 =	vadd.s32 s8, v28;
	v8 =	vadd.s32 s3, v28;
	v22 =	vadd.s32 s19, v28;
	s19 =	sadd.s32 $0x10, s13;
	[tilespmem:$0x1FDC0] =	vst v1;
	v1 =	vld [tilespmem:$0x1FEC0]  }
0xd8: {  	v8 =	vand.u32 $0x7F, v8;
	v3 =	vadd.s32 s5, v28;
	v33 =	vor.u32 s19, v29;
	v29 =	vld [tilespmem:$0x1FE90]  }
0xd9: {  	v46 =	vor.u32 v34, v7;
	v15 =	vor.u32 v53, v8;
	v3 =	vand.u32 $0x7F, v3  }
0xda: {  	v6 =	vand.u32 $0x7F, v6;
	s16 =	sadd.s32 $0x9, s13;
	[tilespmem:$0x1FD40] =	vst v15;
	v14 =	vor.u32 v53, v3;
	v2 =	vand.u32 $0x7F, v2;
	v18 =	vld.idx.msk [tilespmem:v20+s23+$0x0], $0xffff  }
0xdb: {  	v16 =	vor.u32 v23, v7;
	s5 =	sadd.s32 $0x6, s13;
	v4 =	vadd.s32 s16, v28;
	s17 =	sadd.s32 $0x7, s13;
	[tilespmem:$0x1FDA0] =	vst v14;
	v61 =	vor.u32 v53, v2  }
0xdc: {  	v9 =	vadd.s32 s5, v28;
	v10 =	vadd.s32 s17, v28;
	v17 =	vor.u32 v53, v43;
	[tilespmem:$0x1FD80] =	vst v61  }
0xdd: {  	[tilespmem:$0x1FD60] =	vst v17;
	v61 =	vor.u32 v0, v8;
	v60 =	vor.u32 v29, v8;
	v8 =	vor.u32 v1, v8  }
0xde: {  	v4 =	vand.u32 $0x7F, v4;
	v50 =	vand.u32 $0x7F, v9;
	v9 =	vand.u32 $0x7F, v10;
	[tilespmem:$0x1FD50] =	vst v8;
	v8 =	vld.idx.msk [tilespmem:v46+s23+$0x0], $0xffff  }
0xdf: {  	v31 =	vor.u32 v0, v5;
	[tilespmem:$0x1FB40] =	vst v18;
	v45 =	vor.u32 v29, v5;
	v5 =	vor.u32 v1, v5  }
0xe0: {  	v58 =	vor.u32 v0, v3;
	v55 =	vor.u32 v29, v3;
	v3 =	vor.u32 v1, v3;
	[tilespmem:$0x1FDD0] =	vst v5  }
0xe1: {  	v35 =	vld [tilespmem:$0x1FE80];
	v5 =	vor.u32 v29, v2;
	[tilespmem:$0x1FDB0] =	vst v3;
	v3 =	vor.u32 v0, v2;
	v2 =	vor.u32 v1, v2  }
0xe2: {  	v10 =	vand.u32 $0x78, v11;
	v15 =	vor.u32 v0, v6;
	v18 =	vor.u32 v0, v4;
	[tilespmem:$0x1FD90] =	vst v2  }
0xe3: {  	v14 =	vor.u32 v29, v6;
	[tilespmem:$0x1FB60] =	vst v8;
	v8 =	vor.u32 v53, v6;
	v6 =	vor.u32 v1, v6  }
0xe4: {  	v17 =	vor.u32 v29, v4;
	[tilespmem:$0x1FD30] =	vst v6;
	v6 =	vor.u32 v53, v4;
	v4 =	vor.u32 v1, v4  }
0xe5: {  	v27 =	vld [tilespmem:$0x1FE60];
	s3 =	sadd.s32 $0x3, s13;
	s8 =	sadd.s32 $0x4, s13;
	v2 =	vor.u32 v29, v43;
	[tilespmem:$0x1FD10] =	vst v4;
	v4 =	vor.u32 v34, v10  }
0xe6: {  	v12 =	vadd.s32 s3, v28;
	v13 =	vadd.s32 s8, v28;
	v16 =	vld.idx.msk [tilespmem:v16+s21+$0x0], $0xffff;
	[tilespmem:$0x1FCE0] =	vst v4;
	v4 =	vor.u32 v35, v10  }
0xe7: {  	v11 =	vand.u32 $0x7F, v12;
	v12 =	vand.u32 $0x7F, v13;
	[tilespmem:$0x1FCF0] =	vst v4;
	v4 =	vld.idx.msk [tilespmem:v45+s23+$0x0], $0xffff  }
0xe8: {  	v45 =	vld.idx.msk [tilespmem:v5+s23+$0x0], $0xffff;
	v5 =	vor.u32 v53, v12  }
0xe9: {  	v20 =	vor.u32 v1, v43;
	[tilespmem:$0x1FC50] =	vst v5;
	v5 =	vld [tilespmem:$0x1FFD0]  }
0xea: {  	v21 =	vor.u32 v27, v7;
	[tilespmem:$0x1FD70] =	vst v20;
	v20 =	vld.idx.msk [tilespmem:v2+s23+$0x0], $0xffff  }
0xeb: {  	v26 =	vor.u32 v24, v10;
	v27 =	vor.u32 v27, v10;
	v2 =	vor.u32 v1, v12;
	v10 =	vld [tilespmem:$0x1FFE0]  }
0xec: {  	[tilespmem:$0x1FC80] =	vst v2;
	v2 =	vperm.xlane v16, v25;
	_ =	sdelay $0x1  }
0xed: {  	[tilespmem:$0x1FBA0] =	vst v2;
	v2 =	vperm.xlane v16, v5;
	_ =	sdelay $0x1  }
0xee: {  	[tilespmem:$0x1FBC0] =	vst v2;
	v2 =	vperm.xlane v16, v10  }
0xef: {  	v44 =	vand.u32 $0x78, v33;
	[tilespmem:$0x1FD00] =	vst v6  }
0xf0: {  	v6 =	vor.u32 v44, v23;
	[tilespmem:$0x1FBB0] =	vst v2;
	v2 =	vld [tilespmem:$0x1FFB0];
	_ =	sdelay $0x4  }
0xf1: {  	v37 =	vld.idx.msk [tilespmem:v6+s21+$0x0], $0xffff;
	[tilespmem:$0x1FB70] =	vst v4;
	v4 =	vor.u32 v53, v9;
	v6 =	vperm.xlane v16, v2  }
0xf2: {  	[tilespmem:$0x1FCC0] =	vst v4;
	v4 =	vld.idx.msk [tilespmem:v31+s23+$0x0], $0xffff  }
0xf3: {  	[tilespmem:$0x1FBE0] =	vst v6;
	v6 =	vld [tilespmem:$0x1FFC0]  }
0xf4: {  	v21 =	vld.idx.msk [tilespmem:v21+s23+$0x0], $0xffff;
	_ =	sdelay $0x1  }
0xf5: {  	v49 =	vor.u32 v35, v7;
	[tilespmem:$0x1FD20] =	vst v8  }
0xf6: {  	s16 =	sadd.s32 $0x5, s13;
	s17 =	sadd.s32 $0x1, s13;
	[tilespmem:$0x1FB80] =	vst v4;
	v4 =	vor.u32 v1, v9  }
0xf7: {  	v19 =	vadd.s32 s16, v28;
	v32 =	vadd.s32 s17, v28;
	[tilespmem:$0x1FCD0] =	vst v4;
	v4 =	vld.idx.msk [tilespmem:v55+s23+$0x0], $0xffff;
	v8 =	vperm.xlane v16, v6  }
0xf8: {  	v38 =	vand.u32 $0x7F, v19;
	v7 =	vand.u32 $0x7F, v32;
	v32 =	vor.u32 v53, v11;
	[tilespmem:$0x1FB50] =	vst v21  }
0xf9: {  	v59 =	vor.u32 v0, v43;
	v19 =	vor.u32 v0, v9;
	v21 =	vor.u32 v0, v38;
	[tilespmem:$0x1FBD0] =	vst v8;
	v8 =	vld [tilespmem:$0x1FF90]  }
0xfa: {  	v48 =	vld.idx.msk [tilespmem:v49+s23+$0x0], $0xffff;
	v24 =	vor.u32 v29, v11;
	v44 =	vor.u32 v0, v11;
	v11 =	vor.u32 v1, v11  }
0xfb: {  	v13 =	vperm.xlane v16, v56;
	v36 =	vperm.xlane v16, v62;
	v49 =	vor.u32 v29, v9;
	[tilespmem:$0x1FC20] =	vst v11  }
0xfc: {  	v51 =	vand.u32 $0x7F, v22;
	v22 =	vor.u32 v29, v50;
	v52 =	vld.idx.msk [tilespmem:v61+s23+$0x0], $0xffff;
	[tilespmem:$0x1FB90] =	vst v4;
	v4 =	vor.u32 v53, v50  }
0xfd: {  	v54 =	vor.u32 v29, v51;
	v41 =	vld.idx.msk [tilespmem:v3+s23+$0x0], $0xffff;
	[tilespmem:$0x1FCB0] =	vst v4;
	v4 =	vor.u32 v53, v38  }
0xfe: {  	v46 =	vperm.xlane v16, v39;
	v34 =	vld [tilespmem:$0x1FFF0];
	[tilespmem:$0x1FC90] =	vst v4;
	v4 =	vor.u32 v1, v38;
	v9 =	vperm.xlane v16, v8  }
0xff: {  	v3 =	vperm.xlane v16, v47;
	v35 =	vor.u32 v29, v12;
	v31 =	vor.u32 v0, v50;
	[tilespmem:$0x1FCA0] =	vst v4;
	v4 =	vld [tilespmem:$0x1FF60]  }
0x100: {  	v11 =	vperm.xlane v37, v56;
	v61 =	vperm.xlane v37, v62;
	v62 =	vor.u32 v0, v51;
	[tilespmem:$0x1FC00] =	vst v9;
	v9 =	vld [tilespmem:$0x1FFA0]  }
0x101: {  	v56 =	vperm.xlane v37, v47;
	v47 =	vperm.xlane v37, v39;
	v39 =	vor.u32 v29, v7  }
0x102: {  	v55 =	vor.u32 v29, v38;
	v29 =	vor.u32 v0, v7;
	v38 =	vor.u32 v0, v12;
	v0 =	vld [tilespmem:$0x1FB40]  }
0x103: {  	v40 =	vperm.xlane v16, v63;
	v42 =	vperm.xlane v16, v30  }
0x104: {  	v43 =	vld.idx.msk [tilespmem:v58+s23+$0x0], $0xffff;
	v33 =	vperm.xlane v16, v34;
	v58 =	vperm.xlane v16, v4  }
0x105: {  	v23 =	vperm.xlane v16, v9;
	v16 =	vperm.xlane v16, v28;
	_ =	sdelay $0x1  }
0x106: {  	v12 =	vmul.f32 v0, v16;
	v0 =	vld [tilespmem:$0x1FB50];
	_ =	sdelay $0x2  }
0x107: {  	[tilespmem:$0x1FC10] =	vst v32;
	v32 =	vor.u32 v53, v51  }
0x108: {  	v28 =	vperm.xlane v37, v10;
	v10 =	vperm.xlane v37, v2;
	v2 =	vor.u32 v53, v7;
	v53 =	vld.idx.msk [tilespmem:v22+s23+$0x0], $0xffff  }
0x109: {  	v22 =	vmul.f32 v0, v16;
	v0 =	vld [tilespmem:$0x1FB60];
	_ =	sdelay $0x2  }
0x10a: {  	[tilespmem:$0x1FBF0] =	vst v23;
	v23 =	vperm.xlane v37, v30;
	v30 =	vperm.xlane v37, v34  }
0x10b: {  	v34 =	vperm.xlane v37, v25;
	v25 =	vperm.xlane v37, v5;
	v5 =	vld.idx.msk [tilespmem:v49+s23+$0x0], $0xffff  }
0x10c: {  	v49 =	vmul.f32 v0, v16;
	v0 =	vor.u32 v1, v7;
	v7 =	vld [tilespmem:$0x1FB70];
	_ =	sdelay $0x2  }
0x10d: {  	v57 =	vperm.xlane v37, v4  }
0x10e: {  	v16 =	vmul.f32 v48, v16;
	v48 =	vld.idx.msk [tilespmem:v55+s23+$0x0], $0xffff;
	v55 =	vsel vm14, v13, v11  }
0x10f: {  	v58 =	vsel vm13, v58, v57;
	v57 =	vmul.f32 v55, v7;
	v7 =	vld [tilespmem:$0x1FB80];
	_ =	sdelay $0x4  }
0x110: {  	v7 =	vmul.f32 v7, v55;
	_ =	sdelay $0x1  }
0x111: {  	[tilespmem:$0x1FE10] =	vst v7;
	v7 =	vld [tilespmem:$0x1FB90];
	_ =	sdelay $0x4  }
0x112: {  	v7 =	vmul.f32 v58, v7;
	_ =	sdelay $0x1  }
0x113: {  	[tilespmem:$0x1FDF0] =	vst v7;
	v7 =	vmul.f32 v43, v58  }
0x114: {  	v61 =	vsel vm12, v36, v61  }
0x115: {  	[tilespmem:$0x1FE00] =	vst v7;
	v7 =	vmul.f32 v61, v45  }
0x116: {  	v18 =	vld.idx.msk [tilespmem:v18+s23+$0x0], $0xffff  }
0x117: {  	[tilespmem:$0x1FDE0] =	vst v7;
	v7 =	vld [tilespmem:$0x1FBA0];
	_ =	sdelay $0x3  }
0x118: {  	v11 =	vsel vm8, v42, v23  }
0x119: {  	v13 =	vmul.f32 v18, v11;
	v18 =	vsel vm6, v7, v34  }
0x11a: {  	v45 =	vmul.f32 v41, v61;
	v41 =	vmul.f32 v18, v5;
	v5 =	vld [tilespmem:$0x1FBC0];
	_ =	sdelay $0x4  }
0x11b: {  	v25 =	vsel vm5, v5, v25;
	v5 =	vld [tilespmem:$0x1FBD0];
	_ =	sdelay $0x2  }
0x11c: {  	v51 =	vor.u32 v1, v51;
	v50 =	vor.u32 v1, v50;
	v6 =	vperm.xlane v37, v6;
	v1 =	vld [tilespmem:$0x1FC30]  }
0x11d: {  	v7 =	vld [tilespmem:$0x1FBB0]  }
0x11e: {  	v5 =	vsel vm4, v5, v6;
	v6 =	vld [tilespmem:$0x1FBE0];
	_ =	sdelay $0x3  }
0x11f: {  	v12 =	vadd.f32 v12, v1;
	v1 =	vld [tilespmem:$0x1FC40]  }
0x120: {  	v28 =	vsel vm0, v7, v28;
	v7 =	vsel vm3, v6, v10;
	v6 =	vld [tilespmem:$0x1FBF0];
	_ =	sdelay $0x2  }
0x121: {  	v9 =	vperm.xlane v37, v9;
	_ =	sdelay $0x1  }
0x122: {  	v6 =	vsel vm2, v6, v9;
	v9 =	vadd.f32 v22, v1;
	v1 =	vld [tilespmem:$0x1FC50];
	_ =	sdelay $0x3  }
0x123: {  	v4 =	vmov v63;
	v63 =	vperm.xlane v37, v63;
	_ =	sdelay $0x1  }
0x124: {  	v43 =	vsel vm11, v40, v63  }
0x125: {  	v40 =	vmul.f32 v43, v20;
	v20 =	vld.idx.msk [tilespmem:v32+s23+$0x0], $0xffff  }
0x126: {  	v32 =	vld.idx.msk [tilespmem:v1+s23+$0x0], $0xffff  }
0x127: {  	v1 =	vld [tilespmem:$0x1FC60];
	_ =	sdelay $0x4  }
0x128: {  	v10 =	vadd.f32 v49, v1;
	v1 =	vld [tilespmem:$0x1FC70];
	_ =	sdelay $0x4  }
0x129: {  	v16 =	vadd.f32 v16, v1;
	v1 =	vld [tilespmem:$0x1FC80];
	_ =	sdelay $0x3  }
0x12a: {  	v15 =	vld.idx.msk [tilespmem:v15+s23+$0x0], $0xffff  }
0x12b: {  	v14 =	vld.idx.msk [tilespmem:v14+s23+$0x0], $0xffff  }
0x12c: {  	v63 =	vld.idx.msk [tilespmem:v24+s23+$0x0], $0xffff  }
0x12d: {  	v17 =	vld.idx.msk [tilespmem:v17+s23+$0x0], $0xffff  }
0x12e: {  	v49 =	vld.idx.msk [tilespmem:v1+s23+$0x0], $0xffff  }
0x12f: {  	v1 =	vld [tilespmem:$0x1FC90]  }
0x130: {  	v37 =	vperm.xlane v37, v8;
	v8 =	vsel vm9, v33, v30;
	v30 =	vld.idx.msk [tilespmem:v54+s23+$0x0], $0xffff  }
0x131: {  	v33 =	vsel vm7, v46, v47;
	v47 =	vmul.f32 v7, v63;
	v63 =	vmov v4;
	v4 =	vld [tilespmem:$0x1FC00]  }
0x132: {  	v54 =	vld.idx.msk [tilespmem:v39+s23+$0x0], $0xffff;
	_ =	sdelay $0x3  }
0x133: {  	v23 =	vmul.f32 v8, v14;
	v14 =	vmul.f32 v15, v8;
	v37 =	vsel vm1, v4, v37  }
0x134: {  	v15 =	vmul.f32 v11, v17;
	v17 =	vmul.f32 v37, v54;
	v54 =	vld.idx.msk [tilespmem:v1+s23+$0x0], $0xffff  }
0x135: {  	v1 =	vld [tilespmem:$0x1FCA0]  }
0x136: {  	v2 =	vld.idx.msk [tilespmem:v2+s23+$0x0], $0xffff;
	_ =	sdelay $0x4  }
0x137: {  	v2 =	vmul.f32 v2, v37;
	_ =	sdelay $0x1  }
0x138: {  	v2 =	vadd.f32 v2, v10;
	v10 =	vld.idx.msk [tilespmem:v1+s23+$0x0], $0xffff  }
0x139: {  	v1 =	vld [tilespmem:$0x1FCB0]  }
0x13a: {  	v29 =	vld.idx.msk [tilespmem:v29+s23+$0x0], $0xffff  }
0x13b: {  	v4 =	vld [tilespmem:$0x1FC10];
	_ =	sdelay $0x2  }
0x13c: {  	v59 =	vld.idx.msk [tilespmem:v59+s23+$0x0], $0xffff  }
0x13d: {  	v29 =	vmul.f32 v29, v37  }
0x13e: {  	v36 =	vld.idx.msk [tilespmem:v38+s23+$0x0], $0xffff  }
0x13f: {  	v9 =	vadd.f32 v29, v9;
	v29 =	vld.idx.msk [tilespmem:v1+s23+$0x0], $0xffff  }
0x140: {  	v1 =	vld [tilespmem:$0x1FCC0]  }
0x141: {  	v38 =	vmul.f32 v59, v43;
	v59 =	vld.idx.msk [tilespmem:v4+s23+$0x0], $0xffff  }
0x142: {  	v4 =	vld [tilespmem:$0x1FC20];
	_ =	sdelay $0x1  }
0x143: {  	v60 =	vld.idx.msk [tilespmem:v60+s23+$0x0], $0xffff;
	v3 =	vsel vm10, v3, v56  }
0x144: {  	v56 =	vmul.f32 v52, v3;
	v52 =	vld.idx.msk [tilespmem:v62+s23+$0x0], $0xffff  }
0x145: {  	v0 =	vld.idx.msk [tilespmem:v0+s23+$0x0], $0xffff;
	v30 =	vmul.f32 v6, v30;
	v12 =	vadd.f32 v17, v12  }
0x146: {  	v46 =	vld.idx.msk [tilespmem:v51+s23+$0x0], $0xffff  }
0x147: {  	v12 =	vadd.f32 v30, v12;
	v30 =	vld.idx.msk [tilespmem:v1+s23+$0x0], $0xffff  }
0x148: {  	v1 =	vld [tilespmem:$0x1FCD0]  }
0x149: {  	v24 =	vmul.f32 v3, v60;
	v60 =	vld.idx.msk [tilespmem:v4+s23+$0x0], $0xffff  }
0x14a: {  	v0 =	vmul.f32 v0, v37  }
0x14b: {  	v34 =	vmul.f32 v28, v53;
	v42 =	vmul.f32 v52, v6  }
0x14c: {  	v53 =	vmul.f32 v20, v6;
	v6 =	vmul.f32 v46, v6;
	v0 =	vadd.f32 v0, v16;
	_ =	sdelay $0x1  }
0x14d: {  	v0 =	vadd.f32 v6, v0;
	v6 =	vmul.f32 v60, v7;
	_ =	sdelay $0x1  }
0x14e: {  	v0 =	vadd.f32 v6, v0;
	v6 =	vld.idx.msk [tilespmem:v1+s23+$0x0], $0xffff  }
0x14f: {  	v1 =	vld [tilespmem:$0x1FCE0];
	_ =	sdelay $0x6  }
0x150: {  	v35 =	vld.idx.msk [tilespmem:v35+s23+$0x0], $0xffff  }
0x151: {  	v9 =	vadd.f32 v42, v9;
	v42 =	vld.idx.msk [tilespmem:v1+s23+$0x0], $0xffff  }
0x152: {  	v1 =	vld [tilespmem:$0x1FCF0];
	_ =	sdelay $0x4  }
0x153: {  	v35 =	vmul.f32 v5, v35;
	v36 =	vmul.f32 v36, v5  }
0x154: {  	v60 =	vmul.f32 v32, v5;
	v5 =	vmul.f32 v49, v5;
	_ =	sdelay $0x1  }
0x155: {  	v0 =	vadd.f32 v5, v0;
	v5 =	vmul.f32 v10, v25;
	v10 =	vld.idx.msk [tilespmem:v1+s23+$0x0], $0xffff  }
0x156: {  	v1 =	vld [tilespmem:$0x1FD00];
	_ =	sdelay $0x6  }
0x157: {  	v44 =	vld.idx.msk [tilespmem:v44+s23+$0x0], $0xffff  }
0x158: {  	v46 =	vld.idx.msk [tilespmem:v1+s23+$0x0], $0xffff  }
0x159: {  	v1 =	vld [tilespmem:$0x1FD10];
	_ =	sdelay $0x2  }
0x15a: {  	v44 =	vmul.f32 v44, v7;
	v59 =	vmul.f32 v59, v7;
	v7 =	vld.idx.msk [tilespmem:v50+s23+$0x0], $0xffff;
	_ =	sdelay $0x4  }
0x15b: {  	v0 =	vadd.f32 v5, v0;
	v5 =	vmul.f32 v7, v28;
	v7 =	vld.idx.msk [tilespmem:v1+s23+$0x0], $0xffff  }
0x15c: {  	v1 =	vld [tilespmem:$0x1FD20];
	_ =	sdelay $0x2  }
0x15d: {  	v21 =	vld.idx.msk [tilespmem:v21+s23+$0x0], $0xffff;
	_ =	sdelay $0x2  }
0x15e: {  	v12 =	vadd.f32 v47, v12  }
0x15f: {  	v39 =	vmul.f32 v25, v48  }
0x160: {  	v21 =	vmul.f32 v21, v25;
	v12 =	vadd.f32 v35, v12;
	v35 =	vmul.f32 v54, v25;
	v25 =	vld.idx.msk [tilespmem:v1+s23+$0x0], $0xffff  }
0x161: {  	v1 =	vld [tilespmem:$0x1FD30];
	_ =	sdelay $0x7  }
0x162: {  	v0 =	vadd.f32 v5, v0;
	v5 =	vmul.f32 v6, v18;
	v6 =	vld.idx.msk [tilespmem:v1+s23+$0x0], $0xffff  }
0x163: {  	v1 =	vld [tilespmem:$0x1FD40];
	_ =	sdelay $0x7  }
0x164: {  	v50 =	vld.idx.msk [tilespmem:v1+s23+$0x0], $0xffff  }
0x165: {  	v1 =	vld [tilespmem:$0x1FD50];
	_ =	sdelay $0x7  }
0x166: {  	v0 =	vadd.f32 v5, v0;
	v5 =	vmul.f32 v10, v33;
	v10 =	vld.idx.msk [tilespmem:v1+s23+$0x0], $0xffff  }
0x167: {  	v1 =	vld [tilespmem:$0x1FD60];
	_ =	sdelay $0x7  }
0x168: {  	v52 =	vld.idx.msk [tilespmem:v1+s23+$0x0], $0xffff  }
0x169: {  	v1 =	vld [tilespmem:$0x1FD70];
	_ =	sdelay $0x7  }
0x16a: {  	v0 =	vadd.f32 v5, v0;
	v5 =	vmul.f32 v7, v11;
	v7 =	vld.idx.msk [tilespmem:v1+s23+$0x0], $0xffff  }
0x16b: {  	v1 =	vld [tilespmem:$0x1FD80];
	_ =	sdelay $0x7  }
0x16c: {  	v2 =	vadd.f32 v53, v2;
	v53 =	vld.idx.msk [tilespmem:v1+s23+$0x0], $0xffff  }
0x16d: {  	v1 =	vld [tilespmem:$0x1FD90];
	_ =	sdelay $0x7  }
0x16e: {  	v0 =	vadd.f32 v5, v0;
	v5 =	vmul.f32 v6, v8;
	v6 =	vld.idx.msk [tilespmem:v1+s23+$0x0], $0xffff  }
0x16f: {  	v1 =	vld [tilespmem:$0x1FDA0];
	_ =	sdelay $0x5  }
0x170: {  	v31 =	vld.idx.msk [tilespmem:v31+s23+$0x0], $0xffff;
	v2 =	vadd.f32 v59, v2  }
0x171: {  	v19 =	vld.idx.msk [tilespmem:v19+s23+$0x0], $0xffff;
	v9 =	vadd.f32 v44, v9  }
0x172: {  	v2 =	vadd.f32 v60, v2;
	v60 =	vld.idx.msk [tilespmem:v1+s23+$0x0], $0xffff  }
0x173: {  	v9 =	vadd.f32 v36, v9;
	v1 =	vld [tilespmem:$0x1FDB0]  }
0x174: {  	v27 =	vld.idx.msk [tilespmem:v27+s23+$0x0], $0xffff  }
0x175: {  	v31 =	vmul.f32 v31, v28;
	v9 =	vadd.f32 v21, v9;
	_ =	sdelay $0x1  }
0x176: {  	v26 =	vld.idx.msk [tilespmem:v26+s23+$0x0], $0xffff;
	v19 =	vmul.f32 v19, v18;
	v9 =	vadd.f32 v31, v9  }
0x177: {  	v12 =	vadd.f32 v39, v12  }
0x178: {  	v27 =	vmul.f32 v27, v33;
	v9 =	vadd.f32 v19, v9  }
0x179: {  	v12 =	vadd.f32 v34, v12;
	v2 =	vadd.f32 v35, v2;
	v44 =	vmul.f32 v29, v28  }
0x17a: {  	v9 =	vadd.f32 v27, v9;
	v0 =	vadd.f32 v5, v0;
	v5 =	vld.idx.msk [tilespmem:v1+s23+$0x0], $0xffff  }
0x17b: {  	v26 =	vmul.f32 v33, v26;
	v2 =	vadd.f32 v44, v2;
	v48 =	vmul.f32 v30, v18;
	v1 =	vld [tilespmem:$0x1FDC0]  }
0x17c: {  	v4 =	vadd.f32 v41, v12;
	v9 =	vadd.f32 v13, v9;
	v49 =	vmul.f32 v42, v33  }
0x17d: {  	v2 =	vadd.f32 v48, v2;
	v51 =	vmul.f32 v46, v11;
	v11 =	vmul.f32 v25, v8  }
0x17e: {  	v8 =	vadd.f32 v14, v9;
	v9 =	vmul.f32 v50, v3;
	v3 =	vmul.f32 v10, v3  }
0x17f: {  	v2 =	vadd.f32 v49, v2  }
0x180: {  	v4 =	vadd.f32 v26, v4;
	v0 =	vadd.f32 v3, v0;
	v3 =	vld [tilespmem:$0x1FDD0]  }
0x181: {  	v2 =	vadd.f32 v51, v2  }
0x182: {  	v4 =	vadd.f32 v15, v4  }
0x183: {  	v2 =	vadd.f32 v11, v2;
	v11 =	vld.idx.msk [tilespmem:v1+s23+$0x0], $0xffff;
	v1 =	vmul.f32 v7, v43  }
0x184: {  	v4 =	vadd.f32 v23, v4  }
0x185: {  	v0 =	vadd.f32 v1, v0;
	v1 =	vmul.f32 v6, v61;
	v6 =	vld [tilespmem:$0x1FDE0]  }
0x186: {  	v4 =	vadd.f32 v24, v4  }
0x187: {  	v0 =	vadd.f32 v1, v0;
	v1 =	vmul.f32 v5, v58;
	v5 =	vld [tilespmem:$0x1FDF0]  }
0x188: {  	v7 =	vld.idx.msk [tilespmem:v3+s23+$0x0], $0xffff;
	v3 =	vadd.f32 v40, v4;
	_ =	sdelay $0x1  }
0x189: {  	v62 =	vld [tilespmem:$0x1FF50];
	v3 =	vadd.f32 v6, v3  }
0x18a: {  	v47 =	vld [tilespmem:$0x1FF40];
	v8 =	vadd.f32 v56, v8  }
0x18b: {  	v2 =	vadd.f32 v9, v2;
	v10 =	vmul.f32 v52, v43;
	v6 =	vadd.f32 v5, v3;
	v3 =	vld [tilespmem:$0x1FE00]  }
0x18c: {  	p1 =	sne.s32 s13, $0x70;
	v39 =	vld [tilespmem:$0x1FF20];
	v4 =	vadd.f32 v38, v8  }
.Ltmp2:
0x18d: {  	v29 =	vld [tilespmem:$0x1FF00];
	v2 =	vadd.f32 v10, v2;
	v8 =	vmul.f32 v53, v61;
	(pc) =	sbr.rel @p1 .LBB2_4-.Ltmp2, $4  }
0x18e: {  	v30 =	vld [tilespmem:$0x1FF30];
	v4 =	vadd.f32 v45, v4  }
0x18f: {  	v25 =	vld [tilespmem:$0x1FF10];
	v9 =	vmul.f32 v60, v58;
	v2 =	vadd.f32 v8, v2  }
0x190: {  	v28 =	vlaneseq.u32;
	v56 =	vld [tilespmem:$0x1FF70];
	v1 =	vadd.f32 v1, v0;
	v5 =	vadd.f32 v3, v4  }
0x191: {  	s13 =	smov.u32 s19;
	v4 =	vmul.f32 v11, v55;
	v3 =	vadd.f32 v9, v2;
	v9 =	vld [tilespmem:$0x1FE10];
	v2 =	vmul.f32 v7, v55  }
0x192: {  	v38 =	vld [tilespmem:$0x1FEF0];
	_ =	sdelay $0x2  }
0x193: {  	v0 =	vadd.f32 v57, v6;
	_ =	sdelay $0x1  }
0x194: {  	v0 =	vmul.f32 v38, v0;
	_ =	sdelay $0x1  }
0x195: {  	v6 =	vand.u32 $0x7FFFFFFF, v0  }
0x196: {  	v6 =	vsub.f32 $0.0e+00, v6;
	_ =	sdelay $0x1  }
0x197: {  	v6 =	vmul.f32 $1.442695020e+00, v6;
	_ =	sdelay $0x1  }
0x198: {  	(erf) = vpow2.f32 v6;
	_ =	sdelay $0x3  }
0x199: {  	v5 =	vadd.f32 v9, v5;
	_ =	sdelay $0x1  }
0x19a: {  	v5 =	vsub.f32 $0.0e+00, v5;
	_ =	sdelay $0x1  }
0x19b: {  	v40 =	vand.u32 $0x7FFFFFFF, v5  }
0x19c: {  	v6 =	vsub.f32 $0.0e+00, v40;
	v7 =	vpop (erf)  }
0x19d: {  	v8 =	vadd.f32 $2.000000000e+00, v7  }
0x19e: {  	v6 =	vmul.f32 $1.442695020e+00, v6  }
0x19f: {  	(erf) = vrcp.f32 v8  }
0x1a0: {  	(erf) = vpow2.f32 v6;
	_ =	sdelay $0x3  }
0x1a1: {  	v3 =	vadd.f32 v4, v3;
	_ =	sdelay $0x1  }
0x1a2: {  	v3 =	vsub.f32 $0.0e+00, v3;
	_ =	sdelay $0x1  }
0x1a3: {  	v42 =	vand.u32 $0x7FFFFFFF, v3;
	v41 =	vpop (erf)  }
0x1a4: {  	v6 =	vsub.f32 $0.0e+00, v42;
	v43 =	vpop (erf)  }
0x1a5: {  	v44 =	vadd.f32 $2.000000000e+00, v43  }
0x1a6: {  	v6 =	vmul.f32 $1.442695020e+00, v6  }
0x1a7: {  	(erf) = vrcp.f32 v44  }
0x1a8: {  	(erf) = vpow2.f32 v6;
	_ =	sdelay $0x3  }
0x1a9: {  	v1 =	vadd.f32 v2, v1;
	_ =	sdelay $0x1  }
0x1aa: {  	v1 =	vsub.f32 $0.0e+00, v1;
	_ =	sdelay $0x1  }
0x1ab: {  	v45 =	vand.u32 $0x7FFFFFFF, v1;
	v2 =	vpop (erf)  }
0x1ac: {  	v6 =	vsub.f32 $0.0e+00, v45;
	v46 =	vpop (erf)  }
0x1ad: {  	v10 =	vadd.f32 $2.000000000e+00, v46  }
0x1ae: {  	v6 =	vmul.f32 $1.442695020e+00, v6  }
0x1af: {  	(erf) = vrcp.f32 v10  }
0x1b0: {  	(erf) = vpow2.f32 v6;
	_ =	sdelay $0x7  }
0x1b1: {  	v48 =	vpop (erf)  }
0x1b2: {  	v49 =	vpop (erf)  }
0x1b3: {  	v11 =	vadd.f32 $2.000000000e+00, v49;
	_ =	sdelay $0x1  }
0x1b4: {  	(erf) = vrcp.f32 v11;
	_ =	sdelay $0x4  }
0x1b5: {  	v4 =	vmul.f32 v41, v7;
	v2 =	vmul.f32 v2, v43;
	_ =	sdelay $0x1  }
0x1b6: {  	v7 =	vmul.f32 v4, v4;
	v8 =	vmul.f32 v2, v2  }
0x1b7: {  	v6 =	vmul.f32 v48, v46  }
0x1b8: {  	v50 =	vmul.f32 $1.111111120e-01, v7;
	v12 =	vmul.f32 $1.111111120e-01, v8;
	v51 =	vpop (erf)  }
0x1b9: {  	v53 =	vmul.f32 v6, v6;
	v9 =	vmul.f32 v51, v49  }
0x1ba: {  	v52 =	vadd.f32 $1.428571490e-01, v12;
	v11 =	vadd.f32 $1.428571490e-01, v50  }
0x1bb: {  	v14 =	vmul.f32 $1.111111120e-01, v53;
	v13 =	vmul.f32 v9, v9  }
0x1bc: {  	v10 =	vmul.f32 v52, v8;
	v11 =	vmul.f32 v11, v7  }
0x1bd: {  	v14 =	vadd.f32 $1.428571490e-01, v14;
	v15 =	vmul.f32 $1.111111120e-01, v13  }
0x1be: {  	v10 =	vadd.f32 $2.000000030e-01, v10;
	v11 =	vadd.f32 $2.000000030e-01, v11  }
0x1bf: {  	v14 =	vmul.f32 v14, v53;
	v15 =	vadd.f32 $1.428571490e-01, v15  }
0x1c0: {  	v10 =	vmul.f32 v10, v8;
	v11 =	vmul.f32 v11, v7  }
0x1c1: {  	v14 =	vadd.f32 $2.000000030e-01, v14;
	v15 =	vmul.f32 v15, v13  }
0x1c2: {  	v10 =	vadd.f32 $3.333333430e-01, v10;
	v11 =	vadd.f32 $3.333333430e-01, v11  }
0x1c3: {  	v55 =	vmul.f32 v14, v53;
	v54 =	vadd.f32 $2.000000030e-01, v15  }
0x1c4: {  	v8 =	vmul.f32 v10, v8;
	v7 =	vmul.f32 v11, v7  }
0x1c5: {  	v2 =	vadd.f32 v2, v2;
	v10 =	vadd.f32 $3.333333430e-01, v55;
	v11 =	vmul.f32 v54, v13  }
0x1c6: {  	v4 =	vmul.f32 $-2.000000000e+00, v4;
	v8 =	vadd.f32 $1.000000000e+00, v8;
	v7 =	vadd.f32 $1.000000000e+00, v7  }
0x1c7: {  	v0 =	vmin.f32 v0, $0.0e+00;
	v57 =	vmul.f32 v10, v53;
	v11 =	vadd.f32 $3.333333430e-01, v11  }
0x1c8: {  	v5 =	vmin.f32 v5, $0.0e+00;
	v2 =	vmul.f32 v8, v2;
	v4 =	vmul.f32 v7, v4  }
0x1c9: {  	v6 =	vadd.f32 v6, v6;
	v7 =	vadd.f32 $1.000000000e+00, v57;
	v58 =	vmul.f32 v11, v13  }
0x1ca: {  	v2 =	vsub.f32 v5, v2;
	v0 =	vadd.f32 v4, v0  }
0x1cb: {  	v61 =	vadd.f32 v9, v9;
	v59 =	vmul.f32 v7, v6;
	v60 =	vadd.f32 $1.000000000e+00, v58  }
0x1cc: {  	v3 =	vmin.f32 v3, $0.0e+00;
	v0 =	vnsel vm4, $0x0, v0  }
0x1cd: {  	v0 =	vadd.f32 v2, v0;
	v2 =	vsub.f32 v3, v59;
	v3 =	vmul.f32 v60, v61  }
0x1ce: {  	v1 =	vmin.f32 v1, $0.0e+00  }
0x1cf: {  	v0 =	vadd.f32 v2, v0;
	v1 =	vsub.f32 v1, v3;
	_ =	sdelay $0x1  }
0x1d0: {  	v0 =	vadd.f32 v1, v0;
	_ =	sdelay $0x1  }
0x1d1: {  	(xrf2) =	vadd.scan.msk.f32 $0xffff, v0;
	_ =	sdelay $0x9  }
0x1d2: {  	v0, _, _ =	vpop (xrf2)  }
0x1d3: {  	(v2sf) =	vpush v0, $0xF;
	_ =	sdelay $0x8  }
0x1d4: {  	v31 =	vld [tilespmem:$0x1FF90]  }
0x1d5: {  	v44 =	vld [tilespmem:$0x1FFA0]  }
0x1d6: {  	v52 =	vld [tilespmem:$0x1FFB0]  }
0x1d7: {  	s12 =	sadd.s32 $0x1, s12;
	v0 =	vld [tilespmem:$0x1FE30]  }
0x1d8: {  	p1 =	sne.s32 s12, $0x8;
	v1 =	vld [tilespmem:$0x1FE20]  }
.Ltmp3:
0x1d9: {  	v49 =	vld [tilespmem:$0x1FF60];
	(pc) =	sbr.rel @p1 .LBB2_3-.Ltmp3, $4  }
0x1da: {  	v55 =	vld [tilespmem:$0x1FFE0];
	s3 =	spop (v2sf)  }
0x1db: {  	v53 =	vld [tilespmem:$0x1FFC0];
	s3 =	ssub.f32 $0.0e+00, s3  }
0x1dc: {  	v59 =	vld [tilespmem:$0x1FFF0];
	vm15 =	veq.s32 v0, v28  }
0x1dd: {  	v54 =	vld [tilespmem:$0x1FFD0];
	v1 =	vsel vm15, s3, v1  }
0x1de: {  	v0 =	vor.u32 s10, v28;
	_ =	sdelay $0x4  }
0x1df: {  	s3 =	simm.s32 @p0 $0x2;
	[tilespmem:v0+s25+$0x0] =	vst.idx.msk $0xff, v1  }
0x1e0: {  	_ =	swait.ge @p0 [sflag:s3], $0x400  }
0x1e1: {  	[sflag:s3] =	ssyncset.done @p0 $0x0  }
0x1e2: {  	[sflag:s3] =	ssyncadd.s32 @p0 $0xFFFFFC00  }
0x1e3: {  	_ =	swait.ge @p0 [sflag:s3], $0x2800  }
0x1e4: {  	[sflag:s3] =	ssyncset.done @p0 $0x0  }
0x1e5: {  	[sflag:s3] =	ssyncadd.s32 @p0 $0xFFFFD800  }
0x1e6: {  	_ =	swait.ge @p0 [sflag:s3], $0xC800  }
0x1e7: {  	[sflag:s3] =	ssyncset.done @p0 $0x0  }
0x1e8: {  	[sflag:s3] =	ssyncadd.s32 @p0 $0xFFFF3800;
	s3 =	simm.s32 @!p0 $0x3  }
0x1e9: {  	_ =	swait.ge @!p0 [sflag:s3], $0x8  }
0x1ea: {  	[sflag:s3] =	ssyncset.done @!p0 $0x0  }
0x1eb: {  	[sflag:s3] =	ssyncadd.s32 @!p0 $0xFFFFFFF8  }
0x1ec: {  	_ =	swait.ge @!p0 [sflag:s3], $0x50  }
0x1ed: {  	[sflag:s3] =	ssyncset.done @!p0 $0x0  }
0x1ee: {  	[sflag:s3] =	ssyncadd.s32 @!p0 $0xFFFFFFB0  }
0x1ef: {  	_ =	swait.ge @!p0 [sflag:s3], $0x190  }
0x1f0: {  	s5 =	simm.s32 @!p0 $0x0;
	[sflag:s3] =	ssyncset.done @!p0 $0x0  }
0x1f1: {  	s8 =	simm.s32 @!p0 $0x1E8;
	[sflag:s3] =	ssyncadd.s32 @!p0 $0xFFFFFE70;
	s3 =	simm.s32 @!p0 $0x8  }
0x1f2: {  	[tilespmem:s8], [sflag:$0x1] =	stream.indirect.gather @!p0 [hbm4b:s1+s3], $0x80, s5, s3, $0xb8;
	[tilespmem:$0x1EDD0] =	vst v63  }
0x1f3: {  	s11 =	simm.s32 @!p0 $0x5E8;
	s8 =	simm.s32 @!p0 $0x50  }
0x1f4: {  	[tilespmem:s11], [sflag:$0x1] =	stream.indirect.gather @!p0 [hbm4b:s2+s8], $0x80, s3, s8, $0xb8;
	[tilespmem:$0x1EDD0] =	vst v63  }
0x1f5: {  	s3 =	simm.s32 @!p0 $0x190;
	s8 =	simm.s32 @!p0 $0x58;
	s11 =	simm.s32 @!p0 $0x2DE8  }
0x1f6: {  	[tilespmem:s11], [sflag:$0x1] =	stream.indirect.gather @!p0 [hbm4b:s2+s3], $0x80, s8, s3, $0xb8;
	[tilespmem:$0x1EDD0] =	vst v63  }
0x1f7: {  	s3 =	simm.s32 @!p0 $0x2  }
0x1f8: {  	_ =	swait.ge @!p0 [sflag:s3], $0x400  }
0x1f9: {  	[sflag:s3] =	ssyncset.done @!p0 $0x0  }
0x1fa: {  	[sflag:s3] =	ssyncadd.s32 @!p0 $0xFFFFFC00  }
0x1fb: {  	_ =	swait.ge @!p0 [sflag:s3], $0x2800  }
0x1fc: {  	[sflag:s3] =	ssyncset.done @!p0 $0x0  }
0x1fd: {  	[sflag:s3] =	ssyncadd.s32 @!p0 $0xFFFFD800  }
0x1fe: {  	_ =	swait.ge @!p0 [sflag:s3], $0xC800  }
0x1ff: {  	s8 =	sadd.s32 @!p0 s10, s15;
	[sflag:s3] =	ssyncset.done @!p0 $0x0  }
0x200: {  	[sflag:s3] =	ssyncadd.s32 @!p0 $0xFFFF3800;
	s3 =	sshrl.u32 @!p0 s8, $0x3  }
0x201: {  	s11 =	simm.s32 @!p0 $0xF5E8;
	s12 =	smul.u32 @!p0 $0xA, s8;
	s3 =	sadd.s32 @!p0 s0, s3  }
0x202: {  	[tilespmem:s11], [sflag:$0x3] =	stream.linear.gather @!p0 [hbm4b:s3+s5], $0x8, $0x38;
	[tilespmem:$0x1EDD0] =	vst v63  }
0x203: {  	s3 =	sshrl.u32 @!p0 s12, $0x3  }
0x204: {  	s8 =	smul.u32 @!p0 $0x32, s8;
	s11 =	simm.s32 @!p0 $0xF5F0;
	s3 =	sadd.s32 @!p0 s6, s3  }
0x205: {  	[tilespmem:s11], [sflag:$0x3] =	stream.linear.gather @!p0 [hbm4b:s3+s5], $0x50, $0x38;
	[tilespmem:$0x1EDD0] =	vst v63  }
0x206: {  	s12 =	simm.s32 $0x0;
	s3 =	sshrl.u32 @!p0 s8, $0x3  }
0x207: {  	s8 =	simm.s32 @!p0 $0xF640;
	s11 =	simm.s32 $0x0;
	s3 =	sadd.s32 @!p0 s7, s3  }
0x208: {  	v2 =	vimm.f32 $0.0e+00;
	[tilespmem:s8], [sflag:$0x3] =	stream.linear.gather @!p0 [hbm4b:s3+s5], $0x190, $0x38;
	[tilespmem:$0x1EDD0] =	vst v63  }
.LBB2_7:
0x209: {  	v7 =	vld [tilespmem:$0x1FEE0];
	_ =	sdelay $0x2  }
0x20a: {  	v0 =	vmov s12  }
0x20b: {  	s3 =	smul.u32 $0x32, s12;
	[tilespmem:$0x1FAA0] =	vst v0;
	v0 =	vshll.u32 v0, $0x7  }
0x20c: {  	v8 =	vor.u32 v7, v0;
	v0 =	vor.u32 s11, v29  }
0x20d: {  	[tilespmem:$0x1FA90] =	vst v2;
	s5 =	sadd.s32 $0x76, s3;
	v2 =	vor.u32 v8, v0  }
0x20e: {  	s8 =	smul.u32 $0xA, s12;
	v6 =	vld [tilespmem:$0x1FED0];
	v1 =	vadd.s32 s5, v28  }
0x20f: {  	s19 =	sadd.s32 $0x60, s3;
	vm15 =	vlt.s32 v1, $0x1DF  }
0x210: {  	s17 =	sadd.s32 $0x50, s3;
	v3 =	vadd.s32 s8, v28;
	s3 =	sadd.s32 $0x70, s3;
	s8 =	simm.s32 $0xC;
	v4 =	vmov s19;
	v1 =	vnsel vm15, $0x1DF, v1  }
0x211: {  	v5 =	vmov s3;
	v19 =	vadd.s32 s8, v28;
	v1 =	vsel vm0, v3, v1  }
0x212: {  	v4 =	vshll.u32 v4, $0x7;
	v5 =	vshll.u32 v5, $0x7;
	v46 =	vshll.u32 v1, $0x7;
	v1 =	vld.idx.msk [tilespmem:v2+s30+$0x0], $0xffff  }
0x213: {  	v57 =	vadd.s32 v6, v4;
	v58 =	vadd.s32 v6, v5;
	v3 =	vmov s17  }
0x214: {  	s13 =	simm.s32 $0x10;
	v60 =	vor.u32 v7, v57;
	v61 =	vor.u32 v7, v58;
	v3 =	vshll.u32 v3, $0x7  }
0x215: {  	v10 =	vor.u32 v60, v0;
	v50 =	vor.u32 v7, v46;
	v2 =	vor.u32 s13, v29  }
0x216: {  	v48 =	vadd.s32 v6, v3;
	v6 =	vor.u32 v50, v0;
	v2 =	vand.u32 $0x78, v2  }
0x217: {  	[tilespmem:$0x1FAB0] =	vst v8;
	v3 =	vor.u32 v2, v8;
	v8 =	vperm.xlane v1, v56;
	v9 =	vperm.xlane v1, v62  }
0x218: {  	v51 =	vor.u32 v7, v48;
	v12 =	vperm.xlane v1, v49;
	v13 =	vperm.xlane v1, v47  }
0x219: {  	v7 =	vor.u32 v51, v0;
	v14 =	vperm.xlane v1, v63;
	v15 =	vperm.xlane v1, v30  }
0x21a: {  	s19 =	simm.s32 $0x9;
	v0 =	vor.u32 v61, v0;
	v10 =	vld.idx.msk [tilespmem:v10+s31+$0x0], $0xffff;
	v17 =	vperm.xlane v1, v25;
	v18 =	vperm.xlane v1, v39  }
0x21b: {  	s8 =	simm.s32 $0x2;
	v11 =	vadd.s32 s19, v28;
	v6 =	vld.idx.msk [tilespmem:v6+s31+$0x0], $0xffff;
	v20 =	vperm.xlane v1, v54;
	v22 =	vperm.xlane v1, v55  }
0x21c: {  	v21 =	vadd.s32 s8, v28;
	v34 =	vperm.xlane v1, v52;
	v36 =	vperm.xlane v1, v53;
	v16 =	vld.idx.msk [tilespmem:v3+s30+$0x0], $0xffff  }
0x21d: {  	s5 =	simm.s32 $0xF;
	v19 =	vand.u32 $0x7F, v19;
	v37 =	vperm.xlane v1, v31;
	v38 =	vperm.xlane v1, v44  }
0x21e: {  	v5 =	vadd.s32 s5, v28;
	s5 =	simm.s32 $0x3;
	s17 =	simm.s32 $0xE;
	v7 =	vld.idx.msk [tilespmem:v7+s31+$0x0], $0xffff;
	v3 =	vperm.xlane v1, v59;
	v1 =	vperm.xlane v1, v28  }
0x21f: {  	v26 =	vand.u32 $0x7F, v21;
	v35 =	vadd.s32 s5, v28;
	v4 =	vadd.s32 s17, v28;
	v0 =	vld.idx.msk [tilespmem:v0+s31+$0x0], $0xffff  }
0x220: {  	s16 =	simm.s32 $0xD;
	v35 =	vand.u32 $0x7F, v35;
	v23 =	vmul.f32 v6, v1;
	v32 =	vmul.f32 v10, v1  }
0x221: {  	v45 =	vmovc v39;
	v2 =	vadd.s32 s16, v28;
	s16 =	simm.s32 $0x1;
	v33 =	vperm.xlane v16, v56;
	v39 =	vperm.xlane v16, v62  }
0x222: {  	v24 =	vadd.s32 s16, v28;
	v41 =	vperm.xlane v16, v49;
	v42 =	vperm.xlane v16, v47  }
0x223: {  	v40 =	vand.u32 $0x7F, v24;
	v21 =	vperm.xlane v16, v63;
	v27 =	vperm.xlane v16, v30  }
0x224: {  	v6 =	vor.u32 v46, v40;
	v47 =	vmul.f32 v7, v1;
	v1 =	vmul.f32 v0, v1  }
0x225: {  	v30 =	vor.u32 v46, v26;
	v63 =	vperm.xlane v16, v59;
	v45 =	vperm.xlane v16, v45  }
0x226: {  	v24 =	vmovc v25;
	v44 =	vperm.xlane v16, v44;
	v25 =	vsel vm14, v8, v33;
	v33 =	vor.u32 v48, v40  }
0x227: {  	v43 =	vsel vm13, v12, v41;
	v0 =	vsel vm12, v9, v39;
	v12 =	vor.u32 v57, v40  }
0x228: {  	v7 =	vsel vm11, v14, v21;
	v14 =	vperm.xlane v16, v24;
	v39 =	vor.u32 v58, v40  }
0x229: {  	v8 =	vsel vm10, v13, v42;
	v9 =	vsel vm9, v3, v63;
	v40 =	vor.u32 v48, v26  }
0x22a: {  	v10 =	vsel vm8, v15, v27;
	v63 =	vperm.xlane v16, v55;
	v21 =	vsel vm7, v18, v45  }
0x22b: {  	v45 =	vperm.xlane v16, v54;
	v54 =	vperm.xlane v16, v53;
	v18 =	vor.u32 v58, v26  }
0x22c: {  	v41 =	vld.idx.msk [tilespmem:v6+s31+$0x0], $0xffff;
	v55 =	vperm.xlane v16, v52;
	v16 =	vperm.xlane v16, v31;
	v24 =	vimm.f32 $0.0e+00  }
0x22d: {  	v27 =	vadd.f32 v32, v24;
	v1 =	vadd.f32 v1, v24;
	v3 =	vsel vm6, v17, v14;
	v14 =	vld.idx.msk [tilespmem:v33+s31+$0x0], $0xffff  }
0x22e: {  	s17 =	simm.s32 $0x6;
	v17 =	vor.u32 v57, v26;
	v6 =	vsel vm0, v22, v63;
	v13 =	vsel vm5, v20, v45;
	v12 =	vld.idx.msk [tilespmem:v12+s31+$0x0], $0xffff  }
0x22f: {  	v15 =	vsel vm4, v36, v54;
	v20 =	vsel vm3, v34, v55;
	v34 =	vadd.s32 s17, v28;
	v63 =	vld.idx.msk [tilespmem:v39+s31+$0x0], $0xffff  }
0x230: {  	s19 =	simm.s32 $0x4;
	v36 =	vsel vm2, v38, v44;
	v38 =	vor.u32 v46, v35;
	v16 =	vsel vm1, v37, v16;
	v45 =	vld.idx.msk [tilespmem:v30+s31+$0x0], $0xffff  }
0x231: {  	v54 =	vadd.f32 v23, v24;
	v55 =	vor.u32 v48, v35;
	v23 =	vadd.s32 s19, v28;
	v52 =	vld.idx.msk [tilespmem:v40+s31+$0x0], $0xffff  }
0x232: {  	s5 =	simm.s32 $0x5;
	v26 =	vadd.f32 v47, v24;
	v53 =	vmul.f32 v16, v41;
	v18 =	vld.idx.msk [tilespmem:v18+s31+$0x0], $0xffff;
	v41 =	vand.u32 $0x7F, v23  }
0x233: {  	v44 =	vadd.s32 s5, v28;
	v30 =	vor.u32 v57, v41;
	v14 =	vmul.f32 v14, v16  }
0x234: {  	v17 =	vld.idx.msk [tilespmem:v17+s31+$0x0], $0xffff;
	v12 =	vmul.f32 v12, v16;
	v16 =	vmul.f32 v63, v16;
	v63 =	vor.u32 v57, v35  }
0x235: {  	v40 =	vadd.f32 v53, v54;
	v39 =	vmul.f32 v36, v45;
	v35 =	vor.u32 v58, v35  }
0x236: {  	v38 =	vld.idx.msk [tilespmem:v38+s31+$0x0], $0xffff;
	v37 =	vmul.f32 v52, v36;
	v14 =	vadd.f32 v14, v26;
	v26 =	vor.u32 v46, v41  }
0x237: {  	v42 =	vld.idx.msk [tilespmem:v55+s31+$0x0], $0xffff;
	v18 =	vmul.f32 v18, v36;
	v12 =	vadd.f32 v12, v27;
	v27 =	vor.u32 v48, v41  }
0x238: {  	v54 =	vld.idx.msk [tilespmem:v30+s31+$0x0], $0xffff;
	v16 =	vadd.f32 v16, v1;
	v1 =	vand.u32 $0x7F, v5;
	v5 =	vor.u32 v58, v41  }
0x239: {  	v17 =	vmul.f32 v17, v36;
	v36 =	vand.u32 $0x7F, v44;
	v45 =	vor.u32 v46, v1;
	v22 =	vld.idx.msk [tilespmem:v63+s31+$0x0], $0xffff  }
0x23a: {  	s8 =	simm.s32 $0x7;
	v11 =	vand.u32 $0x7F, v11;
	v34 =	vand.u32 $0x7F, v34;
	v47 =	vor.u32 v46, v36;
	v35 =	vld.idx.msk [tilespmem:v35+s31+$0x0], $0xffff  }
0x23b: {  	v55 =	vadd.s32 s8, v28;
	v16 =	vadd.f32 v18, v16;
	v18 =	vor.u32 v57, v36;
	v41 =	vld.idx.msk [tilespmem:v26+s31+$0x0], $0xffff  }
0x23c: {  	v53 =	vmul.f32 v42, v20;
	v14 =	vadd.f32 v37, v14;
	v26 =	vor.u32 v48, v36;
	v27 =	vld.idx.msk [tilespmem:v27+s31+$0x0], $0xffff  }
0x23d: {  	v39 =	vadd.f32 v39, v40;
	v52 =	vmul.f32 v20, v38;
	v36 =	vor.u32 v58, v36;
	v30 =	vld.idx.msk [tilespmem:v5+s31+$0x0], $0xffff  }
0x23e: {  	v17 =	vadd.f32 v17, v12;
	v63 =	vor.u32 v48, v1;
	v14 =	vadd.f32 v53, v14;
	v12 =	vld.idx.msk [tilespmem:v45+s31+$0x0], $0xffff  }
0x23f: {  	v53 =	vor.u32 v48, v34;
	v42 =	vmul.f32 v54, v15;
	v5 =	vand.u32 $0x7F, v4;
	v37 =	vld.idx.msk [tilespmem:v47+s31+$0x0], $0xffff  }
0x240: {  	v4 =	vadd.f32 v52, v39;
	v45 =	vor.u32 v46, v5;
	v47 =	vor.u32 v46, v34;
	v18 =	vld.idx.msk [tilespmem:v18+s31+$0x0], $0xffff  }
0x241: {  	[tilespmem:$0x1FB20] =	vst v57;
	v22 =	vmul.f32 v22, v20;
	v20 =	vmul.f32 v35, v20;
	v35 =	vand.u32 $0x7F, v55;
	v52 =	vld.idx.msk [tilespmem:v26+s31+$0x0], $0xffff  }
0x242: {  	v41 =	vmul.f32 v15, v41;
	v26 =	vmul.f32 v27, v15;
	v27 =	vor.u32 v57, v34;
	v36 =	vld.idx.msk [tilespmem:v36+s31+$0x0], $0xffff  }
0x243: {  	[tilespmem:$0x1FB30] =	vst v58;
	v15 =	vmul.f32 v30, v15;
	v30 =	vand.u32 $0x7F, v2;
	v2 =	vld.idx.msk [tilespmem:v63+s31+$0x0], $0xffff;
	v34 =	vor.u32 v58, v34  }
0x244: {  	v17 =	vadd.f32 v22, v17;
	v16 =	vadd.f32 v20, v16;
	v63 =	vor.u32 v46, v35;
	v20 =	vld.idx.msk [tilespmem:v53+s31+$0x0], $0xffff  }
0x245: {  	v53 =	vor.u32 v46, v19;
	v55 =	vor.u32 v46, v30;
	v22 =	vld.idx.msk [tilespmem:v47+s31+$0x0], $0xffff;
	v37 =	vmul.f32 v13, v37  }
0x246: {  	v47 =	vor.u32 v57, v35;
	v54 =	vadd.f32 v41, v4;
	v4 =	vld.idx.msk [tilespmem:v45+s31+$0x0], $0xffff;
	v14 =	vadd.f32 v26, v14  }
0x247: {  	v17 =	vadd.f32 v42, v17;
	v45 =	vor.u32 v48, v35;
	v18 =	vmul.f32 v18, v13;
	v26 =	vld.idx.msk [tilespmem:v27+s31+$0x0], $0xffff  }
0x248: {  	v44 =	vor.u32 v57, v30;
	v15 =	vadd.f32 v15, v16;
	v35 =	vor.u32 v58, v35;
	v34 =	vld.idx.msk [tilespmem:v34+s31+$0x0], $0xffff  }
0x249: {  	s16 =	simm.s32 $0x8;
	v24 =	vmul.f32 v25, v12;
	v37 =	vadd.f32 v37, v54;
	v17 =	vadd.f32 v18, v17;
	v38 =	vld.idx.msk [tilespmem:v63+s31+$0x0], $0xffff  }
0x24a: {  	[tilespmem:$0x1FAE0] =	vst v60;
	v40 =	vmul.f32 v52, v13;
	v52 =	vadd.s32 s16, v28;
	v63 =	vor.u32 v46, v11;
	v41 =	vld.idx.msk [tilespmem:v55+s31+$0x0], $0xffff  }
0x24b: {  	[tilespmem:$0x1FAF0] =	vst v61;
	v13 =	vmul.f32 v36, v13;
	v36 =	vand.u32 $0x78, v52;
	v16 =	vld.idx.msk [tilespmem:v47+s31+$0x0], $0xffff;
	v47 =	vor.u32 v48, v11  }
0x24c: {  	v20 =	vmul.f32 v20, v6;
	v22 =	vmul.f32 v6, v22;
	v54 =	vor.u32 v50, v36;
	v42 =	vld.idx.msk [tilespmem:v45+s31+$0x0], $0xffff  }
0x24d: {  	v14 =	vadd.f32 v40, v14;
	v55 =	vor.u32 v51, v36;
	v13 =	vadd.f32 v13, v15;
	v35 =	vld.idx.msk [tilespmem:v35+s31+$0x0], $0xffff  }
0x24e: {  	s17 =	simm.s32 $0xA;
	v60 =	vor.u32 v60, v36;
	v61 =	vor.u32 v61, v36;
	v22 =	vadd.f32 v22, v37;
	v37 =	vld.idx.msk [tilespmem:v53+s31+$0x0], $0xffff  }
0x24f: {  	[tilespmem:$0x1FAC0] =	vst v50;
	s19 =	simm.s32 $0xB;
	v45 =	vadd.s32 s17, v28;
	v50 =	vor.u32 v57, v11;
	v11 =	vor.u32 v58, v11;
	v36 =	vld.idx.msk [tilespmem:v63+s31+$0x0], $0xffff  }
0x250: {  	[tilespmem:$0x1FB00] =	vst v46;
	v4 =	vmul.f32 v43, v4;
	v53 =	vadd.s32 s19, v28;
	v14 =	vadd.f32 v20, v14;
	v39 =	vld.idx.msk [tilespmem:v47+s31+$0x0], $0xffff  }
0x251: {  	[tilespmem:$0x1FAD0] =	vst v51;
	v20 =	vand.u32 $0x7F, v45;
	v26 =	vmul.f32 v26, v6;
	v6 =	vmul.f32 v34, v6;
	v40 =	vld.idx.msk [tilespmem:v54+s31+$0x0], $0xffff  }
0x252: {  	v38 =	vmul.f32 v3, v38;
	v51 =	vor.u32 v46, v20;
	v52 =	vor.u32 v48, v20;
	v18 =	vld.idx.msk [tilespmem:v55+s31+$0x0], $0xffff  }
0x253: {  	v63 =	vor.u32 v48, v19;
	v16 =	vmul.f32 v16, v3;
	v47 =	vor.u32 v48, v5;
	v15 =	vld.idx.msk [tilespmem:v60+s31+$0x0], $0xffff  }
0x254: {  	v17 =	vadd.f32 v26, v17;
	v42 =	vmul.f32 v42, v3;
	v34 =	vld.idx.msk [tilespmem:v61+s31+$0x0], $0xffff;
	v54 =	vor.u32 v57, v20  }
0x255: {  	v6 =	vadd.f32 v6, v13;
	v3 =	vmul.f32 v35, v3;
	v20 =	vor.u32 v58, v20;
	v13 =	vld.idx.msk [tilespmem:v50+s31+$0x0], $0xffff  }
0x256: {  	[tilespmem:$0x1FB10] =	vst v48;
	v22 =	vadd.f32 v38, v22;
	v11 =	vld.idx.msk [tilespmem:v11+s31+$0x0], $0xffff;
	v14 =	vadd.f32 v42, v14;
	v42 =	vand.u32 $0x7F, v53  }
0x257: {  	v16 =	vadd.f32 v16, v17;
	v3 =	vadd.f32 v3, v6;
	v6 =	vor.u32 v46, v42;
	v35 =	vld.idx.msk [tilespmem:v51+s31+$0x0], $0xffff  }
0x258: {  	v55 =	vor.u32 v48, v42;
	v38 =	vld.idx.msk [tilespmem:v52+s31+$0x0], $0xffff;
	v40 =	vmul.f32 v21, v40;
	v18 =	vmul.f32 v18, v21  }
0x259: {  	v60 =	vor.u32 v57, v42;
	v15 =	vmul.f32 v15, v21;
	v21 =	vmul.f32 v34, v21;
	v17 =	vld.idx.msk [tilespmem:v54+s31+$0x0], $0xffff  }
0x25a: {  	v61 =	vor.u32 v58, v42;
	v36 =	vmul.f32 v10, v36;
	v42 =	vor.u32 v48, v30;
	v20 =	vld.idx.msk [tilespmem:v20+s31+$0x0], $0xffff  }
0x25b: {  	v46 =	vor.u32 v58, v30;
	v48 =	vor.u32 v57, v5;
	v3 =	vadd.f32 v21, v3;
	v21 =	vld.idx.msk [tilespmem:v63+s31+$0x0], $0xffff  }
0x25c: {  	v5 =	vor.u32 v58, v5;
	v22 =	vadd.f32 v40, v22;
	v40 =	vor.u32 v57, v19;
	v6 =	vld.idx.msk [tilespmem:v6+s31+$0x0], $0xffff  }
0x25d: {  	v52 =	vor.u32 v57, v1;
	v1 =	vor.u32 v58, v1;
	v19 =	vor.u32 v58, v19;
	v34 =	vld.idx.msk [tilespmem:v55+s31+$0x0], $0xffff  }
0x25e: {  	v39 =	vmul.f32 v39, v10;
	v13 =	vmul.f32 v13, v10;
	v14 =	vadd.f32 v18, v14;
	v18 =	vld.idx.msk [tilespmem:v60+s31+$0x0], $0xffff  }
0x25f: {  	v10 =	vmul.f32 v11, v10;
	v15 =	vadd.f32 v15, v16;
	v58 =	vmul.f32 v0, v41;
	v16 =	vld.idx.msk [tilespmem:v61+s31+$0x0], $0xffff  }
0x260: {  	v35 =	vmul.f32 v9, v35;
	v45 =	vmul.f32 v38, v9;
	v53 =	vld.idx.msk [tilespmem:v46+s31+$0x0], $0xffff;
	v22 =	vadd.f32 v36, v22  }
0x261: {  	v55 =	vmul.f32 v7, v37;
	v14 =	vadd.f32 v39, v14;
	v13 =	vadd.f32 v13, v15;
	v11 =	vld.idx.msk [tilespmem:v40+s31+$0x0], $0xffff  }
0x262: {  	v3 =	vadd.f32 v10, v3;
	v36 =	vmul.f32 v2, v25;
	v17 =	vmul.f32 v17, v9;
	v50 =	vld.idx.msk [tilespmem:v19+s31+$0x0], $0xffff  }
0x263: {  	v5 =	vld.idx.msk [tilespmem:v5+s31+$0x0], $0xffff;
	v9 =	vmul.f32 v20, v9;
	v22 =	vadd.f32 v35, v22;
	v14 =	vadd.f32 v45, v14  }
0x264: {  	v15 =	vld.idx.msk [tilespmem:v42+s31+$0x0], $0xffff;
	v13 =	vadd.f32 v17, v13;
	v6 =	vmul.f32 v8, v6;
	v51 =	vmul.f32 v34, v8  }
0x265: {  	v10 =	vld.idx.msk [tilespmem:v44+s31+$0x0], $0xffff;
	v3 =	vadd.f32 v9, v3;
	v18 =	vmul.f32 v18, v8;
	v8 =	vmul.f32 v16, v8  }
0x266: {  	v54 =	vld.idx.msk [tilespmem:v47+s31+$0x0], $0xffff;
	v21 =	vmul.f32 v21, v7;
	v6 =	vadd.f32 v6, v22;
	v14 =	vadd.f32 v51, v14  }
0x267: {  	v9 =	vld.idx.msk [tilespmem:v48+s31+$0x0], $0xffff;
	v3 =	vadd.f32 v8, v3;
	v8 =	vmul.f32 v11, v7;
	v7 =	vmul.f32 v50, v7  }
0x268: {  	v61 =	vld.idx.msk [tilespmem:v1+s31+$0x0], $0xffff;
	v63 =	vmul.f32 v5, v43;
	v13 =	vadd.f32 v18, v13;
	v6 =	vadd.f32 v55, v6  }
0x269: {  	v60 =	vld.idx.msk [tilespmem:v52+s31+$0x0], $0xffff;
	v57 =	vadd.f32 v21, v14;
	v3 =	vadd.f32 v7, v3;
	v7 =	vmul.f32 v15, v0  }
0x26a: {  	v10 =	vmul.f32 v10, v0;
	v8 =	vadd.f32 v8, v13;
	v0 =	vmul.f32 v53, v0  }
0x26b: {  	v6 =	vadd.f32 v58, v6;
	v1 =	vadd.f32 v7, v57;
	v7 =	vmul.f32 v54, v43  }
0x26c: {  	v8 =	vadd.f32 v10, v8;
	v0 =	vadd.f32 v0, v3;
	v3 =	vmul.f32 v9, v43  }
0x26d: {  	v2 =	vmul.f32 v61, v25;
	v6 =	vadd.f32 v4, v6;
	v5 =	vadd.f32 v7, v1  }
0x26e: {  	v4 =	vmul.f32 v60, v25;
	v3 =	vadd.f32 v3, v8;
	v1 =	vadd.f32 v63, v0  }
.LBB2_8:
0x26f: {  	v6 =	vadd.f32 v24, v6  }
0x270: {  	v17 =	vld [tilespmem:$0x1FAC0];
	v5 =	vadd.f32 v36, v5  }
0x271: {  	s19 =	sadd.s32 $0xB, s13;
	v18 =	vld [tilespmem:$0x1FAD0];
	v3 =	vadd.f32 v4, v3;
	[tilespmem:$0x1F8C0] =	vst v6  }
0x272: {  	s5 =	smov.u32 s13;
	s17 =	sadd.s32 $0xA, s13;
	v24 =	vld [tilespmem:$0x1FAE0];
	v1 =	vadd.f32 v2, v1;
	v7 =	vadd.s32 s19, v28;
	s19 =	sadd.s32 $0x5, s13;
	[tilespmem:$0x1F8D0] =	vst v5  }
0x273: {  	s3 =	sadd.s32 $0xF, s13;
	s16 =	sadd.s32 $0xE, s13;
	v25 =	vld [tilespmem:$0x1FAF0];
	s5 =	sadd.s32 $0xC, s13;
	v6 =	vadd.s32 s17, v28;
	v13 =	vadd.s32 s19, v28;
	[tilespmem:$0x1F8F0] =	vst v3  }
0x274: {  	v16 =	vld [tilespmem:$0x1FAB0];
	s17 =	sadd.s32 $0x4, s13;
	v5 =	vadd.s32 s3, v28;
	[tilespmem:$0x1F900] =	vst v1;
	v1 =	vadd.s32 s5, v28;
	v3 =	vadd.s32 s16, v28  }
0x275: {  	v19 =	vld [tilespmem:$0x1FB20];
	s16 =	sadd.s32 $0x8, s13;
	v12 =	vadd.s32 s17, v28;
	s17 =	sadd.s32 $0x1, s13;
	v34 =	vand.u32 $0x7F, v13;
	v0 =	vor.u32 s13, v29  }
0x276: {  	v10 =	vadd.s32 s16, v28;
	v15 =	vadd.s32 s17, v28;
	v5 =	vand.u32 $0x7F, v5  }
0x277: {  	s16 =	sadd.s32 $0x2, s13;
	v35 =	vand.u32 $0x7F, v1;
	v23 =	vor.u32 v17, v0;
	v20 =	vor.u32 v18, v0  }
0x278: {  	s19 =	sadd.s32 $0x10, s13;
	v14 =	vadd.s32 s16, v28;
	v21 =	vor.u32 v24, v0;
	v22 =	vor.u32 v25, v0  }
0x279: {  	v36 =	vor.u32 v16, v0;
	v0 =	vor.u32 s19, v29;
	v13 =	vand.u32 $0x7F, v15;
	v15 =	vld [tilespmem:$0x1FB10]  }
0x27a: {  	v1 =	vand.u32 $0x78, v0;
	v37 =	vand.u32 $0x7F, v14;
	v14 =	vld [tilespmem:$0x1FB00];
	v0 =	vor.u32 v19, v5  }
0x27b: {  	[tilespmem:$0x1FA50] =	vst v0;
	v0 =	vld [tilespmem:$0x1FB30];
	_ =	sdelay $0x2  }
0x27c: {  	v7 =	vand.u32 $0x7F, v7  }
0x27d: {  	v52 =	vor.u32 v19, v7  }
0x27e: {  	v55 =	vor.u32 v15, v7;
	v53 =	vor.u32 v14, v7;
	v7 =	vor.u32 v0, v7  }
0x27f: {  	s8 =	sadd.s32 $0xD, s13;
	[tilespmem:$0x1F9E0] =	vst v7;
	v7 =	vld.idx.msk [tilespmem:v21+s31+$0x0], $0xffff  }
0x280: {  	v2 =	vadd.s32 s8, v28;
	s8 =	sadd.s32 $0x7, s13  }
0x281: {  	v9 =	vadd.s32 s8, v28;
	s3 =	sadd.s32 $0x9, s13  }
0x282: {  	s5 =	sadd.s32 $0x6, s13;
	v6 =	vand.u32 $0x7F, v6;
	v4 =	vadd.s32 s3, v28;
	v39 =	vor.u32 v15, v5  }
0x283: {  	v8 =	vadd.s32 s5, v28;
	v4 =	vand.u32 $0x7F, v4;
	v60 =	vor.u32 v15, v6  }
0x284: {  	v58 =	vor.u32 v14, v6;
	[tilespmem:$0x1F7D0] =	vst v7;
	v7 =	vor.u32 v19, v6;
	v6 =	vor.u32 v0, v6  }
0x285: {  	v50 =	vand.u32 $0x7F, v8;
	v8 =	vand.u32 $0x7F, v9;
	[tilespmem:$0x1F9C0] =	vst v6;
	v6 =	vor.u32 v19, v4  }
0x286: {  	[tilespmem:$0x1F990] =	vst v6;
	v6 =	vor.u32 v1, v16;
	v1 =	vor.u32 v19, v8  }
0x287: {  	v3 =	vand.u32 $0x7F, v3;
	[tilespmem:$0x1F950] =	vst v1;
	v1 =	vld.idx.msk [tilespmem:v39+s31+$0x0], $0xffff  }
0x288: {  	v40 =	vor.u32 v14, v3;
	_ =	sdelay $0x3  }
0x289: {  	[tilespmem:$0x1F7F0] =	vst v1;
	v1 =	vor.u32 v0, v8  }
0x28a: {  	[tilespmem:$0x1F960] =	vst v1;
	v1 =	vld.idx.msk [tilespmem:v40+s31+$0x0], $0xffff;
	_ =	sdelay $0x1  }
0x28b: {  	v2 =	vand.u32 $0x7F, v2;
	v38 =	vor.u32 v14, v5;
	v5 =	vor.u32 v0, v5  }
0x28c: {  	[tilespmem:$0x1FA60] =	vst v5;
	v5 =	vor.u32 v14, v2;
	_ =	sdelay $0x1  }
0x28d: {  	[tilespmem:$0x1F800] =	vst v1;
	v1 =	vor.u32 v19, v50  }
0x28e: {  	[tilespmem:$0x1F940] =	vst v1;
	v1 =	vor.u32 v19, v34  }
0x28f: {  	v36 =	vld.idx.msk [tilespmem:v36+s30+$0x0], $0xffff;
	[tilespmem:$0x1F920] =	vst v1;
	v1 =	vor.u32 v0, v34  }
0x290: {  	v33 =	vand.u32 $0x78, v10;
	[tilespmem:$0x1F930] =	vst v1;
	v1 =	vld.idx.msk [tilespmem:v5+s31+$0x0], $0xffff  }
0x291: {  	v63 =	vor.u32 v15, v4;
	v61 =	vor.u32 v14, v4;
	[tilespmem:$0x1F9B0] =	vst v7;
	v4 =	vor.u32 v0, v4;
	v7 =	vld [tilespmem:$0x1FF30]  }
0x292: {  	s3 =	sadd.s32 $0x3, s13;
	v26 =	vor.u32 v17, v33;
	[tilespmem:$0x1F9A0] =	vst v4;
	v4 =	vor.u32 v24, v33  }
0x293: {  	v11 =	vadd.s32 s3, v28;
	v27 =	vor.u32 v18, v33;
	[tilespmem:$0x1F970] =	vst v4;
	v4 =	vor.u32 v25, v33;
	v33 =	vld.idx.msk [tilespmem:v6+s30+$0x0], $0xffff  }
0x294: {  	v31 =	vand.u32 $0x7F, v11;
	v11 =	vand.u32 $0x7F, v12;
	v6 =	vld [tilespmem:$0x1FF10]  }
0x295: {  	[tilespmem:$0x1F810] =	vst v1;
	v1 =	vor.u32 v19, v11  }
0x296: {  	v12 =	vld [tilespmem:$0x1FFD0];
	[tilespmem:$0x1F8E0] =	vst v1;
	v1 =	vperm.xlane v36, v7;
	_ =	sdelay $0x1  }
0x297: {  	v29 =	vld [tilespmem:$0x1FFE0];
	[tilespmem:$0x1F820] =	vst v1;
	v1 =	vor.u32 v0, v11  }
0x298: {  	[tilespmem:$0x1F910] =	vst v1;
	v1 =	vperm.xlane v36, v6  }
0x299: {  	v42 =	vor.u32 v19, v3;
	v9 =	vld [tilespmem:$0x1FFB0]  }
0x29a: {  	v47 =	vor.u32 v15, v3;
	v3 =	vor.u32 v0, v3;
	[tilespmem:$0x1F830] =	vst v1;
	v1 =	vperm.xlane v36, v12  }
0x29b: {  	v43 =	vor.u32 v19, v2;
	[tilespmem:$0x1FA40] =	vst v3  }
0x29c: {  	v3 =	vor.u32 v15, v2;
	v2 =	vor.u32 v0, v2;
	[tilespmem:$0x1F850] =	vst v1;
	v1 =	vperm.xlane v36, v29  }
0x29d: {  	[tilespmem:$0x1FA20] =	vst v2;
	v2 =	vor.u32 v14, v35  }
0x29e: {  	[tilespmem:$0x1F840] =	vst v1;
	v1 =	vperm.xlane v36, v9  }
0x29f: {  	[tilespmem:$0x1F980] =	vst v4;
	v4 =	vld.idx.msk [tilespmem:v38+s31+$0x0], $0xffff  }
0x2a0: {  	[tilespmem:$0x1F870] =	vst v1;
	v1 =	vld [tilespmem:$0x1FFC0]  }
0x2a1: {  	v44 =	vor.u32 v19, v35;
	v10 =	vld [tilespmem:$0x1FFA0]  }
0x2a2: {  	[tilespmem:$0x1F9F0] =	vst v44;
	v44 =	vld.idx.msk [tilespmem:v2+s31+$0x0], $0xffff  }
0x2a3: {  	v2 =	vld [tilespmem:$0x1FF20]  }
0x2a4: {  	v38 =	vld.idx.msk [tilespmem:v3+s31+$0x0], $0xffff  }
0x2a5: {  	[tilespmem:$0x1F7E0] =	vst v4;
	v4 =	vld [tilespmem:$0x1FF80];
	v3 =	vperm.xlane v36, v1  }
0x2a6: {  	v5 =	vld [tilespmem:$0x1FF40]  }
0x2a7: {  	v51 =	vor.u32 v15, v35;
	[tilespmem:$0x1F860] =	vst v3;
	v3 =	vld [tilespmem:$0x1FF90]  }
0x2a8: {  	v45 =	vld.idx.msk [tilespmem:v23+s31+$0x0], $0xffff;
	v18 =	vor.u32 v15, v34;
	v46 =	vor.u32 v0, v35;
	v21 =	vperm.xlane v36, v62  }
0x2a9: {  	[tilespmem:$0x1FA00] =	vst v46;
	v35 =	vperm.xlane v36, v59;
	v46 =	vld.idx.msk [tilespmem:v55+s31+$0x0], $0xffff;
	v55 =	vperm.xlane v36, v10  }
0x2aa: {  	v17 =	vor.u32 v14, v8;
	v24 =	vperm.xlane v36, v49;
	v41 =	vperm.xlane v36, v2  }
0x2ab: {  	[tilespmem:$0x1FA10] =	vst v43;
	v16 =	vor.u32 v15, v8;
	v8 =	vperm.xlane v36, v56;
	v43 =	vperm.xlane v36, v4  }
0x2ac: {  	v48 =	vld.idx.msk [tilespmem:v20+s31+$0x0], $0xffff;
	v40 =	vor.u32 v14, v34;
	v34 =	vperm.xlane v36, v5;
	v54 =	vperm.xlane v36, v3  }
0x2ad: {  	[tilespmem:$0x1F7B0] =	vst v45;
	v36 =	vperm.xlane v36, v28;
	v28 =	vperm.xlane v33, v12  }
0x2ae: {  	v12 =	vperm.xlane v33, v9;
	v9 =	vperm.xlane v33, v1;
	v1 =	vld [tilespmem:$0x1F7B0]  }
0x2af: {  	v57 =	vor.u32 v19, v31  }
0x2b0: {  	[tilespmem:$0x1F8A0] =	vst v57  }
0x2b1: {  	v30 =	vor.u32 v15, v50;
	v32 =	vor.u32 v15, v11;
	[tilespmem:$0x1F7C0] =	vst v48  }
0x2b2: {  	v45 =	vor.u32 v15, v31;
	v57 =	vld.idx.msk [tilespmem:v61+s31+$0x0], $0xffff;
	v61 =	vperm.xlane v33, v62;
	v62 =	vor.u32 v15, v37  }
0x2b3: {  	v23 =	vperm.xlane v33, v6;
	v6 =	vor.u32 v15, v13;
	v15 =	vmul.f32 v1, v36;
	v1 =	vld [tilespmem:$0x1F7C0];
	_ =	sdelay $0x2  }
0x2b4: {  	v20 =	vor.u32 v14, v11;
	[tilespmem:$0x1F880] =	vst v55  }
0x2b5: {  	v39 =	vor.u32 v14, v50;
	v25 =	vor.u32 v14, v13;
	v55 =	vperm.xlane v33, v56;
	v11 =	vld.idx.msk [tilespmem:v51+s31+$0x0], $0xffff  }
0x2b6: {  	v56 =	vor.u32 v14, v37;
	v51 =	vor.u32 v14, v31;
	v14 =	vmul.f32 v1, v36;
	v1 =	vld [tilespmem:$0x1F7D0];
	_ =	sdelay $0x2  }
0x2b7: {  	[tilespmem:$0x1FA30] =	vst v42;
	v42 =	vld.idx.msk [tilespmem:v22+s31+$0x0], $0xffff  }
0x2b8: {  	v22 =	vor.u32 v19, v37;
	v48 =	vld.idx.msk [tilespmem:v58+s31+$0x0], $0xffff;
	v58 =	vor.u32 v0, v31  }
0x2b9: {  	v31 =	vperm.xlane v33, v2;
	v2 =	vor.u32 v19, v13;
	v19 =	vmul.f32 v1, v36;
	v1 =	vld [tilespmem:$0x1F7E0];
	_ =	sdelay $0x2  }
0x2ba: {  	[tilespmem:$0x1F8B0] =	vst v58;
	v58 =	vperm.xlane v33, v49  }
0x2bb: {  	v55 =	vsel vm14, v8, v55  }
0x2bc: {  	v58 =	vsel vm13, v24, v58;
	v24 =	vmul.f32 v55, v1;
	v1 =	vld [tilespmem:$0x1F7F0];
	_ =	sdelay $0x4  }
0x2bd: {  	v42 =	vmul.f32 v42, v36;
	v36 =	vmul.f32 v1, v55;
	v1 =	vld [tilespmem:$0x1F800]  }
0x2be: {  	v49 =	vperm.xlane v33, v7  }
0x2bf: {  	[tilespmem:$0x1F9D0] =	vst v52;
	v47 =	vld.idx.msk [tilespmem:v47+s31+$0x0], $0xffff;
	v10 =	vperm.xlane v33, v10;
	v52 =	vperm.xlane v33, v4  }
0x2c0: {  	v4 =	vperm.xlane v33, v59;
	v29 =	vperm.xlane v33, v29  }
0x2c1: {  	[tilespmem:$0x1F890] =	vst v54;
	v54 =	vperm.xlane v33, v5;
	v33 =	vperm.xlane v33, v3;
	v3 =	vld [tilespmem:$0x1F810]  }
0x2c2: {  	v8 =	vsel vm9, v35, v4;
	v4 =	vld [tilespmem:$0x1F820];
	v1 =	vmul.f32 v58, v1;
	_ =	sdelay $0x1  }
0x2c3: {  	[tilespmem:$0x1FA70] =	vst v1;
	v1 =	vmul.f32 v47, v58  }
0x2c4: {  	v61 =	vsel vm12, v21, v61  }
0x2c5: {  	v47 =	vmul.f32 v61, v3;
	[tilespmem:$0x1FA80] =	vst v1;
	v1 =	vsel vm11, v43, v52  }
0x2c6: {  	v3 =	vsel vm10, v34, v54;
	v54 =	vmul.f32 v11, v1;
	v11 =	vsel vm8, v4, v49;
	v4 =	vld [tilespmem:$0x1F830];
	_ =	sdelay $0x4  }
0x2c7: {  	v23 =	vsel vm6, v4, v23;
	v4 =	vld.idx.msk [tilespmem:v6+s31+$0x0], $0xffff  }
0x2c8: {  	v6 =	vld [tilespmem:$0x1F840];
	_ =	sdelay $0x3  }
0x2c9: {  	v7 =	vld.idx.msk [tilespmem:v17+s31+$0x0], $0xffff  }
0x2ca: {  	v29 =	vsel vm0, v6, v29;
	v6 =	vld [tilespmem:$0x1F850];
	_ =	sdelay $0x3  }
0x2cb: {  	v21 =	vsel vm7, v41, v31;
	v41 =	vmul.f32 v23, v7;
	v7 =	vld [tilespmem:$0x1F870]  }
0x2cc: {  	v28 =	vsel vm5, v6, v28;
	v6 =	vld [tilespmem:$0x1F860]  }
0x2cd: {  	v40 =	vld.idx.msk [tilespmem:v40+s31+$0x0], $0xffff  }
0x2ce: {  	v17 =	vld.idx.msk [tilespmem:v20+s31+$0x0], $0xffff  }
0x2cf: {  	v49 =	vld [tilespmem:$0x1F8A0]  }
0x2d0: {  	v20 =	vld.idx.msk [tilespmem:v51+s31+$0x0], $0xffff  }
0x2d1: {  	v6 =	vsel vm4, v6, v9;
	v9 =	vsel vm3, v7, v12;
	v7 =	vld [tilespmem:$0x1F880]  }
0x2d2: {  	v51 =	vmul.f32 v1, v44;
	v44 =	vmul.f32 v46, v3;
	v46 =	vld.idx.msk [tilespmem:v56+s31+$0x0], $0xffff;
	_ =	sdelay $0x3  }
0x2d3: {  	v52 =	vmul.f32 v38, v61;
	v7 =	vsel vm2, v7, v10  }
0x2d4: {  	v38 =	vmul.f32 v28, v40;
	v40 =	vmul.f32 v7, v46;
	v46 =	vld.idx.msk [tilespmem:v49+s31+$0x0], $0xffff  }
0x2d5: {  	v37 =	vor.u32 v0, v37;
	v5 =	vor.u32 v0, v13;
	v49 =	vor.u32 v0, v50;
	v0 =	vld [tilespmem:$0x1F8C0];
	_ =	sdelay $0x3  }
0x2d6: {  	v60 =	vld.idx.msk [tilespmem:v60+s31+$0x0], $0xffff  }
0x2d7: {  	v15 =	vadd.f32 v15, v0;
	v0 =	vld [tilespmem:$0x1F8D0];
	_ =	sdelay $0x4  }
0x2d8: {  	v35 =	vmul.f32 v60, v8;
	v60 =	vadd.f32 v14, v0;
	v0 =	vld [tilespmem:$0x1F8E0];
	_ =	sdelay $0x3  }
0x2d9: {  	v63 =	vld.idx.msk [tilespmem:v63+s31+$0x0], $0xffff  }
0x2da: {  	v53 =	vld.idx.msk [tilespmem:v53+s31+$0x0], $0xffff  }
0x2db: {  	v45 =	vld.idx.msk [tilespmem:v45+s31+$0x0], $0xffff  }
0x2dc: {  	v39 =	vld.idx.msk [tilespmem:v39+s31+$0x0], $0xffff  }
0x2dd: {  	v50 =	vld.idx.msk [tilespmem:v0+s31+$0x0], $0xffff  }
0x2de: {  	v0 =	vld [tilespmem:$0x1F8F0];
	_ =	sdelay $0x2  }
0x2df: {  	v5 =	vld.idx.msk [tilespmem:v5+s31+$0x0], $0xffff  }
0x2e0: {  	v31 =	vmul.f32 v29, v39;
	v39 =	vmul.f32 v45, v9;
	v45 =	vld [tilespmem:$0x1F890]  }
0x2e1: {  	v43 =	vmul.f32 v3, v53;
	v53 =	vmul.f32 v63, v11;
	v63 =	vadd.f32 v19, v0;
	v0 =	vld [tilespmem:$0x1F900];
	_ =	sdelay $0x3  }
0x2e2: {  	v33 =	vsel vm1, v45, v33  }
0x2e3: {  	v42 =	vadd.f32 v42, v0;
	v0 =	vmul.f32 v5, v33;
	v5 =	vld [tilespmem:$0x1F910];
	_ =	sdelay $0x1  }
0x2e4: {  	v25 =	vld.idx.msk [tilespmem:v25+s31+$0x0], $0xffff  }
0x2e5: {  	v2 =	vld.idx.msk [tilespmem:v2+s31+$0x0], $0xffff;
	_ =	sdelay $0x3  }
0x2e6: {  	v34 =	vmul.f32 v11, v57;
	v57 =	vld [tilespmem:$0x1F8B0];
	v25 =	vmul.f32 v33, v25  }
0x2e7: {  	v4 =	vmul.f32 v4, v33;
	v2 =	vmul.f32 v2, v33;
	v33 =	vld.idx.msk [tilespmem:v5+s31+$0x0], $0xffff  }
0x2e8: {  	v5 =	vld [tilespmem:$0x1F920];
	_ =	sdelay $0x1  }
0x2e9: {  	v56 =	vmul.f32 v8, v48;
	v48 =	vld.idx.msk [tilespmem:v62+s31+$0x0], $0xffff;
	_ =	sdelay $0x4  }
0x2ea: {  	v45 =	vmul.f32 v48, v7;
	v48 =	vld.idx.msk [tilespmem:v57+s31+$0x0], $0xffff  }
0x2eb: {  	v57 =	vld.idx.msk [tilespmem:v5+s31+$0x0], $0xffff  }
0x2ec: {  	v5 =	vld [tilespmem:$0x1F930];
	_ =	sdelay $0x7  }
0x2ed: {  	v4 =	vadd.f32 v4, v60;
	v60 =	vld.idx.msk [tilespmem:v5+s31+$0x0], $0xffff  }
0x2ee: {  	v5 =	vld [tilespmem:$0x1F940];
	_ =	sdelay $0x7  }
0x2ef: {  	v2 =	vadd.f32 v2, v63;
	v63 =	vld.idx.msk [tilespmem:v5+s31+$0x0], $0xffff  }
0x2f0: {  	v5 =	vld [tilespmem:$0x1F950];
	_ =	sdelay $0x1  }
0x2f1: {  	v16 =	vld.idx.msk [tilespmem:v16+s31+$0x0], $0xffff;
	_ =	sdelay $0x3  }
0x2f2: {  	v37 =	vld.idx.msk [tilespmem:v37+s31+$0x0], $0xffff  }
0x2f3: {  	v13 =	vmul.f32 v16, v23;
	v16 =	vld.idx.msk [tilespmem:v22+s31+$0x0], $0xffff  }
0x2f4: {  	v15 =	vadd.f32 v25, v15;
	v25 =	vmul.f32 v46, v9;
	v46 =	vld.idx.msk [tilespmem:v5+s31+$0x0], $0xffff  }
0x2f5: {  	v5 =	vld [tilespmem:$0x1F960];
	_ =	sdelay $0x3  }
0x2f6: {  	v22 =	vmul.f32 v16, v7;
	v7 =	vmul.f32 v37, v7;
	v0 =	vadd.f32 v0, v42;
	_ =	sdelay $0x1  }
0x2f7: {  	v0 =	vadd.f32 v7, v0;
	v7 =	vmul.f32 v48, v9;
	_ =	sdelay $0x1  }
0x2f8: {  	v0 =	vadd.f32 v7, v0;
	v7 =	vld.idx.msk [tilespmem:v5+s31+$0x0], $0xffff  }
0x2f9: {  	v5 =	vld [tilespmem:$0x1F970];
	_ =	sdelay $0x7  }
0x2fa: {  	v48 =	vld.idx.msk [tilespmem:v5+s31+$0x0], $0xffff  }
0x2fb: {  	v5 =	vld [tilespmem:$0x1F980];
	_ =	sdelay $0x7  }
0x2fc: {  	v4 =	vadd.f32 v45, v4;
	v45 =	vmul.f32 v50, v6;
	v50 =	vld.idx.msk [tilespmem:v5+s31+$0x0], $0xffff  }
0x2fd: {  	v5 =	vld [tilespmem:$0x1F990]  }
0x2fe: {  	v32 =	vld.idx.msk [tilespmem:v32+s31+$0x0], $0xffff;
	_ =	sdelay $0x3  }
0x2ff: {  	v17 =	vmul.f32 v6, v17  }
0x300: {  	v32 =	vmul.f32 v32, v6;
	v6 =	vmul.f32 v33, v6;
	_ =	sdelay $0x1  }
0x301: {  	v0 =	vadd.f32 v6, v0;
	v6 =	vmul.f32 v60, v28;
	v60 =	vld.idx.msk [tilespmem:v5+s31+$0x0], $0xffff  }
0x302: {  	v5 =	vld [tilespmem:$0x1F9A0];
	_ =	sdelay $0x7  }
0x303: {  	v16 =	vmul.f32 v57, v28;
	v57 =	vmul.f32 v63, v29;
	v63 =	vld.idx.msk [tilespmem:v5+s31+$0x0], $0xffff  }
0x304: {  	v5 =	vld [tilespmem:$0x1F9B0];
	_ =	sdelay $0x3  }
0x305: {  	v18 =	vld.idx.msk [tilespmem:v18+s31+$0x0], $0xffff;
	v20 =	vmul.f32 v9, v20;
	v15 =	vadd.f32 v40, v15  }
0x306: {  	v30 =	vld.idx.msk [tilespmem:v30+s31+$0x0], $0xffff  }
0x307: {  	v40 =	vld.idx.msk [tilespmem:v49+s31+$0x0], $0xffff;
	v42 =	vadd.f32 v20, v15  }
0x308: {  	v27 =	vld.idx.msk [tilespmem:v27+s31+$0x0], $0xffff;
	v4 =	vadd.f32 v39, v4  }
0x309: {  	v10 =	vadd.f32 v17, v42;
	v33 =	vld.idx.msk [tilespmem:v5+s31+$0x0], $0xffff  }
0x30a: {  	v18 =	vmul.f32 v18, v28;
	v4 =	vadd.f32 v32, v4;
	v5 =	vld [tilespmem:$0x1F9C0]  }
0x30b: {  	v30 =	vmul.f32 v30, v29;
	v10 =	vadd.f32 v38, v10;
	v38 =	vld [tilespmem:$0x1F9D0]  }
0x30c: {  	v4 =	vadd.f32 v18, v4;
	v0 =	vadd.f32 v6, v0;
	v6 =	vmul.f32 v40, v29;
	v40 =	vld [tilespmem:$0x1F9E0]  }
0x30d: {  	v2 =	vadd.f32 v22, v2  }
0x30e: {  	v4 =	vadd.f32 v30, v4  }
0x30f: {  	v2 =	vadd.f32 v25, v2  }
0x310: {  	v26 =	vld.idx.msk [tilespmem:v26+s31+$0x0], $0xffff;
	v27 =	vmul.f32 v27, v21;
	v4 =	vadd.f32 v13, v4  }
0x311: {  	v2 =	vadd.f32 v45, v2;
	v45 =	vld [tilespmem:$0x1F9F0];
	v0 =	vadd.f32 v6, v0;
	v6 =	vmul.f32 v7, v23  }
0x312: {  	v10 =	vadd.f32 v31, v10;
	v7 =	vld.idx.msk [tilespmem:v5+s31+$0x0], $0xffff  }
0x313: {  	v4 =	vadd.f32 v27, v4;
	v39 =	vld.idx.msk [tilespmem:v38+s31+$0x0], $0xffff;
	v0 =	vadd.f32 v6, v0;
	v6 =	vmul.f32 v50, v21  }
0x314: {  	v2 =	vadd.f32 v16, v2;
	v5 =	vadd.f32 v41, v10;
	v41 =	vld.idx.msk [tilespmem:v40+s31+$0x0], $0xffff  }
0x315: {  	v0 =	vadd.f32 v6, v0;
	v6 =	vmul.f32 v63, v11  }
0x316: {  	v4 =	vadd.f32 v53, v4;
	v53 =	vld [tilespmem:$0x1FA10];
	v2 =	vadd.f32 v57, v2;
	v32 =	vmul.f32 v46, v23  }
0x317: {  	v26 =	vmul.f32 v21, v26;
	v0 =	vadd.f32 v6, v0;
	v6 =	vmul.f32 v7, v8  }
0x318: {  	v2 =	vadd.f32 v32, v2;
	v37 =	vmul.f32 v48, v21;
	v48 =	vld [tilespmem:$0x1FA00];
	v50 =	vmul.f32 v33, v8  }
0x319: {  	v46 =	vld.idx.msk [tilespmem:v45+s31+$0x0], $0xffff;
	v8 =	vmul.f32 v39, v3;
	v3 =	vmul.f32 v41, v3;
	v0 =	vadd.f32 v6, v0  }
0x31a: {  	v2 =	vadd.f32 v37, v2;
	v7 =	vld [tilespmem:$0x1FA20]  }
0x31b: {  	v42 =	vmul.f32 v60, v11;
	v5 =	vadd.f32 v26, v5;
	v0 =	vadd.f32 v3, v0;
	v3 =	vld [tilespmem:$0x1FA60]  }
0x31c: {  	v6 =	vld [tilespmem:$0x1FA40]  }
0x31d: {  	v2 =	vadd.f32 v42, v2;
	v5 =	vadd.f32 v34, v5  }
0x31e: {  	v11 =	vld.idx.msk [tilespmem:v53+s31+$0x0], $0xffff  }
0x31f: {  	v57 =	vld [tilespmem:$0x1FA30];
	v2 =	vadd.f32 v50, v2;
	v5 =	vadd.f32 v56, v5  }
0x320: {  	v9 =	vld.idx.msk [tilespmem:v48+s31+$0x0], $0xffff  }
0x321: {  	v60 =	vmul.f32 v46, v1;
	v63 =	vld [tilespmem:$0x1FA50];
	v2 =	vadd.f32 v8, v2;
	v5 =	vadd.f32 v43, v5  }
0x322: {  	v7 =	vld.idx.msk [tilespmem:v7+s31+$0x0], $0xffff  }
0x323: {  	v2 =	vadd.f32 v60, v2;
	v8 =	vld.idx.msk [tilespmem:v3+s31+$0x0], $0xffff;
	v3 =	vadd.f32 v51, v5;
	v5 =	vmul.f32 v11, v61  }
0x324: {  	v6 =	vld.idx.msk [tilespmem:v6+s31+$0x0], $0xffff  }
0x325: {  	v2 =	vadd.f32 v5, v2;
	v5 =	vld [tilespmem:$0x1FA70]  }
0x326: {  	v1 =	vmul.f32 v9, v1  }
0x327: {  	v4 =	vadd.f32 v35, v4  }
0x328: {  	v0 =	vadd.f32 v1, v0;
	v1 =	vmul.f32 v7, v61;
	v3 =	vadd.f32 v47, v3  }
0x329: {  	v4 =	vadd.f32 v44, v4;
	v12 =	vld.idx.msk [tilespmem:v57+s31+$0x0], $0xffff  }
0x32a: {  	v0 =	vadd.f32 v1, v0;
	v1 =	vmul.f32 v6, v58;
	v6 =	vadd.f32 v5, v3;
	v3 =	vld [tilespmem:$0x1FA80]  }
0x32b: {  	p1 =	sne.s32 s13, $0x70;
	v4 =	vadd.f32 v54, v4;
	v13 =	vld.idx.msk [tilespmem:v63+s31+$0x0], $0xffff  }
.Ltmp4:
0x32c: {  	_ = 	snop;
	(pc) =	sbr.rel @p1 .LBB2_8-.Ltmp4, $4  }
0x32d: {  	v62 =	vld [tilespmem:$0x1FF50];
	v4 =	vadd.f32 v52, v4  }
0x32e: {  	v49 =	vld [tilespmem:$0x1FF60];
	v7 =	vmul.f32 v12, v58  }
0x32f: {  	v28 =	vlaneseq.u32;
	v29 =	vld [tilespmem:$0x1FF00];
	v1 =	vadd.f32 v1, v0;
	v5 =	vadd.f32 v3, v4  }
0x330: {  	s13 =	smov.u32 s19;
	v56 =	vld [tilespmem:$0x1FF70];
	v4 =	vmul.f32 v13, v55;
	v3 =	vadd.f32 v7, v2;
	v2 =	vmul.f32 v8, v55  }
0x331: {  	v40 =	vld [tilespmem:$0x1FEF0];
	_ =	sdelay $0x2  }
0x332: {  	v0 =	vadd.f32 v24, v6;
	_ =	sdelay $0x1  }
0x333: {  	v0 =	vmul.f32 v40, v0;
	_ =	sdelay $0x1  }
0x334: {  	v6 =	vand.u32 $0x7FFFFFFF, v0  }
0x335: {  	v6 =	vsub.f32 $0.0e+00, v6;
	_ =	sdelay $0x1  }
0x336: {  	v6 =	vmul.f32 $1.442695020e+00, v6;
	_ =	sdelay $0x1  }
0x337: {  	(erf) = vpow2.f32 v6;
	_ =	sdelay $0x3  }
0x338: {  	v5 =	vadd.f32 v36, v5;
	_ =	sdelay $0x1  }
0x339: {  	v5 =	vsub.f32 $0.0e+00, v5;
	_ =	sdelay $0x1  }
0x33a: {  	v41 =	vand.u32 $0x7FFFFFFF, v5  }
0x33b: {  	v6 =	vsub.f32 $0.0e+00, v41;
	v7 =	vpop (erf)  }
0x33c: {  	v8 =	vadd.f32 $2.000000000e+00, v7  }
0x33d: {  	v6 =	vmul.f32 $1.442695020e+00, v6  }
0x33e: {  	(erf) = vrcp.f32 v8  }
0x33f: {  	(erf) = vpow2.f32 v6;
	_ =	sdelay $0x3  }
0x340: {  	v3 =	vadd.f32 v4, v3;
	_ =	sdelay $0x1  }
0x341: {  	v3 =	vsub.f32 $0.0e+00, v3;
	_ =	sdelay $0x1  }
0x342: {  	v43 =	vand.u32 $0x7FFFFFFF, v3;
	v42 =	vpop (erf)  }
0x343: {  	v6 =	vsub.f32 $0.0e+00, v43;
	v44 =	vpop (erf)  }
0x344: {  	v9 =	vadd.f32 $2.000000000e+00, v44  }
0x345: {  	v6 =	vmul.f32 $1.442695020e+00, v6  }
0x346: {  	(erf) = vrcp.f32 v9  }
0x347: {  	(erf) = vpow2.f32 v6;
	_ =	sdelay $0x3  }
0x348: {  	v1 =	vadd.f32 v2, v1;
	_ =	sdelay $0x1  }
0x349: {  	v1 =	vsub.f32 $0.0e+00, v1;
	_ =	sdelay $0x1  }
0x34a: {  	v45 =	vand.u32 $0x7FFFFFFF, v1;
	v2 =	vpop (erf)  }
0x34b: {  	v6 =	vsub.f32 $0.0e+00, v45;
	v46 =	vpop (erf)  }
0x34c: {  	v10 =	vadd.f32 $2.000000000e+00, v46  }
0x34d: {  	v6 =	vmul.f32 $1.442695020e+00, v6  }
0x34e: {  	(erf) = vrcp.f32 v10  }
0x34f: {  	(erf) = vpow2.f32 v6;
	_ =	sdelay $0x7  }
0x350: {  	v47 =	vpop (erf)  }
0x351: {  	v48 =	vpop (erf)  }
0x352: {  	v11 =	vadd.f32 $2.000000000e+00, v48;
	_ =	sdelay $0x1  }
0x353: {  	(erf) = vrcp.f32 v11;
	_ =	sdelay $0x4  }
0x354: {  	v4 =	vmul.f32 v42, v7;
	v2 =	vmul.f32 v2, v44;
	_ =	sdelay $0x1  }
0x355: {  	v7 =	vmul.f32 v4, v4;
	v8 =	vmul.f32 v2, v2  }
0x356: {  	v6 =	vmul.f32 v47, v46  }
0x357: {  	v50 =	vmul.f32 $1.111111120e-01, v7;
	v12 =	vmul.f32 $1.111111120e-01, v8;
	v51 =	vpop (erf)  }
0x358: {  	v53 =	vmul.f32 v6, v6;
	v9 =	vmul.f32 v51, v48  }
0x359: {  	v52 =	vadd.f32 $1.428571490e-01, v12;
	v11 =	vadd.f32 $1.428571490e-01, v50  }
0x35a: {  	v14 =	vmul.f32 $1.111111120e-01, v53;
	v13 =	vmul.f32 v9, v9  }
0x35b: {  	v10 =	vmul.f32 v52, v8;
	v11 =	vmul.f32 v11, v7  }
0x35c: {  	v14 =	vadd.f32 $1.428571490e-01, v14;
	v15 =	vmul.f32 $1.111111120e-01, v13  }
0x35d: {  	v10 =	vadd.f32 $2.000000030e-01, v10;
	v11 =	vadd.f32 $2.000000030e-01, v11  }
0x35e: {  	v14 =	vmul.f32 v14, v53;
	v15 =	vadd.f32 $1.428571490e-01, v15  }
0x35f: {  	v10 =	vmul.f32 v10, v8;
	v11 =	vmul.f32 v11, v7  }
0x360: {  	v14 =	vadd.f32 $2.000000030e-01, v14;
	v15 =	vmul.f32 v15, v13  }
0x361: {  	v10 =	vadd.f32 $3.333333430e-01, v10;
	v11 =	vadd.f32 $3.333333430e-01, v11  }
0x362: {  	v55 =	vmul.f32 v14, v53;
	v54 =	vadd.f32 $2.000000030e-01, v15  }
0x363: {  	v8 =	vmul.f32 v10, v8;
	v7 =	vmul.f32 v11, v7  }
0x364: {  	v2 =	vadd.f32 v2, v2;
	v10 =	vadd.f32 $3.333333430e-01, v55;
	v11 =	vmul.f32 v54, v13  }
0x365: {  	v4 =	vmul.f32 $-2.000000000e+00, v4;
	v8 =	vadd.f32 $1.000000000e+00, v8;
	v7 =	vadd.f32 $1.000000000e+00, v7  }
0x366: {  	v5 =	vmin.f32 v5, $0.0e+00;
	v57 =	vmul.f32 v10, v53;
	v11 =	vadd.f32 $3.333333430e-01, v11  }
0x367: {  	v0 =	vmin.f32 v0, $0.0e+00;
	v2 =	vmul.f32 v8, v2;
	v4 =	vmul.f32 v7, v4  }
0x368: {  	v6 =	vadd.f32 v6, v6;
	v7 =	vadd.f32 $1.000000000e+00, v57;
	v58 =	vmul.f32 v11, v13  }
0x369: {  	v2 =	vsub.f32 v5, v2;
	v0 =	vadd.f32 v4, v0  }
0x36a: {  	v63 =	vadd.f32 v9, v9;
	v60 =	vmul.f32 v7, v6;
	v61 =	vadd.f32 $1.000000000e+00, v58  }
0x36b: {  	v3 =	vmin.f32 v3, $0.0e+00;
	v0 =	vnsel vm4, $0x0, v0  }
0x36c: {  	v0 =	vadd.f32 v2, v0;
	v2 =	vsub.f32 v3, v60;
	v3 =	vmul.f32 v61, v63  }
0x36d: {  	v1 =	vmin.f32 v1, $0.0e+00  }
0x36e: {  	v0 =	vadd.f32 v2, v0;
	v1 =	vsub.f32 v1, v3;
	_ =	sdelay $0x1  }
0x36f: {  	v0 =	vadd.f32 v1, v0;
	_ =	sdelay $0x1  }
0x370: {  	(xrf2) =	vadd.scan.msk.f32 $0xffff, v0;
	_ =	sdelay $0x9  }
0x371: {  	v0, _, _ =	vpop (xrf2)  }
0x372: {  	(v2sf) =	vpush v0, $0xF;
	_ =	sdelay $0x5  }
0x373: {  	v31 =	vld [tilespmem:$0x1FF90]  }
0x374: {  	v25 =	vld [tilespmem:$0x1FF10]  }
0x375: {  	v39 =	vld [tilespmem:$0x1FF20]  }
0x376: {  	v30 =	vld [tilespmem:$0x1FF30]  }
0x377: {  	v44 =	vld [tilespmem:$0x1FFA0]  }
0x378: {  	v52 =	vld [tilespmem:$0x1FFB0]  }
0x379: {  	s12 =	sadd.s32 $0x1, s12;
	v0 =	vld [tilespmem:$0x1FAA0]  }
0x37a: {  	p1 =	sne.s32 s12, $0x8;
	v2 =	vld [tilespmem:$0x1FA90]  }
.Ltmp5:
0x37b: {  	v47 =	vld [tilespmem:$0x1FF40];
	(pc) =	sbr.rel @p1 .LBB2_7-.Ltmp5, $4  }
0x37c: {  	v55 =	vld [tilespmem:$0x1FFE0];
	s3 =	spop (v2sf)  }
0x37d: {  	v53 =	vld [tilespmem:$0x1FFC0];
	s3 =	ssub.f32 $0.0e+00, s3  }
0x37e: {  	v54 =	vld [tilespmem:$0x1FFD0];
	vm15 =	veq.s32 v0, v28  }
0x37f: {  	v63 =	vld [tilespmem:$0x1FF80];
	v2 =	vsel vm15, s3, v2  }
0x380: {  	v1 =	vld [tilespmem:$0x1FEE0];
	_ =	sdelay $0x1  }
0x381: {  	s3 =	sor.u32 $0x8, s10  }
0x382: {  	v0 =	vadd.s32 s3, v28  }
0x383: {  	v0 =	vand.u32 $0x3F8, v0  }
0x384: {  	v0 =	vor.u32 v1, v0  }
.Ltmp6:
0x385: {  	_ = 	snop;
	(pc) =	sbr.rel @p0 .LBB2_12-.Ltmp6, $2  }
0x386: {  	_ =	sdelay $0x2  }
0x387: {  	[tilespmem:v0+s25+$0x0] =	vst.idx.msk $0xff, v2  }
0x388: {  	_ =	swait.ge [sflag:s20], $0x8  }
0x389: {  	[sflag:s20] =	ssyncset.done $0x0  }
0x38a: {  	[sflag:s20] =	ssyncadd.s32 $0xFFFFFFF8  }
0x38b: {  	_ =	swait.ge [sflag:s20], $0x50  }
0x38c: {  	[sflag:s20] =	ssyncset.done $0x0  }
0x38d: {  	[sflag:s20] =	ssyncadd.s32 $0xFFFFFFB0  }
0x38e: {  	_ =	swait.ge [sflag:s20], $0x190  }
0x38f: {  	[sflag:s20] =	ssyncset.done $0x0  }
0x390: {  	[sflag:s20] =	ssyncadd.s32 $0xFFFFFE70  }
0x391: {  	[tilespmem:s30], [sflag:$0x2] =	stream.indirect.gather [hbm4b:s1+s18], $0x80, s26, s18, $0xb8;
	[tilespmem:$0x1EDD0] =	vst v63  }
.Ltmp7:
0x392: {  	_ = 	snop;
	(pc) =	sbr.rel .LBB2_2-.Ltmp7, $4  }
0x393: {  	_ = 	snop  }
0x394: {  	[tilespmem:s31], [sflag:$0x2] =	stream.indirect.gather [hbm4b:s2+s22], $0x80, s28, s22, $0xb8;
	[tilespmem:$0x1EDD0] =	vst v63  }
0x395: {  	s3 =	simm.s32 $0x123D0;
	s9 =	sadd.s32 $0x1, s9  }
0x396: {  	[tilespmem:s3], [sflag:$0x2] =	stream.indirect.gather [hbm4b:s2+s24], $0x80, s29, s24, $0xb8;
	[tilespmem:$0x1EDD0] =	vst v63  }
.LBB2_13:
0x397: {  	_ =	sfence.sel $0x180000  }
0x398: {  	[bflag:$0x0] =	sbarrier.arrive $0xFFFF  }
0x399: {  	_ =	strace $0x90000047  }
0x39a: {  	s0 =	stileid.u32;
	[bflag:$0x2] =	sbarrier.arrive $0xFFFF  }
0x39b: {  	p0 =	sne.s32 s0, $0x0;
	s0 =	rddreg [dreg:$0x5]  }
0x39c: {  	s0 =	sadd.s32 @!p0 $0x100000, s0  }
0x39d: {  	[sflag:s0] =	ssyncadd.tile.s32 @!p0 $0x1;
	_ =	shalt  }
.Lfunc_end2:
_tile_overlayer_lowered:
.L_overlay_start_2:
0x39e: {  	(tag) =	ssettag $0x2  }
0x39f: {  	s0 =	rddreg [dreg:$0x0];
	s2 =	stileid.u32  }
0x3a0: {  	s1 =	rddreg [dreg:$0x1];
	p0 =	sne.s32 s2, $0x0  }
0x3a1: {  	s3 =	rddreg [dreg:$0x2];
	[bflag:$0x3] =	sbarrier.arrive $0xFFFF;
	s2 =	simm.s32 @!p0 $0x1C04  }
0x3a2: {  	[timem:s3], [sflag:s2] =	dma.local @!p0 [hbm:s0], s1  }
0x3a3: {  	s0 =	simm.s32 @!p0 $0x4  }
0x3a4: {  	_ =	swait.ge @!p0 [sflag:s0], s1  }
0x3a5: {  	s1 =	ssub.s32 @!p0 $0x0, s1;
	[sflag:s0] =	ssyncset.done @!p0 $0x0  }
0x3a6: {  	[sflag:s0] =	ssyncadd.s32 @!p0 s1  }
0x3a7: {  	[bflag:$0x3] =	sbarrier.arrive $0xFFFF  }
0x3a8: {  	_ =	shalt  }

</sc_bundles>
